<compile_context>
chip_gen: v7x
topology: tpu7x:2x2x1
jax: 0.10.2.dev20260603
libtpu: 0.0.44.dev20260713+nightly
codegen_flags: <defaults>
</compile_context>

<pallas_src>
import functools

import jax
import jax.numpy as jnp
from jax import lax
from jax.experimental import pallas as pl
from jax.experimental.pallas import tpu as pltpu
from jax.experimental.pallas import tpu_sc as plsc

N = 10000
E = 320000
G = 64
H = 256
C = 32
NSUB = 16
K = 100

_EDGES_PER_SUB = E // NSUB
_CHUNKS = 200
IB = 50
_L1_CHUNKS = 100
_L1_IB = 50
N_PAD = 10240
_ROWS_PER_SUB = N_PAD // NSUB
RB = 400
NB = N // RB
PREC = lax.Precision.HIGHEST



def _sc_agg_impl(table, src4, dst4, zeros_half, nblocks, ib, dst_by_worker):
    half = table.shape[1]
    mesh = plsc.VectorSubcoreMesh(core_axis_name="c", subcore_axis_name="s")

    @functools.partial(
        pl.kernel,
        out_type=jax.ShapeDtypeStruct((2, N_PAD, half), jnp.float32),
        mesh=mesh,
        scratch_types=[
            pltpu.VMEM((ib, K), jnp.int32),
            pltpu.VMEM((ib, K), jnp.int32),
            pltpu.VMEM((K, half), jnp.float32),
            pltpu.VMEM((K, half), jnp.float32),
            pltpu.VMEM_SHARED((N_PAD, half), jnp.float32),
            pltpu.SemaphoreType.DMA,
            pltpu.SemaphoreType.DMA,
            pltpu.SemaphoreType.DMA,
            pltpu.SemaphoreType.DMA,
        ],
    )
    def agg_kernel(h_hbm, src_hbm, dst_hbm, z_hbm, out_hbm,
                   src_v, dst_v, b0, b1, acc,
                   g0, g1, s0, s1):
        c = lax.axis_index("c")
        s = lax.axis_index("s")
        w = c * NSUB + s
        dw = w if dst_by_worker else s
        bufs = (b0, b1)
        gsems = (g0, g1)
        ssems = (s0, s1)
        nbuf = 2
        pltpu.sync_copy(src_hbm.at[w, 0], src_v)
        pltpu.sync_copy(dst_hbm.at[dw, 0], dst_v)
        for b in range(nbuf):
            pltpu.async_copy(h_hbm.at[src_v.at[b]], bufs[b], gsems[b])
        pltpu.sync_copy(z_hbm.at[pl.ds(s * _ROWS_PER_SUB, _ROWS_PER_SUB)],
                        acc.at[pl.ds(s * _ROWS_PER_SUB, _ROWS_PER_SUB)])
        plsc.subcore_barrier()

        @pl.loop(0, nblocks)
        def _(j):
            @pl.when(j > 0)
            def _():
                pltpu.sync_copy(src_hbm.at[w, j], src_v)
                pltpu.sync_copy(dst_hbm.at[dw, j], dst_v)
                for b in range(nbuf):
                    pltpu.async_copy(h_hbm.at[src_v.at[b]], bufs[b], gsems[b])

            @pl.loop(0, ib // nbuf - 1)
            def _(p):
                i = nbuf * p
                for b in range(nbuf):
                    pltpu.make_async_copy(
                        h_hbm.at[src_v.at[i + b]], bufs[b], gsems[b]).wait()
                    pltpu.async_copy(
                        bufs[b], acc.at[dst_v.at[i + b]], ssems[b], add=True)
                for b in range(nbuf):
                    pltpu.make_async_copy(
                        bufs[b], acc.at[dst_v.at[i + b]], ssems[b]).wait()
                    pltpu.async_copy(
                        h_hbm.at[src_v.at[i + nbuf + b]], bufs[b], gsems[b])

            i = ib - nbuf
            for b in range(nbuf):
                pltpu.make_async_copy(
                    h_hbm.at[src_v.at[i + b]], bufs[b], gsems[b]).wait()
                pltpu.async_copy(
                    bufs[b], acc.at[dst_v.at[i + b]], ssems[b], add=True)
            for b in range(nbuf):
                pltpu.make_async_copy(
                    bufs[b], acc.at[dst_v.at[i + b]], ssems[b]).wait()

        plsc.subcore_barrier()
        pltpu.sync_copy(acc.at[pl.ds(s * _ROWS_PER_SUB, _ROWS_PER_SUB)],
                        out_hbm.at[c, pl.ds(s * _ROWS_PER_SUB, _ROWS_PER_SUB)])

    return agg_kernel(table, src4, dst4, zeros_half)


def _sc_agg(h_stacked, src4, dst4, zeros_half):
    return _sc_agg_impl(h_stacked, src4, dst4, zeros_half,
                        _CHUNKS // IB, IB, dst_by_worker=False)


def _sc_agg_edges(x, src4, dst4, zeros128):
    return _sc_agg_impl(x, src4, dst4, zeros128,
                        _L1_CHUNKS // _L1_IB, _L1_IB, dst_by_worker=True)



def _mlp_bn_body(halves, hA, hB, aA, aB, W1r, b1r, W2r, b2r, scr, gmr, btr,
                 hn_ref, y_scr, ssum, ssq):
    t = pl.program_id(0)

    @pl.when(t < NB)
    def _():
        e = scr[0, 0]
        if halves:
            z = jnp.concatenate([e * hA[0] + aA[0], e * hB[0] + aB[0]], axis=1)
        else:
            z = e * jnp.concatenate([hA[...], hB[...]], axis=1) + aA[0] + aB[0]
        tt = jnp.maximum(
            jnp.dot(z, W1r[...], precision=PREC, preferred_element_type=jnp.float32)
            + b1r[...], 0.0)
        y = jnp.maximum(
            jnp.dot(tt, W2r[...], precision=PREC, preferred_element_type=jnp.float32)
            + b2r[...], 0.0)
        y_scr[pl.ds(t * RB, RB), :] = y

        @pl.when(t == 0)
        def _():
            ssum[...] = jnp.zeros_like(ssum)
            ssq[...] = jnp.zeros_like(ssq)

        ssum[...] += jnp.sum(y, axis=0, keepdims=True)
        ssq[...] += jnp.sum(y * y, axis=0, keepdims=True)

    @pl.when(t >= NB)
    def _():
        i = t - NB
        y = y_scr[pl.ds(i * RB, RB), :]
        mu = ssum[...] * (1.0 / N)
        var = ssq[...] * (1.0 / N) - mu * mu
        a = gmr[...] / jnp.sqrt(var + 1e-5)
        bb = btr[...] - mu * a
        hn = y * a + bb
        hn_ref[...] = jnp.stack([hn[:, :H // 2], hn[:, H // 2:]], axis=0)


def _mlp_bn_layer(hin, hinB, agg3d, W1, b1, W2, b2, scal, gamma, beta, halves):
    fa = agg3d.shape[2]

    def rowix(t):
        return jnp.where(t < NB, t, NB - 1)

    if halves:
        h_specs = [
            pl.BlockSpec((1, RB, H // 2), lambda t: (0, rowix(t), 0)),
            pl.BlockSpec((1, RB, H // 2), lambda t: (1, rowix(t), 0)),
        ]
    else:
        fin = hin.shape[1]
        h_specs = [
            pl.BlockSpec((RB, fin), lambda t: (rowix(t), 0)),
            pl.BlockSpec((RB, fin), lambda t: (rowix(t) + NB, 0)),
        ]
    return pl.pallas_call(
        functools.partial(_mlp_bn_body, halves),
        grid=(2 * NB,),
        in_specs=h_specs + [
            pl.BlockSpec((1, RB, fa), lambda t: (0, rowix(t), 0)),
            pl.BlockSpec((1, RB, fa), lambda t: (1, rowix(t), 0)),
            pl.BlockSpec(W1.shape, lambda t: (0, 0)),
            pl.BlockSpec((1, H), lambda t: (0, 0)),
            pl.BlockSpec((H, H), lambda t: (0, 0)),
            pl.BlockSpec((1, H), lambda t: (0, 0)),
            pl.BlockSpec((1, 128), lambda t: (0, 0)),
            pl.BlockSpec((1, H), lambda t: (0, 0)),
            pl.BlockSpec((1, H), lambda t: (0, 0)),
        ],
        out_specs=pl.BlockSpec((2, RB, H // 2),
                               lambda t: (0, jnp.where(t >= NB, t - NB, 0), 0)),
        out_shape=jax.ShapeDtypeStruct((2, N, H // 2), jnp.float32),
        scratch_shapes=[
            pltpu.VMEM((N, H), jnp.float32),
            pltpu.VMEM((1, H), jnp.float32),
            pltpu.VMEM((1, H), jnp.float32),
        ],
    )(hin, hinB, agg3d, agg3d, W1, b1, W2, b2, scal, gamma, beta)


def _pool_body(h1a, h1b, h2a, h2b, h3a, h3b, h4a, h4b, bt,
               W1r, b1r, W2r, b2r, out, acc, cnt):
    i = pl.program_id(0)
    hb = jnp.concatenate(
        [r[0] for r in (h1a, h1b, h2a, h2b, h3a, h3b, h4a, h4b)], axis=1)
    ohT = (bt[0] == lax.broadcasted_iota(jnp.int32, (G, RB), 0)).astype(jnp.float32)

    @pl.when(i == 0)
    def _():
        acc[...] = jnp.zeros_like(acc)
        cnt[...] = jnp.zeros_like(cnt)

    acc[...] += lax.dot_general(ohT, hb, (((1,), (0,)), ((), ())),
                                precision=PREC, preferred_element_type=jnp.float32)
    cnt[...] += lax.dot_general(ohT, jnp.ones((RB, 1), jnp.float32),
                                (((1,), (0,)), ((), ())),
                                precision=PREC, preferred_element_type=jnp.float32)

    @pl.when(i == NB - 1)
    def _():
        pooled = acc[...] / jnp.maximum(cnt[...], 1.0)
        zz = jnp.maximum(
            jnp.dot(pooled, W1r[...], precision=PREC,
                    preferred_element_type=jnp.float32) + b1r[...], 0.0)
        lg = jnp.dot(zz, W2r[...], precision=PREC,
                     preferred_element_type=jnp.float32) + b2r[...]
        m = jnp.max(lg, axis=1, keepdims=True)
        out[...] = lg - m - jnp.log(jnp.sum(jnp.exp(lg - m), axis=1, keepdims=True))


def _pool_head(hs, batch3d, W1, b1, W2, b2):
    in_specs = []
    args = []
    for h in hs:
        args += [h, h]
        in_specs += [pl.BlockSpec((1, RB, H // 2), lambda i: (0, i, 0)),
                     pl.BlockSpec((1, RB, H // 2), lambda i: (1, i, 0))]
    args += [batch3d, W1, b1, W2, b2]
    in_specs += [
        pl.BlockSpec((1, 1, RB), lambda i: (i, 0, 0)),
        pl.BlockSpec((4 * H, H), lambda i: (0, 0)),
        pl.BlockSpec((1, H), lambda i: (0, 0)),
        pl.BlockSpec((H, C), lambda i: (0, 0)),
        pl.BlockSpec((1, C), lambda i: (0, 0)),
    ]
    return pl.pallas_call(
        _pool_body,
        grid=(NB,),
        in_specs=in_specs,
        out_specs=pl.BlockSpec((G, C), lambda i: (0, 0)),
        out_shape=jax.ShapeDtypeStruct((G, C), jnp.float32),
        scratch_shapes=[
            pltpu.VMEM((G, 4 * H), jnp.float32),
            pltpu.VMEM((G, 1), jnp.float32),
        ],
    )(*args)



def kernel(x, edge_index, batch, params, lin1_W, lin1_b, lin2_W, lin2_b):
    x = x.astype(jnp.float32)
    src = edge_index[0].astype(jnp.int32)
    dst = edge_index[1].astype(jnp.int32)
    nw = 2 * NSUB
    pad_l1 = _L1_CHUNKS * K - E // nw
    src_w1 = jnp.concatenate(
        [src.reshape(nw, E // nw), jnp.zeros((nw, pad_l1), jnp.int32)], axis=1)
    padrow1 = N + jnp.arange(nw, dtype=jnp.int32)[:, None]
    dst_w1 = jnp.concatenate(
        [dst.reshape(nw, E // nw),
         jnp.broadcast_to(padrow1, (nw, pad_l1))], axis=1)
    src4d_l1 = src_w1.reshape(nw, _L1_CHUNKS // _L1_IB, _L1_IB, K)
    dst4d_l1 = dst_w1.reshape(nw, _L1_CHUNKS // _L1_IB, _L1_IB, K)
    pad_h = _CHUNKS * K - _EDGES_PER_SUB
    src_w = jnp.concatenate(
        [src.reshape(NSUB, _EDGES_PER_SUB), jnp.zeros((NSUB, pad_h), jnp.int32)],
        axis=1)
    padrow = N + jnp.arange(NSUB, dtype=jnp.int32)[:, None]
    dst_w = jnp.concatenate(
        [dst.reshape(NSUB, _EDGES_PER_SUB),
         jnp.broadcast_to(padrow, (NSUB, pad_h))], axis=1)
    src4d = jnp.concatenate([src_w, src_w + N]).reshape(nw, _CHUNKS // IB, IB, K)
    dst4d = dst_w.reshape(NSUB, _CHUNKS // IB, IB, K)
    batch3d = batch.astype(jnp.int32).reshape(NB, 1, RB)
    z128 = jnp.zeros((N_PAD, H // 2), jnp.float32)

    fin_half = x.shape[1] // 2
    h_stacked = x.reshape(N, 2, fin_half).transpose(1, 0, 2).reshape(2 * N, fin_half)

    hs = []
    h3 = None
    for li, p in enumerate(params):
        if li == 0:
            agg = _sc_agg_edges(x, src4d_l1, dst4d_l1, z128)
            hin = hinB = h_stacked
        else:
            agg = _sc_agg(h3.reshape(2 * N, H // 2), src4d, dst4d, z128)
            hin = hinB = h3
        scal = jnp.broadcast_to(jnp.reshape(1.0 + p['eps'], (1, 1)), (1, 128))
        h3 = _mlp_bn_layer(hin, hinB, agg,
                           p['W1'], p['b1'].reshape(1, H),
                           p['W2'], p['b2'].reshape(1, H), scal,
                           p['gamma'].reshape(1, H), p['beta'].reshape(1, H),
                           halves=(li != 0))
        hs.append(h3)

    return _pool_head(hs, batch3d, lin1_W, lin1_b.reshape(1, H),
                      lin2_W, lin2_b.reshape(1, C))

# --- scband reference (transcript-rebuilt; emitter-appended) ---
"""Pipeline reference for scband-ginwith-jk-14285061227136 (READ-ONLY COPY).

The authoritative reference and input builder live on the scoring server;
editing this copy changes nothing except your own understanding.
"""

import jax, jax.numpy as jnp
import numpy as np

N = 10000
E = 320000
F_IN = 128
H = 256
L = 4
C = 32
G = 64


def setup_inputs(seed: int = 0) -> dict:
    key = jax.random.key(seed)
    ks = jax.random.split(key, 16)
    x = jax.random.normal(ks[0], (N, F_IN), dtype=jnp.float32)
    edge_index = jax.random.randint(ks[1], (2, E), 0, N)
    batch = jnp.sort(jax.random.randint(ks[2], (N,), 0, G))
    dims = [F_IN] + [H] * (L - 1)
    params = []
    for i, d in enumerate(dims):
        k1 = ks[3 + 2 * i]
        k2 = ks[4 + 2 * i]
        params.append({
            'W1': jax.random.normal(k1, (d, H), dtype=jnp.float32) * 0.05,
            'b1': jnp.zeros((H,), dtype=jnp.float32),
            'W2': jax.random.normal(k2, (H, H), dtype=jnp.float32) * 0.05,
            'b2': jnp.zeros((H,), dtype=jnp.float32),
            'gamma': jnp.ones((H,), dtype=jnp.float32),
            'beta': jnp.zeros((H,), dtype=jnp.float32),
            'eps': jnp.zeros((), dtype=jnp.float32),
        })
    lin1_W = jax.random.normal(ks[11], (L * H, H), dtype=jnp.float32) * 0.05
    lin1_b = jnp.zeros((H,), dtype=jnp.float32)
    lin2_W = jax.random.normal(ks[12], (H, C), dtype=jnp.float32) * 0.05
    lin2_b = jnp.zeros((C,), dtype=jnp.float32)
    return {'x': x, 'edge_index': edge_index, 'batch': batch, 'params': params,
            'lin1_W': lin1_W, 'lin1_b': lin1_b, 'lin2_W': lin2_W, 'lin2_b': lin2_b}


def _gin_layer(h, edge_index, p):
    src, dst = edge_index[0], edge_index[1]
    agg = jnp.zeros_like(h).at[dst].add(h[src])
    z = (1.0 + p['eps']) * h + agg
    z = jnp.maximum(z @ p['W1'] + p['b1'], 0.0)
    z = jnp.maximum(z @ p['W2'] + p['b2'], 0.0)
    mu = jnp.mean(z, axis=0)
    var = jnp.var(z, axis=0)
    z = (z - mu) / jnp.sqrt(var + 1e-5) * p['gamma'] + p['beta']
    return z


def reference(x, edge_index, batch, params, lin1_W, lin1_b, lin2_W, lin2_b):
    h = x
    xs = []
    for p in params:
        h = _gin_layer(h, edge_index, p)
        xs.append(h)
    h = jnp.concatenate(xs, axis=1)
    sums = jax.ops.segment_sum(h, batch, num_segments=G)
    counts = jax.ops.segment_sum(jnp.ones((h.shape[0], 1), h.dtype), batch, num_segments=G)
    pooled = sums / jnp.maximum(counts, 1.0)
    z = jnp.maximum(pooled @ lin1_W + lin1_b, 0.0)
    logits = z @ lin2_W + lin2_b
    return logits - jax.scipy.special.logsumexp(logits, axis=-1, keepdims=True)

if __name__ == "__main__":
    import jax
    _d = setup_inputs()
    print(jax.jit(kernel)(*tuple(_d.values())))

</pallas_src>

<mosaic_0001>
#map = affine_map<(d0, d1) -> (0, 0)>
#map1 = affine_map<(d0, d1) -> (0, 0, 0, 0)>
#map2 = affine_map<(d0, d1) -> (0, 0, 0)>
module attributes {stable_mosaic.version = 14 : i64} {
  func.func @agg_kernel(%arg0: i32, %arg1: i32, %arg2: memref<20000x128xf32, #tpu.memory_space<hbm>>, %arg3: memref<32x4x50x100xi32, #tpu.memory_space<hbm>>, %arg4: memref<16x4x50x100xi32, #tpu.memory_space<hbm>>, %arg5: memref<10240x128xf32, #tpu.memory_space<hbm>>, %arg6: memref<2x10240x128xf32, #tpu.memory_space<hbm>>, %arg7: memref<50x100xi32, #tpu.memory_space<vmem>>, %arg8: memref<50x100xi32, #tpu.memory_space<vmem>>, %arg9: memref<100x128xf32, #tpu.memory_space<vmem>>, %arg10: memref<100x128xf32, #tpu.memory_space<vmem>>, %arg11: memref<10240x128xf32, #tpu.memory_space<vmem_shared>>, %arg12: memref<!tpu.dma_semaphore, #tpu.memory_space<semaphore_mem>>, %arg13: memref<!tpu.dma_semaphore, #tpu.memory_space<semaphore_mem>>, %arg14: memref<!tpu.dma_semaphore, #tpu.memory_space<semaphore_mem>>, %arg15: memref<!tpu.dma_semaphore, #tpu.memory_space<semaphore_mem>>) attributes {dimension_semantics = [#tpu.dimension_semantics<core_parallel>, #tpu.dimension_semantics<subcore_parallel>], iteration_bounds = array<i64: 2, 16>, scalar_prefetch = 0 : i64, scratch_operands = 9 : i64, tpu.core_type = #tpu.core_type<sc_vector_subcore>, window_params = [{transform_indices = #map}, {transform_indices = #map1}, {transform_indices = #map1}, {transform_indices = #map}, {transform_indices = #map2}]} {
    %mul3A = arith.constant 16 : i32
    %mul3A_0 = arith.muli %arg0, %mul3A : i32
    %add3A = arith.addi %mul3A_0, %arg1 : i32
    %run_scoped3A = arith.constant 0 : i32
    "tpu.region"() ({
      %run_scoped3A_28 = tpu.sem_alloc : memref<!tpu.dma_semaphore, #tpu.memory_space<semaphore_mem>>
      %dma_start3A_29 = arith.constant 0 : i32
      %dma_start3A_30 = arith.constant 0 : i32
      %dma_start3A_31 = tpu.memref_slice %arg3[%add3A, %run_scoped3A, %dma_start3A_29, %dma_start3A_30] : memref<32x4x50x100xi32, #tpu.memory_space<hbm>> -> memref<1x1x50x100xi32, #tpu.memory_space<hbm>>
      %dma_start3A_32 = tpu.memref_squeeze %dma_start3A_31 : memref<1x1x50x100xi32, #tpu.memory_space<hbm>> -> memref<50x100xi32, #tpu.memory_space<hbm>>
      %dma_start3A_33 = arith.constant 0 : i32
      %dma_start3A_34 = arith.constant 0 : i32
      %dma_start3A_35 = tpu.memref_slice %arg3[%add3A, %run_scoped3A, %dma_start3A_33, %dma_start3A_34] : memref<32x4x50x100xi32, #tpu.memory_space<hbm>> -> memref<1x1x50x100xi32, #tpu.memory_space<hbm>>
      %dma_start3A_36 = tpu.memref_squeeze %dma_start3A_35 : memref<1x1x50x100xi32, #tpu.memory_space<hbm>> -> memref<50x100xi32, #tpu.memory_space<hbm>>
      tpu.enqueue_dma source(%dma_start3A_36 : memref<50x100xi32, #tpu.memory_space<hbm>>) target(%arg7 : memref<50x100xi32, #tpu.memory_space<vmem>>) target_semaphore(%run_scoped3A_28 : memref<!tpu.dma_semaphore, #tpu.memory_space<semaphore_mem>>)
      %dma_wait3A = arith.constant 0 : i32
      %dma_wait3A_37 = arith.constant 0 : i32
      %dma_wait3A_38 = tpu.memref_slice %arg3[%add3A, %run_scoped3A, %dma_wait3A, %dma_wait3A_37] : memref<32x4x50x100xi32, #tpu.memory_space<hbm>> -> memref<1x1x50x100xi32, #tpu.memory_space<hbm>>
      %dma_wait3A_39 = tpu.memref_squeeze %dma_wait3A_38 : memref<1x1x50x100xi32, #tpu.memory_space<hbm>> -> memref<50x100xi32, #tpu.memory_space<hbm>>
      %dma_wait3A_40 = arith.constant 0 : i32
      %dma_wait3A_41 = arith.constant 0 : i32
      %dma_wait3A_42 = tpu.memref_slice %arg3[%add3A, %run_scoped3A, %dma_wait3A_40, %dma_wait3A_41] : memref<32x4x50x100xi32, #tpu.memory_space<hbm>> -> memref<1x1x50x100xi32, #tpu.memory_space<hbm>>
      %dma_wait3A_43 = tpu.memref_squeeze %dma_wait3A_42 : memref<1x1x50x100xi32, #tpu.memory_space<hbm>> -> memref<50x100xi32, #tpu.memory_space<hbm>>
      tpu.wait_dma2 semaphore(%run_scoped3A_28 : memref<!tpu.dma_semaphore, #tpu.memory_space<semaphore_mem>>) src(%dma_wait3A_43 : memref<50x100xi32, #tpu.memory_space<hbm>>) dst(%arg7 : memref<50x100xi32, #tpu.memory_space<vmem>>)
      tpu.yield
    }) : () -> ()
    %run_scoped3A_1 = arith.constant 0 : i32
    "tpu.region"() ({
      %run_scoped3A_28 = tpu.sem_alloc : memref<!tpu.dma_semaphore, #tpu.memory_space<semaphore_mem>>
      %dma_start3A_29 = arith.constant 0 : i32
      %dma_start3A_30 = arith.constant 0 : i32
      %dma_start3A_31 = tpu.memref_slice %arg4[%arg1, %run_scoped3A_1, %dma_start3A_29, %dma_start3A_30] : memref<16x4x50x100xi32, #tpu.memory_space<hbm>> -> memref<1x1x50x100xi32, #tpu.memory_space<hbm>>
      %dma_start3A_32 = tpu.memref_squeeze %dma_start3A_31 : memref<1x1x50x100xi32, #tpu.memory_space<hbm>> -> memref<50x100xi32, #tpu.memory_space<hbm>>
      %dma_start3A_33 = arith.constant 0 : i32
      %dma_start3A_34 = arith.constant 0 : i32
      %dma_start3A_35 = tpu.memref_slice %arg4[%arg1, %run_scoped3A_1, %dma_start3A_33, %dma_start3A_34] : memref<16x4x50x100xi32, #tpu.memory_space<hbm>> -> memref<1x1x50x100xi32, #tpu.memory_space<hbm>>
      %dma_start3A_36 = tpu.memref_squeeze %dma_start3A_35 : memref<1x1x50x100xi32, #tpu.memory_space<hbm>> -> memref<50x100xi32, #tpu.memory_space<hbm>>
      tpu.enqueue_dma source(%dma_start3A_36 : memref<50x100xi32, #tpu.memory_space<hbm>>) target(%arg8 : memref<50x100xi32, #tpu.memory_space<vmem>>) target_semaphore(%run_scoped3A_28 : memref<!tpu.dma_semaphore, #tpu.memory_space<semaphore_mem>>)
      %dma_wait3A = arith.constant 0 : i32
      %dma_wait3A_37 = arith.constant 0 : i32
      %dma_wait3A_38 = tpu.memref_slice %arg4[%arg1, %run_scoped3A_1, %dma_wait3A, %dma_wait3A_37] : memref<16x4x50x100xi32, #tpu.memory_space<hbm>> -> memref<1x1x50x100xi32, #tpu.memory_space<hbm>>
      %dma_wait3A_39 = tpu.memref_squeeze %dma_wait3A_38 : memref<1x1x50x100xi32, #tpu.memory_space<hbm>> -> memref<50x100xi32, #tpu.memory_space<hbm>>
      %dma_wait3A_40 = arith.constant 0 : i32
      %dma_wait3A_41 = arith.constant 0 : i32
      %dma_wait3A_42 = tpu.memref_slice %arg4[%arg1, %run_scoped3A_1, %dma_wait3A_40, %dma_wait3A_41] : memref<16x4x50x100xi32, #tpu.memory_space<hbm>> -> memref<1x1x50x100xi32, #tpu.memory_space<hbm>>
      %dma_wait3A_43 = tpu.memref_squeeze %dma_wait3A_42 : memref<1x1x50x100xi32, #tpu.memory_space<hbm>> -> memref<50x100xi32, #tpu.memory_space<hbm>>
      tpu.wait_dma2 semaphore(%run_scoped3A_28 : memref<!tpu.dma_semaphore, #tpu.memory_space<semaphore_mem>>) src(%dma_wait3A_43 : memref<50x100xi32, #tpu.memory_space<hbm>>) dst(%arg8 : memref<50x100xi32, #tpu.memory_space<vmem>>)
      tpu.yield
    }) : () -> ()
    %dma_start3A = arith.constant 0 : i32
    %dma_start3A_2 = arith.constant 0 : i32
    %dma_start3A_3 = tpu.memref_slice %arg7[%dma_start3A, %dma_start3A_2] : memref<50x100xi32, #tpu.memory_space<vmem>> -> memref<1x100xi32, #tpu.memory_space<vmem>>
    %dma_start3A_4 = tpu.memref_squeeze %dma_start3A_3 : memref<1x100xi32, #tpu.memory_space<vmem>> -> memref<100xi32, #tpu.memory_space<vmem>>
    %dma_start3A_5 = arith.constant 0 : i32
    %dma_start3A_6 = arith.constant 0 : i32
    %dma_start3A_7 = tpu.memref_slice %arg2[%dma_start3A_5, %dma_start3A_6] : memref<20000x128xf32, #tpu.memory_space<hbm>> -> memref<20000x128xf32, #tpu.memory_space<hbm>>
    tpu.enqueue_indirect_dma source(%dma_start3A_7 : memref<20000x128xf32, #tpu.memory_space<hbm>>) target(%arg9 : memref<100x128xf32, #tpu.memory_space<vmem>>) offsets(%dma_start3A_4 : memref<100xi32, #tpu.memory_space<vmem>>) semaphore(%arg12 : memref<!tpu.dma_semaphore, #tpu.memory_space<semaphore_mem>>)
    %dma_start3A_8 = arith.constant 1 : i32
    %dma_start3A_9 = arith.constant 0 : i32
    %dma_start3A_10 = tpu.memref_slice %arg7[%dma_start3A_8, %dma_start3A_9] : memref<50x100xi32, #tpu.memory_space<vmem>> -> memref<1x100xi32, #tpu.memory_space<vmem>>
    %dma_start3A_11 = tpu.memref_squeeze %dma_start3A_10 : memref<1x100xi32, #tpu.memory_space<vmem>> -> memref<100xi32, #tpu.memory_space<vmem>>
    %dma_start3A_12 = arith.constant 0 : i32
    %dma_start3A_13 = arith.constant 0 : i32
    %dma_start3A_14 = tpu.memref_slice %arg2[%dma_start3A_12, %dma_start3A_13] : memref<20000x128xf32, #tpu.memory_space<hbm>> -> memref<20000x128xf32, #tpu.memory_space<hbm>>
    tpu.enqueue_indirect_dma source(%dma_start3A_14 : memref<20000x128xf32, #tpu.memory_space<hbm>>) target(%arg10 : memref<100x128xf32, #tpu.memory_space<vmem>>) offsets(%dma_start3A_11 : memref<100xi32, #tpu.memory_space<vmem>>) semaphore(%arg13 : memref<!tpu.dma_semaphore, #tpu.memory_space<semaphore_mem>>)
    %mul3A_15 = arith.constant 640 : i32
    %mul3A_16 = arith.muli %arg1, %mul3A_15 : i32
    %mul3A_17 = arith.constant 640 : i32
    %mul3A_18 = arith.muli %arg1, %mul3A_17 : i32
    "tpu.region"() ({
      %run_scoped3A_28 = tpu.sem_alloc : memref<!tpu.dma_semaphore, #tpu.memory_space<semaphore_mem>>
      %dma_start3A_29 = arith.constant 0 : i32
      %dma_start3A_30 = tpu.memref_slice %arg11[%mul3A_18, %dma_start3A_29] : memref<10240x128xf32, #tpu.memory_space<vmem_shared>> -> memref<640x128xf32, #tpu.memory_space<vmem_shared>>
      %dma_start3A_31 = arith.constant 0 : i32
      %dma_start3A_32 = tpu.memref_slice %arg5[%mul3A_16, %dma_start3A_31] : memref<10240x128xf32, #tpu.memory_space<hbm>> -> memref<640x128xf32, #tpu.memory_space<hbm>>
      tpu.enqueue_dma source(%dma_start3A_32 : memref<640x128xf32, #tpu.memory_space<hbm>>) target(%dma_start3A_30 : memref<640x128xf32, #tpu.memory_space<vmem_shared>>) target_semaphore(%run_scoped3A_28 : memref<!tpu.dma_semaphore, #tpu.memory_space<semaphore_mem>>)
      %dma_wait3A = arith.constant 0 : i32
      %dma_wait3A_33 = tpu.memref_slice %arg11[%mul3A_18, %dma_wait3A] : memref<10240x128xf32, #tpu.memory_space<vmem_shared>> -> memref<640x128xf32, #tpu.memory_space<vmem_shared>>
      %dma_wait3A_34 = arith.constant 0 : i32
      %dma_wait3A_35 = tpu.memref_slice %arg5[%mul3A_16, %dma_wait3A_34] : memref<10240x128xf32, #tpu.memory_space<hbm>> -> memref<640x128xf32, #tpu.memory_space<hbm>>
      tpu.wait_dma2 semaphore(%run_scoped3A_28 : memref<!tpu.dma_semaphore, #tpu.memory_space<semaphore_mem>>) src(%dma_wait3A_35 : memref<640x128xf32, #tpu.memory_space<hbm>>) dst(%dma_wait3A_33 : memref<640x128xf32, #tpu.memory_space<vmem_shared>>)
      tpu.yield
    }) : () -> ()
    %barrier3A = arith.constant 0 : index
    tpu.barrier barrier_id(%barrier3A)
    %scan3A = arith.constant 0 : i32
    %scan3A_19 = arith.constant 4 : i32
    %scan3A_20 = arith.addi %scan3A, %scan3A_19 : i32
    %scan3A_21 = arith.constant 1 : i32
    scf.for %scan3A_28 = %scan3A to %scan3A_20 step %scan3A_21  : i32 {
      %mul3A_29 = arith.constant 1 : i32
      %mul3A_30 = arith.muli %scan3A_28, %mul3A_29 : i32
      %add3A_31 = arith.constant 0 : i32
      %add3A_32 = arith.addi %add3A_31, %mul3A_30 : i32
      %gt3A = arith.constant 0 : i32
      %gt3A_33 = arith.cmpi sgt, %add3A_32, %gt3A : i32
      %convert_element_type3A = arith.extui %gt3A_33 : i1 to i32
      %cond3A = arith.constant 0 : i32
      %cond3A_34 = arith.cmpi ne, %convert_element_type3A, %cond3A : i32
      scf.if %cond3A_34 {
        "tpu.region"() ({
          %run_scoped3A_95 = tpu.sem_alloc : memref<!tpu.dma_semaphore, #tpu.memory_space<semaphore_mem>>
          %dma_start3A_96 = arith.constant 0 : i32
          %dma_start3A_97 = arith.constant 0 : i32
          %dma_start3A_98 = tpu.memref_slice %arg3[%add3A, %add3A_32, %dma_start3A_96, %dma_start3A_97] : memref<32x4x50x100xi32, #tpu.memory_space<hbm>> -> memref<1x1x50x100xi32, #tpu.memory_space<hbm>>
          %dma_start3A_99 = tpu.memref_squeeze %dma_start3A_98 : memref<1x1x50x100xi32, #tpu.memory_space<hbm>> -> memref<50x100xi32, #tpu.memory_space<hbm>>
          %dma_start3A_100 = arith.constant 0 : i32
          %dma_start3A_101 = arith.constant 0 : i32
          %dma_start3A_102 = tpu.memref_slice %arg3[%add3A, %add3A_32, %dma_start3A_100, %dma_start3A_101] : memref<32x4x50x100xi32, #tpu.memory_space<hbm>> -> memref<1x1x50x100xi32, #tpu.memory_space<hbm>>
          %dma_start3A_103 = tpu.memref_squeeze %dma_start3A_102 : memref<1x1x50x100xi32, #tpu.memory_space<hbm>> -> memref<50x100xi32, #tpu.memory_space<hbm>>
          tpu.enqueue_dma source(%dma_start3A_103 : memref<50x100xi32, #tpu.memory_space<hbm>>) target(%arg7 : memref<50x100xi32, #tpu.memory_space<vmem>>) target_semaphore(%run_scoped3A_95 : memref<!tpu.dma_semaphore, #tpu.memory_space<semaphore_mem>>)
          %dma_wait3A_104 = arith.constant 0 : i32
          %dma_wait3A_105 = arith.constant 0 : i32
          %dma_wait3A_106 = tpu.memref_slice %arg3[%add3A, %add3A_32, %dma_wait3A_104, %dma_wait3A_105] : memref<32x4x50x100xi32, #tpu.memory_space<hbm>> -> memref<1x1x50x100xi32, #tpu.memory_space<hbm>>
          %dma_wait3A_107 = tpu.memref_squeeze %dma_wait3A_106 : memref<1x1x50x100xi32, #tpu.memory_space<hbm>> -> memref<50x100xi32, #tpu.memory_space<hbm>>
          %dma_wait3A_108 = arith.constant 0 : i32
          %dma_wait3A_109 = arith.constant 0 : i32
          %dma_wait3A_110 = tpu.memref_slice %arg3[%add3A, %add3A_32, %dma_wait3A_108, %dma_wait3A_109] : memref<32x4x50x100xi32, #tpu.memory_space<hbm>> -> memref<1x1x50x100xi32, #tpu.memory_space<hbm>>
          %dma_wait3A_111 = tpu.memref_squeeze %dma_wait3A_110 : memref<1x1x50x100xi32, #tpu.memory_space<hbm>> -> memref<50x100xi32, #tpu.memory_space<hbm>>
          tpu.wait_dma2 semaphore(%run_scoped3A_95 : memref<!tpu.dma_semaphore, #tpu.memory_space<semaphore_mem>>) src(%dma_wait3A_111 : memref<50x100xi32, #tpu.memory_space<hbm>>) dst(%arg7 : memref<50x100xi32, #tpu.memory_space<vmem>>)
          tpu.yield
        }) : () -> ()
        "tpu.region"() ({
          %run_scoped3A_95 = tpu.sem_alloc : memref<!tpu.dma_semaphore, #tpu.memory_space<semaphore_mem>>
          %dma_start3A_96 = arith.constant 0 : i32
          %dma_start3A_97 = arith.constant 0 : i32
          %dma_start3A_98 = tpu.memref_slice %arg4[%arg1, %add3A_32, %dma_start3A_96, %dma_start3A_97] : memref<16x4x50x100xi32, #tpu.memory_space<hbm>> -> memref<1x1x50x100xi32, #tpu.memory_space<hbm>>
          %dma_start3A_99 = tpu.memref_squeeze %dma_start3A_98 : memref<1x1x50x100xi32, #tpu.memory_space<hbm>> -> memref<50x100xi32, #tpu.memory_space<hbm>>
          %dma_start3A_100 = arith.constant 0 : i32
          %dma_start3A_101 = arith.constant 0 : i32
          %dma_start3A_102 = tpu.memref_slice %arg4[%arg1, %add3A_32, %dma_start3A_100, %dma_start3A_101] : memref<16x4x50x100xi32, #tpu.memory_space<hbm>> -> memref<1x1x50x100xi32, #tpu.memory_space<hbm>>
          %dma_start3A_103 = tpu.memref_squeeze %dma_start3A_102 : memref<1x1x50x100xi32, #tpu.memory_space<hbm>> -> memref<50x100xi32, #tpu.memory_space<hbm>>
          tpu.enqueue_dma source(%dma_start3A_103 : memref<50x100xi32, #tpu.memory_space<hbm>>) target(%arg8 : memref<50x100xi32, #tpu.memory_space<vmem>>) target_semaphore(%run_scoped3A_95 : memref<!tpu.dma_semaphore, #tpu.memory_space<semaphore_mem>>)
          %dma_wait3A_104 = arith.constant 0 : i32
          %dma_wait3A_105 = arith.constant 0 : i32
          %dma_wait3A_106 = tpu.memref_slice %arg4[%arg1, %add3A_32, %dma_wait3A_104, %dma_wait3A_105] : memref<16x4x50x100xi32, #tpu.memory_space<hbm>> -> memref<1x1x50x100xi32, #tpu.memory_space<hbm>>
          %dma_wait3A_107 = tpu.memref_squeeze %dma_wait3A_106 : memref<1x1x50x100xi32, #tpu.memory_space<hbm>> -> memref<50x100xi32, #tpu.memory_space<hbm>>
          %dma_wait3A_108 = arith.constant 0 : i32
          %dma_wait3A_109 = arith.constant 0 : i32
          %dma_wait3A_110 = tpu.memref_slice %arg4[%arg1, %add3A_32, %dma_wait3A_108, %dma_wait3A_109] : memref<16x4x50x100xi32, #tpu.memory_space<hbm>> -> memref<1x1x50x100xi32, #tpu.memory_space<hbm>>
          %dma_wait3A_111 = tpu.memref_squeeze %dma_wait3A_110 : memref<1x1x50x100xi32, #tpu.memory_space<hbm>> -> memref<50x100xi32, #tpu.memory_space<hbm>>
          tpu.wait_dma2 semaphore(%run_scoped3A_95 : memref<!tpu.dma_semaphore, #tpu.memory_space<semaphore_mem>>) src(%dma_wait3A_111 : memref<50x100xi32, #tpu.memory_space<hbm>>) dst(%arg8 : memref<50x100xi32, #tpu.memory_space<vmem>>)
          tpu.yield
        }) : () -> ()
        %dma_start3A_81 = arith.constant 0 : i32
        %dma_start3A_82 = arith.constant 0 : i32
        %dma_start3A_83 = tpu.memref_slice %arg7[%dma_start3A_81, %dma_start3A_82] : memref<50x100xi32, #tpu.memory_space<vmem>> -> memref<1x100xi32, #tpu.memory_space<vmem>>
        %dma_start3A_84 = tpu.memref_squeeze %dma_start3A_83 : memref<1x100xi32, #tpu.memory_space<vmem>> -> memref<100xi32, #tpu.memory_space<vmem>>
        %dma_start3A_85 = arith.constant 0 : i32
        %dma_start3A_86 = arith.constant 0 : i32
        %dma_start3A_87 = tpu.memref_slice %arg2[%dma_start3A_85, %dma_start3A_86] : memref<20000x128xf32, #tpu.memory_space<hbm>> -> memref<20000x128xf32, #tpu.memory_space<hbm>>
        tpu.enqueue_indirect_dma source(%dma_start3A_87 : memref<20000x128xf32, #tpu.memory_space<hbm>>) target(%arg9 : memref<100x128xf32, #tpu.memory_space<vmem>>) offsets(%dma_start3A_84 : memref<100xi32, #tpu.memory_space<vmem>>) semaphore(%arg12 : memref<!tpu.dma_semaphore, #tpu.memory_space<semaphore_mem>>)
        %dma_start3A_88 = arith.constant 1 : i32
        %dma_start3A_89 = arith.constant 0 : i32
        %dma_start3A_90 = tpu.memref_slice %arg7[%dma_start3A_88, %dma_start3A_89] : memref<50x100xi32, #tpu.memory_space<vmem>> -> memref<1x100xi32, #tpu.memory_space<vmem>>
        %dma_start3A_91 = tpu.memref_squeeze %dma_start3A_90 : memref<1x100xi32, #tpu.memory_space<vmem>> -> memref<100xi32, #tpu.memory_space<vmem>>
        %dma_start3A_92 = arith.constant 0 : i32
        %dma_start3A_93 = arith.constant 0 : i32
        %dma_start3A_94 = tpu.memref_slice %arg2[%dma_start3A_92, %dma_start3A_93] : memref<20000x128xf32, #tpu.memory_space<hbm>> -> memref<20000x128xf32, #tpu.memory_space<hbm>>
        tpu.enqueue_indirect_dma source(%dma_start3A_94 : memref<20000x128xf32, #tpu.memory_space<hbm>>) target(%arg10 : memref<100x128xf32, #tpu.memory_space<vmem>>) offsets(%dma_start3A_91 : memref<100xi32, #tpu.memory_space<vmem>>) semaphore(%arg13 : memref<!tpu.dma_semaphore, #tpu.memory_space<semaphore_mem>>)
      } else {
      }
      %scan3A_35 = arith.constant 0 : i32
      %scan3A_36 = arith.constant 24 : i32
      %scan3A_37 = arith.addi %scan3A_35, %scan3A_36 : i32
      %scan3A_38 = arith.constant 1 : i32
      scf.for %scan3A_81 = %scan3A_35 to %scan3A_37 step %scan3A_38  : i32 {
        %mul3A_82 = arith.constant 1 : i32
        %mul3A_83 = arith.muli %scan3A_81, %mul3A_82 : i32
        %add3A_84 = arith.constant 0 : i32
        %add3A_85 = arith.addi %add3A_84, %mul3A_83 : i32
        %mul3A_86 = arith.constant 2 : i32
        %mul3A_87 = arith.muli %mul3A_86, %add3A_85 : i32
        %add3A_88 = arith.constant 0 : i32
        %add3A_89 = arith.addi %mul3A_87, %add3A_88 : i32
        %dma_wait3A_90 = arith.constant 0 : i32
        %dma_wait3A_91 = tpu.memref_slice %arg7[%add3A_89, %dma_wait3A_90] : memref<50x100xi32, #tpu.memory_space<vmem>> -> memref<1x100xi32, #tpu.memory_space<vmem>>
        %dma_wait3A_92 = tpu.memref_squeeze %dma_wait3A_91 : memref<1x100xi32, #tpu.memory_space<vmem>> -> memref<100xi32, #tpu.memory_space<vmem>>
        %dma_wait3A_93 = arith.constant 0 : i32
        %dma_wait3A_94 = arith.constant 0 : i32
        %dma_wait3A_95 = tpu.memref_slice %arg2[%dma_wait3A_93, %dma_wait3A_94] : memref<20000x128xf32, #tpu.memory_space<hbm>> -> memref<20000x128xf32, #tpu.memory_space<hbm>>
        tpu.wait_indirect_dma semaphore(%arg12 : memref<!tpu.dma_semaphore, #tpu.memory_space<semaphore_mem>>) src(%dma_wait3A_95 : memref<20000x128xf32, #tpu.memory_space<hbm>>) dst(%arg9 : memref<100x128xf32, #tpu.memory_space<vmem>>)
        %add3A_96 = arith.constant 0 : i32
        %add3A_97 = arith.addi %mul3A_87, %add3A_96 : i32
        %dma_start3A_98 = arith.constant 0 : i32
        %dma_start3A_99 = tpu.memref_slice %arg8[%add3A_97, %dma_start3A_98] : memref<50x100xi32, #tpu.memory_space<vmem>> -> memref<1x100xi32, #tpu.memory_space<vmem>>
        %dma_start3A_100 = tpu.memref_squeeze %dma_start3A_99 : memref<1x100xi32, #tpu.memory_space<vmem>> -> memref<100xi32, #tpu.memory_space<vmem>>
        %dma_start3A_101 = arith.constant 0 : i32
        %dma_start3A_102 = arith.constant 0 : i32
        %dma_start3A_103 = tpu.memref_slice %arg11[%dma_start3A_101, %dma_start3A_102] : memref<10240x128xf32, #tpu.memory_space<vmem_shared>> -> memref<10240x128xf32, #tpu.memory_space<vmem_shared>>
        tpu.enqueue_indirect_dma source(%arg9 : memref<100x128xf32, #tpu.memory_space<vmem>>) target(%dma_start3A_103 : memref<10240x128xf32, #tpu.memory_space<vmem_shared>>) offsets(%dma_start3A_100 : memref<100xi32, #tpu.memory_space<vmem>>) semaphore(%arg14 : memref<!tpu.dma_semaphore, #tpu.memory_space<semaphore_mem>>) {add = true}
        %add3A_104 = arith.constant 1 : i32
        %add3A_105 = arith.addi %mul3A_87, %add3A_104 : i32
        %dma_wait3A_106 = arith.constant 0 : i32
        %dma_wait3A_107 = tpu.memref_slice %arg7[%add3A_105, %dma_wait3A_106] : memref<50x100xi32, #tpu.memory_space<vmem>> -> memref<1x100xi32, #tpu.memory_space<vmem>>
        %dma_wait3A_108 = tpu.memref_squeeze %dma_wait3A_107 : memref<1x100xi32, #tpu.memory_space<vmem>> -> memref<100xi32, #tpu.memory_space<vmem>>
        %dma_wait3A_109 = arith.constant 0 : i32
        %dma_wait3A_110 = arith.constant 0 : i32
        %dma_wait3A_111 = tpu.memref_slice %arg2[%dma_wait3A_109, %dma_wait3A_110] : memref<20000x128xf32, #tpu.memory_space<hbm>> -> memref<20000x128xf32, #tpu.memory_space<hbm>>
        tpu.wait_indirect_dma semaphore(%arg13 : memref<!tpu.dma_semaphore, #tpu.memory_space<semaphore_mem>>) src(%dma_wait3A_111 : memref<20000x128xf32, #tpu.memory_space<hbm>>) dst(%arg10 : memref<100x128xf32, #tpu.memory_space<vmem>>)
        %add3A_112 = arith.constant 1 : i32
        %add3A_113 = arith.addi %mul3A_87, %add3A_112 : i32
        %dma_start3A_114 = arith.constant 0 : i32
        %dma_start3A_115 = tpu.memref_slice %arg8[%add3A_113, %dma_start3A_114] : memref<50x100xi32, #tpu.memory_space<vmem>> -> memref<1x100xi32, #tpu.memory_space<vmem>>
        %dma_start3A_116 = tpu.memref_squeeze %dma_start3A_115 : memref<1x100xi32, #tpu.memory_space<vmem>> -> memref<100xi32, #tpu.memory_space<vmem>>
        %dma_start3A_117 = arith.constant 0 : i32
        %dma_start3A_118 = arith.constant 0 : i32
        %dma_start3A_119 = tpu.memref_slice %arg11[%dma_start3A_117, %dma_start3A_118] : memref<10240x128xf32, #tpu.memory_space<vmem_shared>> -> memref<10240x128xf32, #tpu.memory_space<vmem_shared>>
        tpu.enqueue_indirect_dma source(%arg10 : memref<100x128xf32, #tpu.memory_space<vmem>>) target(%dma_start3A_119 : memref<10240x128xf32, #tpu.memory_space<vmem_shared>>) offsets(%dma_start3A_116 : memref<100xi32, #tpu.memory_space<vmem>>) semaphore(%arg15 : memref<!tpu.dma_semaphore, #tpu.memory_space<semaphore_mem>>) {add = true}
        %add3A_120 = arith.constant 0 : i32
        %add3A_121 = arith.addi %mul3A_87, %add3A_120 : i32
        %dma_wait3A_122 = arith.constant 0 : i32
        %dma_wait3A_123 = tpu.memref_slice %arg8[%add3A_121, %dma_wait3A_122] : memref<50x100xi32, #tpu.memory_space<vmem>> -> memref<1x100xi32, #tpu.memory_space<vmem>>
        %dma_wait3A_124 = tpu.memref_squeeze %dma_wait3A_123 : memref<1x100xi32, #tpu.memory_space<vmem>> -> memref<100xi32, #tpu.memory_space<vmem>>
        %dma_wait3A_125 = arith.constant 0 : i32
        %dma_wait3A_126 = arith.constant 0 : i32
        %dma_wait3A_127 = tpu.memref_slice %arg11[%dma_wait3A_125, %dma_wait3A_126] : memref<10240x128xf32, #tpu.memory_space<vmem_shared>> -> memref<10240x128xf32, #tpu.memory_space<vmem_shared>>
        tpu.wait_indirect_dma semaphore(%arg14 : memref<!tpu.dma_semaphore, #tpu.memory_space<semaphore_mem>>) src(%arg9 : memref<100x128xf32, #tpu.memory_space<vmem>>) dst(%dma_wait3A_127 : memref<10240x128xf32, #tpu.memory_space<vmem_shared>>)
        %add3A_128 = arith.constant 2 : i32
        %add3A_129 = arith.addi %mul3A_87, %add3A_128 : i32
        %add3A_130 = arith.constant 0 : i32
        %add3A_131 = arith.addi %add3A_129, %add3A_130 : i32
        %dma_start3A_132 = arith.constant 0 : i32
        %dma_start3A_133 = tpu.memref_slice %arg7[%add3A_131, %dma_start3A_132] : memref<50x100xi32, #tpu.memory_space<vmem>> -> memref<1x100xi32, #tpu.memory_space<vmem>>
        %dma_start3A_134 = tpu.memref_squeeze %dma_start3A_133 : memref<1x100xi32, #tpu.memory_space<vmem>> -> memref<100xi32, #tpu.memory_space<vmem>>
        %dma_start3A_135 = arith.constant 0 : i32
        %dma_start3A_136 = arith.constant 0 : i32
        %dma_start3A_137 = tpu.memref_slice %arg2[%dma_start3A_135, %dma_start3A_136] : memref<20000x128xf32, #tpu.memory_space<hbm>> -> memref<20000x128xf32, #tpu.memory_space<hbm>>
        tpu.enqueue_indirect_dma source(%dma_start3A_137 : memref<20000x128xf32, #tpu.memory_space<hbm>>) target(%arg9 : memref<100x128xf32, #tpu.memory_space<vmem>>) offsets(%dma_start3A_134 : memref<100xi32, #tpu.memory_space<vmem>>) semaphore(%arg12 : memref<!tpu.dma_semaphore, #tpu.memory_space<semaphore_mem>>)
        %add3A_138 = arith.constant 1 : i32
        %add3A_139 = arith.addi %mul3A_87, %add3A_138 : i32
        %dma_wait3A_140 = arith.constant 0 : i32
        %dma_wait3A_141 = tpu.memref_slice %arg8[%add3A_139, %dma_wait3A_140] : memref<50x100xi32, #tpu.memory_space<vmem>> -> memref<1x100xi32, #tpu.memory_space<vmem>>
        %dma_wait3A_142 = tpu.memref_squeeze %dma_wait3A_141 : memref<1x100xi32, #tpu.memory_space<vmem>> -> memref<100xi32, #tpu.memory_space<vmem>>
        %dma_wait3A_143 = arith.constant 0 : i32
        %dma_wait3A_144 = arith.constant 0 : i32
        %dma_wait3A_145 = tpu.memref_slice %arg11[%dma_wait3A_143, %dma_wait3A_144] : memref<10240x128xf32, #tpu.memory_space<vmem_shared>> -> memref<10240x128xf32, #tpu.memory_space<vmem_shared>>
        tpu.wait_indirect_dma semaphore(%arg15 : memref<!tpu.dma_semaphore, #tpu.memory_space<semaphore_mem>>) src(%arg10 : memref<100x128xf32, #tpu.memory_space<vmem>>) dst(%dma_wait3A_145 : memref<10240x128xf32, #tpu.memory_space<vmem_shared>>)
        %add3A_146 = arith.constant 2 : i32
        %add3A_147 = arith.addi %mul3A_87, %add3A_146 : i32
        %add3A_148 = arith.constant 1 : i32
        %add3A_149 = arith.addi %add3A_147, %add3A_148 : i32
        %dma_start3A_150 = arith.constant 0 : i32
        %dma_start3A_151 = tpu.memref_slice %arg7[%add3A_149, %dma_start3A_150] : memref<50x100xi32, #tpu.memory_space<vmem>> -> memref<1x100xi32, #tpu.memory_space<vmem>>
        %dma_start3A_152 = tpu.memref_squeeze %dma_start3A_151 : memref<1x100xi32, #tpu.memory_space<vmem>> -> memref<100xi32, #tpu.memory_space<vmem>>
        %dma_start3A_153 = arith.constant 0 : i32
        %dma_start3A_154 = arith.constant 0 : i32
        %dma_start3A_155 = tpu.memref_slice %arg2[%dma_start3A_153, %dma_start3A_154] : memref<20000x128xf32, #tpu.memory_space<hbm>> -> memref<20000x128xf32, #tpu.memory_space<hbm>>
        tpu.enqueue_indirect_dma source(%dma_start3A_155 : memref<20000x128xf32, #tpu.memory_space<hbm>>) target(%arg10 : memref<100x128xf32, #tpu.memory_space<vmem>>) offsets(%dma_start3A_152 : memref<100xi32, #tpu.memory_space<vmem>>) semaphore(%arg13 : memref<!tpu.dma_semaphore, #tpu.memory_space<semaphore_mem>>)
      }
      %scan3A_39 = arith.constant 24 : i32
      %dma_wait3A = arith.constant 48 : i32
      %dma_wait3A_40 = arith.constant 0 : i32
      %dma_wait3A_41 = tpu.memref_slice %arg7[%dma_wait3A, %dma_wait3A_40] : memref<50x100xi32, #tpu.memory_space<vmem>> -> memref<1x100xi32, #tpu.memory_space<vmem>>
      %dma_wait3A_42 = tpu.memref_squeeze %dma_wait3A_41 : memref<1x100xi32, #tpu.memory_space<vmem>> -> memref<100xi32, #tpu.memory_space<vmem>>
      %dma_wait3A_43 = arith.constant 0 : i32
      %dma_wait3A_44 = arith.constant 0 : i32
      %dma_wait3A_45 = tpu.memref_slice %arg2[%dma_wait3A_43, %dma_wait3A_44] : memref<20000x128xf32, #tpu.memory_space<hbm>> -> memref<20000x128xf32, #tpu.memory_space<hbm>>
      tpu.wait_indirect_dma semaphore(%arg12 : memref<!tpu.dma_semaphore, #tpu.memory_space<semaphore_mem>>) src(%dma_wait3A_45 : memref<20000x128xf32, #tpu.memory_space<hbm>>) dst(%arg9 : memref<100x128xf32, #tpu.memory_space<vmem>>)
      %dma_start3A_46 = arith.constant 48 : i32
      %dma_start3A_47 = arith.constant 0 : i32
      %dma_start3A_48 = tpu.memref_slice %arg8[%dma_start3A_46, %dma_start3A_47] : memref<50x100xi32, #tpu.memory_space<vmem>> -> memref<1x100xi32, #tpu.memory_space<vmem>>
      %dma_start3A_49 = tpu.memref_squeeze %dma_start3A_48 : memref<1x100xi32, #tpu.memory_space<vmem>> -> memref<100xi32, #tpu.memory_space<vmem>>
      %dma_start3A_50 = arith.constant 0 : i32
      %dma_start3A_51 = arith.constant 0 : i32
      %dma_start3A_52 = tpu.memref_slice %arg11[%dma_start3A_50, %dma_start3A_51] : memref<10240x128xf32, #tpu.memory_space<vmem_shared>> -> memref<10240x128xf32, #tpu.memory_space<vmem_shared>>
      tpu.enqueue_indirect_dma source(%arg9 : memref<100x128xf32, #tpu.memory_space<vmem>>) target(%dma_start3A_52 : memref<10240x128xf32, #tpu.memory_space<vmem_shared>>) offsets(%dma_start3A_49 : memref<100xi32, #tpu.memory_space<vmem>>) semaphore(%arg14 : memref<!tpu.dma_semaphore, #tpu.memory_space<semaphore_mem>>) {add = true}
      %dma_wait3A_53 = arith.constant 49 : i32
      %dma_wait3A_54 = arith.constant 0 : i32
      %dma_wait3A_55 = tpu.memref_slice %arg7[%dma_wait3A_53, %dma_wait3A_54] : memref<50x100xi32, #tpu.memory_space<vmem>> -> memref<1x100xi32, #tpu.memory_space<vmem>>
      %dma_wait3A_56 = tpu.memref_squeeze %dma_wait3A_55 : memref<1x100xi32, #tpu.memory_space<vmem>> -> memref<100xi32, #tpu.memory_space<vmem>>
      %dma_wait3A_57 = arith.constant 0 : i32
      %dma_wait3A_58 = arith.constant 0 : i32
      %dma_wait3A_59 = tpu.memref_slice %arg2[%dma_wait3A_57, %dma_wait3A_58] : memref<20000x128xf32, #tpu.memory_space<hbm>> -> memref<20000x128xf32, #tpu.memory_space<hbm>>
      tpu.wait_indirect_dma semaphore(%arg13 : memref<!tpu.dma_semaphore, #tpu.memory_space<semaphore_mem>>) src(%dma_wait3A_59 : memref<20000x128xf32, #tpu.memory_space<hbm>>) dst(%arg10 : memref<100x128xf32, #tpu.memory_space<vmem>>)
      %dma_start3A_60 = arith.constant 49 : i32
      %dma_start3A_61 = arith.constant 0 : i32
      %dma_start3A_62 = tpu.memref_slice %arg8[%dma_start3A_60, %dma_start3A_61] : memref<50x100xi32, #tpu.memory_space<vmem>> -> memref<1x100xi32, #tpu.memory_space<vmem>>
      %dma_start3A_63 = tpu.memref_squeeze %dma_start3A_62 : memref<1x100xi32, #tpu.memory_space<vmem>> -> memref<100xi32, #tpu.memory_space<vmem>>
      %dma_start3A_64 = arith.constant 0 : i32
      %dma_start3A_65 = arith.constant 0 : i32
      %dma_start3A_66 = tpu.memref_slice %arg11[%dma_start3A_64, %dma_start3A_65] : memref<10240x128xf32, #tpu.memory_space<vmem_shared>> -> memref<10240x128xf32, #tpu.memory_space<vmem_shared>>
      tpu.enqueue_indirect_dma source(%arg10 : memref<100x128xf32, #tpu.memory_space<vmem>>) target(%dma_start3A_66 : memref<10240x128xf32, #tpu.memory_space<vmem_shared>>) offsets(%dma_start3A_63 : memref<100xi32, #tpu.memory_space<vmem>>) semaphore(%arg15 : memref<!tpu.dma_semaphore, #tpu.memory_space<semaphore_mem>>) {add = true}
      %dma_wait3A_67 = arith.constant 48 : i32
      %dma_wait3A_68 = arith.constant 0 : i32
      %dma_wait3A_69 = tpu.memref_slice %arg8[%dma_wait3A_67, %dma_wait3A_68] : memref<50x100xi32, #tpu.memory_space<vmem>> -> memref<1x100xi32, #tpu.memory_space<vmem>>
      %dma_wait3A_70 = tpu.memref_squeeze %dma_wait3A_69 : memref<1x100xi32, #tpu.memory_space<vmem>> -> memref<100xi32, #tpu.memory_space<vmem>>
      %dma_wait3A_71 = arith.constant 0 : i32
      %dma_wait3A_72 = arith.constant 0 : i32
      %dma_wait3A_73 = tpu.memref_slice %arg11[%dma_wait3A_71, %dma_wait3A_72] : memref<10240x128xf32, #tpu.memory_space<vmem_shared>> -> memref<10240x128xf32, #tpu.memory_space<vmem_shared>>
      tpu.wait_indirect_dma semaphore(%arg14 : memref<!tpu.dma_semaphore, #tpu.memory_space<semaphore_mem>>) src(%arg9 : memref<100x128xf32, #tpu.memory_space<vmem>>) dst(%dma_wait3A_73 : memref<10240x128xf32, #tpu.memory_space<vmem_shared>>)
      %dma_wait3A_74 = arith.constant 49 : i32
      %dma_wait3A_75 = arith.constant 0 : i32
      %dma_wait3A_76 = tpu.memref_slice %arg8[%dma_wait3A_74, %dma_wait3A_75] : memref<50x100xi32, #tpu.memory_space<vmem>> -> memref<1x100xi32, #tpu.memory_space<vmem>>
      %dma_wait3A_77 = tpu.memref_squeeze %dma_wait3A_76 : memref<1x100xi32, #tpu.memory_space<vmem>> -> memref<100xi32, #tpu.memory_space<vmem>>
      %dma_wait3A_78 = arith.constant 0 : i32
      %dma_wait3A_79 = arith.constant 0 : i32
      %dma_wait3A_80 = tpu.memref_slice %arg11[%dma_wait3A_78, %dma_wait3A_79] : memref<10240x128xf32, #tpu.memory_space<vmem_shared>> -> memref<10240x128xf32, #tpu.memory_space<vmem_shared>>
      tpu.wait_indirect_dma semaphore(%arg15 : memref<!tpu.dma_semaphore, #tpu.memory_space<semaphore_mem>>) src(%arg10 : memref<100x128xf32, #tpu.memory_space<vmem>>) dst(%dma_wait3A_80 : memref<10240x128xf32, #tpu.memory_space<vmem_shared>>)
    }
    %scan3A_22 = arith.constant 4 : i32
    %barrier3A_23 = arith.constant 0 : index
    tpu.barrier barrier_id(%barrier3A_23)
    %mul3A_24 = arith.constant 640 : i32
    %mul3A_25 = arith.muli %arg1, %mul3A_24 : i32
    %mul3A_26 = arith.constant 640 : i32
    %mul3A_27 = arith.muli %arg1, %mul3A_26 : i32
    "tpu.region"() ({
      %run_scoped3A_28 = tpu.sem_alloc : memref<!tpu.dma_semaphore, #tpu.memory_space<semaphore_mem>>
      %dma_start3A_29 = arith.constant 0 : i32
      %dma_start3A_30 = tpu.memref_slice %arg6[%arg0, %mul3A_27, %dma_start3A_29] : memref<2x10240x128xf32, #tpu.memory_space<hbm>> -> memref<1x640x128xf32, #tpu.memory_space<hbm>>
      %dma_start3A_31 = tpu.memref_squeeze %dma_start3A_30 : memref<1x640x128xf32, #tpu.memory_space<hbm>> -> memref<640x128xf32, #tpu.memory_space<hbm>>
      %dma_start3A_32 = arith.constant 0 : i32
      %dma_start3A_33 = tpu.memref_slice %arg11[%mul3A_25, %dma_start3A_32] : memref<10240x128xf32, #tpu.memory_space<vmem_shared>> -> memref<640x128xf32, #tpu.memory_space<vmem_shared>>
      tpu.enqueue_dma source(%dma_start3A_33 : memref<640x128xf32, #tpu.memory_space<vmem_shared>>) target(%dma_start3A_31 : memref<640x128xf32, #tpu.memory_space<hbm>>) target_semaphore(%run_scoped3A_28 : memref<!tpu.dma_semaphore, #tpu.memory_space<semaphore_mem>>)
      %dma_wait3A = arith.constant 0 : i32
      %dma_wait3A_34 = tpu.memref_slice %arg6[%arg0, %mul3A_27, %dma_wait3A] : memref<2x10240x128xf32, #tpu.memory_space<hbm>> -> memref<1x640x128xf32, #tpu.memory_space<hbm>>
      %dma_wait3A_35 = tpu.memref_squeeze %dma_wait3A_34 : memref<1x640x128xf32, #tpu.memory_space<hbm>> -> memref<640x128xf32, #tpu.memory_space<hbm>>
      %dma_wait3A_36 = arith.constant 0 : i32
      %dma_wait3A_37 = tpu.memref_slice %arg11[%mul3A_25, %dma_wait3A_36] : memref<10240x128xf32, #tpu.memory_space<vmem_shared>> -> memref<640x128xf32, #tpu.memory_space<vmem_shared>>
      tpu.wait_dma2 semaphore(%run_scoped3A_28 : memref<!tpu.dma_semaphore, #tpu.memory_space<semaphore_mem>>) src(%dma_wait3A_37 : memref<640x128xf32, #tpu.memory_space<vmem_shared>>) dst(%dma_wait3A_35 : memref<640x128xf32, #tpu.memory_space<hbm>>)
      tpu.yield
    }) : () -> ()
    return
  }
}

#map = affine_map<(d0, d1) -> (0, 0)>
#map1 = affine_map<(d0, d1) -> (0, 0, 0, 0)>
#map2 = affine_map<(d0, d1) -> (0, 0, 0)>
module attributes {stable_mosaic.version = 14 : i64} {
  func.func @agg_kernel(%arg0: i32, %arg1: i32, %arg2: memref<10000x128xf32, #tpu.memory_space<hbm>>, %arg3: memref<32x2x50x100xi32, #tpu.memory_space<hbm>>, %arg4: memref<32x2x50x100xi32, #tpu.memory_space<hbm>>, %arg5: memref<10240x128xf32, #tpu.memory_space<hbm>>, %arg6: memref<2x10240x128xf32, #tpu.memory_space<hbm>>, %arg7: memref<50x100xi32, #tpu.memory_space<vmem>>, %arg8: memref<50x100xi32, #tpu.memory_space<vmem>>, %arg9: memref<100x128xf32, #tpu.memory_space<vmem>>, %arg10: memref<100x128xf32, #tpu.memory_space<vmem>>, %arg11: memref<10240x128xf32, #tpu.memory_space<vmem_shared>>, %arg12: memref<!tpu.dma_semaphore, #tpu.memory_space<semaphore_mem>>, %arg13: memref<!tpu.dma_semaphore, #tpu.memory_space<semaphore_mem>>, %arg14: memref<!tpu.dma_semaphore, #tpu.memory_space<semaphore_mem>>, %arg15: memref<!tpu.dma_semaphore, #tpu.memory_space<semaphore_mem>>) attributes {dimension_semantics = [#tpu.dimension_semantics<core_parallel>, #tpu.dimension_semantics<subcore_parallel>], iteration_bounds = array<i64: 2, 16>, scalar_prefetch = 0 : i64, scratch_operands = 9 : i64, tpu.core_type = #tpu.core_type<sc_vector_subcore>, window_params = [{transform_indices = #map}, {transform_indices = #map1}, {transform_indices = #map1}, {transform_indices = #map}, {transform_indices = #map2}]} {
    %mul3A = arith.constant 16 : i32
    %mul3A_0 = arith.muli %arg0, %mul3A : i32
    %add3A = arith.addi %mul3A_0, %arg1 : i32
    %run_scoped3A = arith.constant 0 : i32
    "tpu.region"() ({
      %run_scoped3A_28 = tpu.sem_alloc : memref<!tpu.dma_semaphore, #tpu.memory_space<semaphore_mem>>
      %dma_start3A_29 = arith.constant 0 : i32
      %dma_start3A_30 = arith.constant 0 : i32
      %dma_start3A_31 = tpu.memref_slice %arg3[%add3A, %run_scoped3A, %dma_start3A_29, %dma_start3A_30] : memref<32x2x50x100xi32, #tpu.memory_space<hbm>> -> memref<1x1x50x100xi32, #tpu.memory_space<hbm>>
      %dma_start3A_32 = tpu.memref_squeeze %dma_start3A_31 : memref<1x1x50x100xi32, #tpu.memory_space<hbm>> -> memref<50x100xi32, #tpu.memory_space<hbm>>
      %dma_start3A_33 = arith.constant 0 : i32
      %dma_start3A_34 = arith.constant 0 : i32
      %dma_start3A_35 = tpu.memref_slice %arg3[%add3A, %run_scoped3A, %dma_start3A_33, %dma_start3A_34] : memref<32x2x50x100xi32, #tpu.memory_space<hbm>> -> memref<1x1x50x100xi32, #tpu.memory_space<hbm>>
      %dma_start3A_36 = tpu.memref_squeeze %dma_start3A_35 : memref<1x1x50x100xi32, #tpu.memory_space<hbm>> -> memref<50x100xi32, #tpu.memory_space<hbm>>
      tpu.enqueue_dma source(%dma_start3A_36 : memref<50x100xi32, #tpu.memory_space<hbm>>) target(%arg7 : memref<50x100xi32, #tpu.memory_space<vmem>>) target_semaphore(%run_scoped3A_28 : memref<!tpu.dma_semaphore, #tpu.memory_space<semaphore_mem>>)
      %dma_wait3A = arith.constant 0 : i32
      %dma_wait3A_37 = arith.constant 0 : i32
      %dma_wait3A_38 = tpu.memref_slice %arg3[%add3A, %run_scoped3A, %dma_wait3A, %dma_wait3A_37] : memref<32x2x50x100xi32, #tpu.memory_space<hbm>> -> memref<1x1x50x100xi32, #tpu.memory_space<hbm>>
      %dma_wait3A_39 = tpu.memref_squeeze %dma_wait3A_38 : memref<1x1x50x100xi32, #tpu.memory_space<hbm>> -> memref<50x100xi32, #tpu.memory_space<hbm>>
      %dma_wait3A_40 = arith.constant 0 : i32
      %dma_wait3A_41 = arith.constant 0 : i32
      %dma_wait3A_42 = tpu.memref_slice %arg3[%add3A, %run_scoped3A, %dma_wait3A_40, %dma_wait3A_41] : memref<32x2x50x100xi32, #tpu.memory_space<hbm>> -> memref<1x1x50x100xi32, #tpu.memory_space<hbm>>
      %dma_wait3A_43 = tpu.memref_squeeze %dma_wait3A_42 : memref<1x1x50x100xi32, #tpu.memory_space<hbm>> -> memref<50x100xi32, #tpu.memory_space<hbm>>
      tpu.wait_dma2 semaphore(%run_scoped3A_28 : memref<!tpu.dma_semaphore, #tpu.memory_space<semaphore_mem>>) src(%dma_wait3A_43 : memref<50x100xi32, #tpu.memory_space<hbm>>) dst(%arg7 : memref<50x100xi32, #tpu.memory_space<vmem>>)
      tpu.yield
    }) : () -> ()
    %run_scoped3A_1 = arith.constant 0 : i32
    "tpu.region"() ({
      %run_scoped3A_28 = tpu.sem_alloc : memref<!tpu.dma_semaphore, #tpu.memory_space<semaphore_mem>>
      %dma_start3A_29 = arith.constant 0 : i32
      %dma_start3A_30 = arith.constant 0 : i32
      %dma_start3A_31 = tpu.memref_slice %arg4[%add3A, %run_scoped3A_1, %dma_start3A_29, %dma_start3A_30] : memref<32x2x50x100xi32, #tpu.memory_space<hbm>> -> memref<1x1x50x100xi32, #tpu.memory_space<hbm>>
      %dma_start3A_32 = tpu.memref_squeeze %dma_start3A_31 : memref<1x1x50x100xi32, #tpu.memory_space<hbm>> -> memref<50x100xi32, #tpu.memory_space<hbm>>
      %dma_start3A_33 = arith.constant 0 : i32
      %dma_start3A_34 = arith.constant 0 : i32
      %dma_start3A_35 = tpu.memref_slice %arg4[%add3A, %run_scoped3A_1, %dma_start3A_33, %dma_start3A_34] : memref<32x2x50x100xi32, #tpu.memory_space<hbm>> -> memref<1x1x50x100xi32, #tpu.memory_space<hbm>>
      %dma_start3A_36 = tpu.memref_squeeze %dma_start3A_35 : memref<1x1x50x100xi32, #tpu.memory_space<hbm>> -> memref<50x100xi32, #tpu.memory_space<hbm>>
      tpu.enqueue_dma source(%dma_start3A_36 : memref<50x100xi32, #tpu.memory_space<hbm>>) target(%arg8 : memref<50x100xi32, #tpu.memory_space<vmem>>) target_semaphore(%run_scoped3A_28 : memref<!tpu.dma_semaphore, #tpu.memory_space<semaphore_mem>>)
      %dma_wait3A = arith.constant 0 : i32
      %dma_wait3A_37 = arith.constant 0 : i32
      %dma_wait3A_38 = tpu.memref_slice %arg4[%add3A, %run_scoped3A_1, %dma_wait3A, %dma_wait3A_37] : memref<32x2x50x100xi32, #tpu.memory_space<hbm>> -> memref<1x1x50x100xi32, #tpu.memory_space<hbm>>
      %dma_wait3A_39 = tpu.memref_squeeze %dma_wait3A_38 : memref<1x1x50x100xi32, #tpu.memory_space<hbm>> -> memref<50x100xi32, #tpu.memory_space<hbm>>
      %dma_wait3A_40 = arith.constant 0 : i32
      %dma_wait3A_41 = arith.constant 0 : i32
      %dma_wait3A_42 = tpu.memref_slice %arg4[%add3A, %run_scoped3A_1, %dma_wait3A_40, %dma_wait3A_41] : memref<32x2x50x100xi32, #tpu.memory_space<hbm>> -> memref<1x1x50x100xi32, #tpu.memory_space<hbm>>
      %dma_wait3A_43 = tpu.memref_squeeze %dma_wait3A_42 : memref<1x1x50x100xi32, #tpu.memory_space<hbm>> -> memref<50x100xi32, #tpu.memory_space<hbm>>
      tpu.wait_dma2 semaphore(%run_scoped3A_28 : memref<!tpu.dma_semaphore, #tpu.memory_space<semaphore_mem>>) src(%dma_wait3A_43 : memref<50x100xi32, #tpu.memory_space<hbm>>) dst(%arg8 : memref<50x100xi32, #tpu.memory_space<vmem>>)
      tpu.yield
    }) : () -> ()
    %dma_start3A = arith.constant 0 : i32
    %dma_start3A_2 = arith.constant 0 : i32
    %dma_start3A_3 = tpu.memref_slice %arg7[%dma_start3A, %dma_start3A_2] : memref<50x100xi32, #tpu.memory_space<vmem>> -> memref<1x100xi32, #tpu.memory_space<vmem>>
    %dma_start3A_4 = tpu.memref_squeeze %dma_start3A_3 : memref<1x100xi32, #tpu.memory_space<vmem>> -> memref<100xi32, #tpu.memory_space<vmem>>
    %dma_start3A_5 = arith.constant 0 : i32
    %dma_start3A_6 = arith.constant 0 : i32
    %dma_start3A_7 = tpu.memref_slice %arg2[%dma_start3A_5, %dma_start3A_6] : memref<10000x128xf32, #tpu.memory_space<hbm>> -> memref<10000x128xf32, #tpu.memory_space<hbm>>
    tpu.enqueue_indirect_dma source(%dma_start3A_7 : memref<10000x128xf32, #tpu.memory_space<hbm>>) target(%arg9 : memref<100x128xf32, #tpu.memory_space<vmem>>) offsets(%dma_start3A_4 : memref<100xi32, #tpu.memory_space<vmem>>) semaphore(%arg12 : memref<!tpu.dma_semaphore, #tpu.memory_space<semaphore_mem>>)
    %dma_start3A_8 = arith.constant 1 : i32
    %dma_start3A_9 = arith.constant 0 : i32
    %dma_start3A_10 = tpu.memref_slice %arg7[%dma_start3A_8, %dma_start3A_9] : memref<50x100xi32, #tpu.memory_space<vmem>> -> memref<1x100xi32, #tpu.memory_space<vmem>>
    %dma_start3A_11 = tpu.memref_squeeze %dma_start3A_10 : memref<1x100xi32, #tpu.memory_space<vmem>> -> memref<100xi32, #tpu.memory_space<vmem>>
    %dma_start3A_12 = arith.constant 0 : i32
    %dma_start3A_13 = arith.constant 0 : i32
    %dma_start3A_14 = tpu.memref_slice %arg2[%dma_start3A_12, %dma_start3A_13] : memref<10000x128xf32, #tpu.memory_space<hbm>> -> memref<10000x128xf32, #tpu.memory_space<hbm>>
    tpu.enqueue_indirect_dma source(%dma_start3A_14 : memref<10000x128xf32, #tpu.memory_space<hbm>>) target(%arg10 : memref<100x128xf32, #tpu.memory_space<vmem>>) offsets(%dma_start3A_11 : memref<100xi32, #tpu.memory_space<vmem>>) semaphore(%arg13 : memref<!tpu.dma_semaphore, #tpu.memory_space<semaphore_mem>>)
    %mul3A_15 = arith.constant 640 : i32
    %mul3A_16 = arith.muli %arg1, %mul3A_15 : i32
    %mul3A_17 = arith.constant 640 : i32
    %mul3A_18 = arith.muli %arg1, %mul3A_17 : i32
    "tpu.region"() ({
      %run_scoped3A_28 = tpu.sem_alloc : memref<!tpu.dma_semaphore, #tpu.memory_space<semaphore_mem>>
      %dma_start3A_29 = arith.constant 0 : i32
      %dma_start3A_30 = tpu.memref_slice %arg11[%mul3A_18, %dma_start3A_29] : memref<10240x128xf32, #tpu.memory_space<vmem_shared>> -> memref<640x128xf32, #tpu.memory_space<vmem_shared>>
      %dma_start3A_31 = arith.constant 0 : i32
      %dma_start3A_32 = tpu.memref_slice %arg5[%mul3A_16, %dma_start3A_31] : memref<10240x128xf32, #tpu.memory_space<hbm>> -> memref<640x128xf32, #tpu.memory_space<hbm>>
      tpu.enqueue_dma source(%dma_start3A_32 : memref<640x128xf32, #tpu.memory_space<hbm>>) target(%dma_start3A_30 : memref<640x128xf32, #tpu.memory_space<vmem_shared>>) target_semaphore(%run_scoped3A_28 : memref<!tpu.dma_semaphore, #tpu.memory_space<semaphore_mem>>)
      %dma_wait3A = arith.constant 0 : i32
      %dma_wait3A_33 = tpu.memref_slice %arg11[%mul3A_18, %dma_wait3A] : memref<10240x128xf32, #tpu.memory_space<vmem_shared>> -> memref<640x128xf32, #tpu.memory_space<vmem_shared>>
      %dma_wait3A_34 = arith.constant 0 : i32
      %dma_wait3A_35 = tpu.memref_slice %arg5[%mul3A_16, %dma_wait3A_34] : memref<10240x128xf32, #tpu.memory_space<hbm>> -> memref<640x128xf32, #tpu.memory_space<hbm>>
      tpu.wait_dma2 semaphore(%run_scoped3A_28 : memref<!tpu.dma_semaphore, #tpu.memory_space<semaphore_mem>>) src(%dma_wait3A_35 : memref<640x128xf32, #tpu.memory_space<hbm>>) dst(%dma_wait3A_33 : memref<640x128xf32, #tpu.memory_space<vmem_shared>>)
      tpu.yield
    }) : () -> ()
    %barrier3A = arith.constant 0 : index
    tpu.barrier barrier_id(%barrier3A)
    %scan3A = arith.constant 0 : i32
    %scan3A_19 = arith.constant 2 : i32
    %scan3A_20 = arith.addi %scan3A, %scan3A_19 : i32
    %scan3A_21 = arith.constant 1 : i32
    scf.for %scan3A_28 = %scan3A to %scan3A_20 step %scan3A_21  : i32 {
      %mul3A_29 = arith.constant 1 : i32
      %mul3A_30 = arith.muli %scan3A_28, %mul3A_29 : i32
      %add3A_31 = arith.constant 0 : i32
      %add3A_32 = arith.addi %add3A_31, %mul3A_30 : i32
      %gt3A = arith.constant 0 : i32
      %gt3A_33 = arith.cmpi sgt, %add3A_32, %gt3A : i32
      %convert_element_type3A = arith.extui %gt3A_33 : i1 to i32
      %cond3A = arith.constant 0 : i32
      %cond3A_34 = arith.cmpi ne, %convert_element_type3A, %cond3A : i32
      scf.if %cond3A_34 {
        "tpu.region"() ({
          %run_scoped3A_95 = tpu.sem_alloc : memref<!tpu.dma_semaphore, #tpu.memory_space<semaphore_mem>>
          %dma_start3A_96 = arith.constant 0 : i32
          %dma_start3A_97 = arith.constant 0 : i32
          %dma_start3A_98 = tpu.memref_slice %arg3[%add3A, %add3A_32, %dma_start3A_96, %dma_start3A_97] : memref<32x2x50x100xi32, #tpu.memory_space<hbm>> -> memref<1x1x50x100xi32, #tpu.memory_space<hbm>>
          %dma_start3A_99 = tpu.memref_squeeze %dma_start3A_98 : memref<1x1x50x100xi32, #tpu.memory_space<hbm>> -> memref<50x100xi32, #tpu.memory_space<hbm>>
          %dma_start3A_100 = arith.constant 0 : i32
          %dma_start3A_101 = arith.constant 0 : i32
          %dma_start3A_102 = tpu.memref_slice %arg3[%add3A, %add3A_32, %dma_start3A_100, %dma_start3A_101] : memref<32x2x50x100xi32, #tpu.memory_space<hbm>> -> memref<1x1x50x100xi32, #tpu.memory_space<hbm>>
          %dma_start3A_103 = tpu.memref_squeeze %dma_start3A_102 : memref<1x1x50x100xi32, #tpu.memory_space<hbm>> -> memref<50x100xi32, #tpu.memory_space<hbm>>
          tpu.enqueue_dma source(%dma_start3A_103 : memref<50x100xi32, #tpu.memory_space<hbm>>) target(%arg7 : memref<50x100xi32, #tpu.memory_space<vmem>>) target_semaphore(%run_scoped3A_95 : memref<!tpu.dma_semaphore, #tpu.memory_space<semaphore_mem>>)
          %dma_wait3A_104 = arith.constant 0 : i32
          %dma_wait3A_105 = arith.constant 0 : i32
          %dma_wait3A_106 = tpu.memref_slice %arg3[%add3A, %add3A_32, %dma_wait3A_104, %dma_wait3A_105] : memref<32x2x50x100xi32, #tpu.memory_space<hbm>> -> memref<1x1x50x100xi32, #tpu.memory_space<hbm>>
          %dma_wait3A_107 = tpu.memref_squeeze %dma_wait3A_106 : memref<1x1x50x100xi32, #tpu.memory_space<hbm>> -> memref<50x100xi32, #tpu.memory_space<hbm>>
          %dma_wait3A_108 = arith.constant 0 : i32
          %dma_wait3A_109 = arith.constant 0 : i32
          %dma_wait3A_110 = tpu.memref_slice %arg3[%add3A, %add3A_32, %dma_wait3A_108, %dma_wait3A_109] : memref<32x2x50x100xi32, #tpu.memory_space<hbm>> -> memref<1x1x50x100xi32, #tpu.memory_space<hbm>>
          %dma_wait3A_111 = tpu.memref_squeeze %dma_wait3A_110 : memref<1x1x50x100xi32, #tpu.memory_space<hbm>> -> memref<50x100xi32, #tpu.memory_space<hbm>>
          tpu.wait_dma2 semaphore(%run_scoped3A_95 : memref<!tpu.dma_semaphore, #tpu.memory_space<semaphore_mem>>) src(%dma_wait3A_111 : memref<50x100xi32, #tpu.memory_space<hbm>>) dst(%arg7 : memref<50x100xi32, #tpu.memory_space<vmem>>)
          tpu.yield
        }) : () -> ()
        "tpu.region"() ({
          %run_scoped3A_95 = tpu.sem_alloc : memref<!tpu.dma_semaphore, #tpu.memory_space<semaphore_mem>>
          %dma_start3A_96 = arith.constant 0 : i32
          %dma_start3A_97 = arith.constant 0 : i32
          %dma_start3A_98 = tpu.memref_slice %arg4[%add3A, %add3A_32, %dma_start3A_96, %dma_start3A_97] : memref<32x2x50x100xi32, #tpu.memory_space<hbm>> -> memref<1x1x50x100xi32, #tpu.memory_space<hbm>>
          %dma_start3A_99 = tpu.memref_squeeze %dma_start3A_98 : memref<1x1x50x100xi32, #tpu.memory_space<hbm>> -> memref<50x100xi32, #tpu.memory_space<hbm>>
          %dma_start3A_100 = arith.constant 0 : i32
          %dma_start3A_101 = arith.constant 0 : i32
          %dma_start3A_102 = tpu.memref_slice %arg4[%add3A, %add3A_32, %dma_start3A_100, %dma_start3A_101] : memref<32x2x50x100xi32, #tpu.memory_space<hbm>> -> memref<1x1x50x100xi32, #tpu.memory_space<hbm>>
          %dma_start3A_103 = tpu.memref_squeeze %dma_start3A_102 : memref<1x1x50x100xi32, #tpu.memory_space<hbm>> -> memref<50x100xi32, #tpu.memory_space<hbm>>
          tpu.enqueue_dma source(%dma_start3A_103 : memref<50x100xi32, #tpu.memory_space<hbm>>) target(%arg8 : memref<50x100xi32, #tpu.memory_space<vmem>>) target_semaphore(%run_scoped3A_95 : memref<!tpu.dma_semaphore, #tpu.memory_space<semaphore_mem>>)
          %dma_wait3A_104 = arith.constant 0 : i32
          %dma_wait3A_105 = arith.constant 0 : i32
          %dma_wait3A_106 = tpu.memref_slice %arg4[%add3A, %add3A_32, %dma_wait3A_104, %dma_wait3A_105] : memref<32x2x50x100xi32, #tpu.memory_space<hbm>> -> memref<1x1x50x100xi32, #tpu.memory_space<hbm>>
          %dma_wait3A_107 = tpu.memref_squeeze %dma_wait3A_106 : memref<1x1x50x100xi32, #tpu.memory_space<hbm>> -> memref<50x100xi32, #tpu.memory_space<hbm>>
          %dma_wait3A_108 = arith.constant 0 : i32
          %dma_wait3A_109 = arith.constant 0 : i32
          %dma_wait3A_110 = tpu.memref_slice %arg4[%add3A, %add3A_32, %dma_wait3A_108, %dma_wait3A_109] : memref<32x2x50x100xi32, #tpu.memory_space<hbm>> -> memref<1x1x50x100xi32, #tpu.memory_space<hbm>>
          %dma_wait3A_111 = tpu.memref_squeeze %dma_wait3A_110 : memref<1x1x50x100xi32, #tpu.memory_space<hbm>> -> memref<50x100xi32, #tpu.memory_space<hbm>>
          tpu.wait_dma2 semaphore(%run_scoped3A_95 : memref<!tpu.dma_semaphore, #tpu.memory_space<semaphore_mem>>) src(%dma_wait3A_111 : memref<50x100xi32, #tpu.memory_space<hbm>>) dst(%arg8 : memref<50x100xi32, #tpu.memory_space<vmem>>)
          tpu.yield
        }) : () -> ()
        %dma_start3A_81 = arith.constant 0 : i32
        %dma_start3A_82 = arith.constant 0 : i32
        %dma_start3A_83 = tpu.memref_slice %arg7[%dma_start3A_81, %dma_start3A_82] : memref<50x100xi32, #tpu.memory_space<vmem>> -> memref<1x100xi32, #tpu.memory_space<vmem>>
        %dma_start3A_84 = tpu.memref_squeeze %dma_start3A_83 : memref<1x100xi32, #tpu.memory_space<vmem>> -> memref<100xi32, #tpu.memory_space<vmem>>
        %dma_start3A_85 = arith.constant 0 : i32
        %dma_start3A_86 = arith.constant 0 : i32
        %dma_start3A_87 = tpu.memref_slice %arg2[%dma_start3A_85, %dma_start3A_86] : memref<10000x128xf32, #tpu.memory_space<hbm>> -> memref<10000x128xf32, #tpu.memory_space<hbm>>
        tpu.enqueue_indirect_dma source(%dma_start3A_87 : memref<10000x128xf32, #tpu.memory_space<hbm>>) target(%arg9 : memref<100x128xf32, #tpu.memory_space<vmem>>) offsets(%dma_start3A_84 : memref<100xi32, #tpu.memory_space<vmem>>) semaphore(%arg12 : memref<!tpu.dma_semaphore, #tpu.memory_space<semaphore_mem>>)
        %dma_start3A_88 = arith.constant 1 : i32
        %dma_start3A_89 = arith.constant 0 : i32
        %dma_start3A_90 = tpu.memref_slice %arg7[%dma_start3A_88, %dma_start3A_89] : memref<50x100xi32, #tpu.memory_space<vmem>> -> memref<1x100xi32, #tpu.memory_space<vmem>>
        %dma_start3A_91 = tpu.memref_squeeze %dma_start3A_90 : memref<1x100xi32, #tpu.memory_space<vmem>> -> memref<100xi32, #tpu.memory_space<vmem>>
        %dma_start3A_92 = arith.constant 0 : i32
        %dma_start3A_93 = arith.constant 0 : i32
        %dma_start3A_94 = tpu.memref_slice %arg2[%dma_start3A_92, %dma_start3A_93] : memref<10000x128xf32, #tpu.memory_space<hbm>> -> memref<10000x128xf32, #tpu.memory_space<hbm>>
        tpu.enqueue_indirect_dma source(%dma_start3A_94 : memref<10000x128xf32, #tpu.memory_space<hbm>>) target(%arg10 : memref<100x128xf32, #tpu.memory_space<vmem>>) offsets(%dma_start3A_91 : memref<100xi32, #tpu.memory_space<vmem>>) semaphore(%arg13 : memref<!tpu.dma_semaphore, #tpu.memory_space<semaphore_mem>>)
      } else {
      }
      %scan3A_35 = arith.constant 0 : i32
      %scan3A_36 = arith.constant 24 : i32
      %scan3A_37 = arith.addi %scan3A_35, %scan3A_36 : i32
      %scan3A_38 = arith.constant 1 : i32
      scf.for %scan3A_81 = %scan3A_35 to %scan3A_37 step %scan3A_38  : i32 {
        %mul3A_82 = arith.constant 1 : i32
        %mul3A_83 = arith.muli %scan3A_81, %mul3A_82 : i32
        %add3A_84 = arith.constant 0 : i32
        %add3A_85 = arith.addi %add3A_84, %mul3A_83 : i32
        %mul3A_86 = arith.constant 2 : i32
        %mul3A_87 = arith.muli %mul3A_86, %add3A_85 : i32
        %add3A_88 = arith.constant 0 : i32
        %add3A_89 = arith.addi %mul3A_87, %add3A_88 : i32
        %dma_wait3A_90 = arith.constant 0 : i32
        %dma_wait3A_91 = tpu.memref_slice %arg7[%add3A_89, %dma_wait3A_90] : memref<50x100xi32, #tpu.memory_space<vmem>> -> memref<1x100xi32, #tpu.memory_space<vmem>>
        %dma_wait3A_92 = tpu.memref_squeeze %dma_wait3A_91 : memref<1x100xi32, #tpu.memory_space<vmem>> -> memref<100xi32, #tpu.memory_space<vmem>>
        %dma_wait3A_93 = arith.constant 0 : i32
        %dma_wait3A_94 = arith.constant 0 : i32
        %dma_wait3A_95 = tpu.memref_slice %arg2[%dma_wait3A_93, %dma_wait3A_94] : memref<10000x128xf32, #tpu.memory_space<hbm>> -> memref<10000x128xf32, #tpu.memory_space<hbm>>
        tpu.wait_indirect_dma semaphore(%arg12 : memref<!tpu.dma_semaphore, #tpu.memory_space<semaphore_mem>>) src(%dma_wait3A_95 : memref<10000x128xf32, #tpu.memory_space<hbm>>) dst(%arg9 : memref<100x128xf32, #tpu.memory_space<vmem>>)
        %add3A_96 = arith.constant 0 : i32
        %add3A_97 = arith.addi %mul3A_87, %add3A_96 : i32
        %dma_start3A_98 = arith.constant 0 : i32
        %dma_start3A_99 = tpu.memref_slice %arg8[%add3A_97, %dma_start3A_98] : memref<50x100xi32, #tpu.memory_space<vmem>> -> memref<1x100xi32, #tpu.memory_space<vmem>>
        %dma_start3A_100 = tpu.memref_squeeze %dma_start3A_99 : memref<1x100xi32, #tpu.memory_space<vmem>> -> memref<100xi32, #tpu.memory_space<vmem>>
        %dma_start3A_101 = arith.constant 0 : i32
        %dma_start3A_102 = arith.constant 0 : i32
        %dma_start3A_103 = tpu.memref_slice %arg11[%dma_start3A_101, %dma_start3A_102] : memref<10240x128xf32, #tpu.memory_space<vmem_shared>> -> memref<10240x128xf32, #tpu.memory_space<vmem_shared>>
        tpu.enqueue_indirect_dma source(%arg9 : memref<100x128xf32, #tpu.memory_space<vmem>>) target(%dma_start3A_103 : memref<10240x128xf32, #tpu.memory_space<vmem_shared>>) offsets(%dma_start3A_100 : memref<100xi32, #tpu.memory_space<vmem>>) semaphore(%arg14 : memref<!tpu.dma_semaphore, #tpu.memory_space<semaphore_mem>>) {add = true}
        %add3A_104 = arith.constant 1 : i32
        %add3A_105 = arith.addi %mul3A_87, %add3A_104 : i32
        %dma_wait3A_106 = arith.constant 0 : i32
        %dma_wait3A_107 = tpu.memref_slice %arg7[%add3A_105, %dma_wait3A_106] : memref<50x100xi32, #tpu.memory_space<vmem>> -> memref<1x100xi32, #tpu.memory_space<vmem>>
        %dma_wait3A_108 = tpu.memref_squeeze %dma_wait3A_107 : memref<1x100xi32, #tpu.memory_space<vmem>> -> memref<100xi32, #tpu.memory_space<vmem>>
        %dma_wait3A_109 = arith.constant 0 : i32
        %dma_wait3A_110 = arith.constant 0 : i32
        %dma_wait3A_111 = tpu.memref_slice %arg2[%dma_wait3A_109, %dma_wait3A_110] : memref<10000x128xf32, #tpu.memory_space<hbm>> -> memref<10000x128xf32, #tpu.memory_space<hbm>>
        tpu.wait_indirect_dma semaphore(%arg13 : memref<!tpu.dma_semaphore, #tpu.memory_space<semaphore_mem>>) src(%dma_wait3A_111 : memref<10000x128xf32, #tpu.memory_space<hbm>>) dst(%arg10 : memref<100x128xf32, #tpu.memory_space<vmem>>)
        %add3A_112 = arith.constant 1 : i32
        %add3A_113 = arith.addi %mul3A_87, %add3A_112 : i32
        %dma_start3A_114 = arith.constant 0 : i32
        %dma_start3A_115 = tpu.memref_slice %arg8[%add3A_113, %dma_start3A_114] : memref<50x100xi32, #tpu.memory_space<vmem>> -> memref<1x100xi32, #tpu.memory_space<vmem>>
        %dma_start3A_116 = tpu.memref_squeeze %dma_start3A_115 : memref<1x100xi32, #tpu.memory_space<vmem>> -> memref<100xi32, #tpu.memory_space<vmem>>
        %dma_start3A_117 = arith.constant 0 : i32
        %dma_start3A_118 = arith.constant 0 : i32
        %dma_start3A_119 = tpu.memref_slice %arg11[%dma_start3A_117, %dma_start3A_118] : memref<10240x128xf32, #tpu.memory_space<vmem_shared>> -> memref<10240x128xf32, #tpu.memory_space<vmem_shared>>
        tpu.enqueue_indirect_dma source(%arg10 : memref<100x128xf32, #tpu.memory_space<vmem>>) target(%dma_start3A_119 : memref<10240x128xf32, #tpu.memory_space<vmem_shared>>) offsets(%dma_start3A_116 : memref<100xi32, #tpu.memory_space<vmem>>) semaphore(%arg15 : memref<!tpu.dma_semaphore, #tpu.memory_space<semaphore_mem>>) {add = true}
        %add3A_120 = arith.constant 0 : i32
        %add3A_121 = arith.addi %mul3A_87, %add3A_120 : i32
        %dma_wait3A_122 = arith.constant 0 : i32
        %dma_wait3A_123 = tpu.memref_slice %arg8[%add3A_121, %dma_wait3A_122] : memref<50x100xi32, #tpu.memory_space<vmem>> -> memref<1x100xi32, #tpu.memory_space<vmem>>
        %dma_wait3A_124 = tpu.memref_squeeze %dma_wait3A_123 : memref<1x100xi32, #tpu.memory_space<vmem>> -> memref<100xi32, #tpu.memory_space<vmem>>
        %dma_wait3A_125 = arith.constant 0 : i32
        %dma_wait3A_126 = arith.constant 0 : i32
        %dma_wait3A_127 = tpu.memref_slice %arg11[%dma_wait3A_125, %dma_wait3A_126] : memref<10240x128xf32, #tpu.memory_space<vmem_shared>> -> memref<10240x128xf32, #tpu.memory_space<vmem_shared>>
        tpu.wait_indirect_dma semaphore(%arg14 : memref<!tpu.dma_semaphore, #tpu.memory_space<semaphore_mem>>) src(%arg9 : memref<100x128xf32, #tpu.memory_space<vmem>>) dst(%dma_wait3A_127 : memref<10240x128xf32, #tpu.memory_space<vmem_shared>>)
        %add3A_128 = arith.constant 2 : i32
        %add3A_129 = arith.addi %mul3A_87, %add3A_128 : i32
        %add3A_130 = arith.constant 0 : i32
        %add3A_131 = arith.addi %add3A_129, %add3A_130 : i32
        %dma_start3A_132 = arith.constant 0 : i32
        %dma_start3A_133 = tpu.memref_slice %arg7[%add3A_131, %dma_start3A_132] : memref<50x100xi32, #tpu.memory_space<vmem>> -> memref<1x100xi32, #tpu.memory_space<vmem>>
        %dma_start3A_134 = tpu.memref_squeeze %dma_start3A_133 : memref<1x100xi32, #tpu.memory_space<vmem>> -> memref<100xi32, #tpu.memory_space<vmem>>
        %dma_start3A_135 = arith.constant 0 : i32
        %dma_start3A_136 = arith.constant 0 : i32
        %dma_start3A_137 = tpu.memref_slice %arg2[%dma_start3A_135, %dma_start3A_136] : memref<10000x128xf32, #tpu.memory_space<hbm>> -> memref<10000x128xf32, #tpu.memory_space<hbm>>
        tpu.enqueue_indirect_dma source(%dma_start3A_137 : memref<10000x128xf32, #tpu.memory_space<hbm>>) target(%arg9 : memref<100x128xf32, #tpu.memory_space<vmem>>) offsets(%dma_start3A_134 : memref<100xi32, #tpu.memory_space<vmem>>) semaphore(%arg12 : memref<!tpu.dma_semaphore, #tpu.memory_space<semaphore_mem>>)
        %add3A_138 = arith.constant 1 : i32
        %add3A_139 = arith.addi %mul3A_87, %add3A_138 : i32
        %dma_wait3A_140 = arith.constant 0 : i32
        %dma_wait3A_141 = tpu.memref_slice %arg8[%add3A_139, %dma_wait3A_140] : memref<50x100xi32, #tpu.memory_space<vmem>> -> memref<1x100xi32, #tpu.memory_space<vmem>>
        %dma_wait3A_142 = tpu.memref_squeeze %dma_wait3A_141 : memref<1x100xi32, #tpu.memory_space<vmem>> -> memref<100xi32, #tpu.memory_space<vmem>>
        %dma_wait3A_143 = arith.constant 0 : i32
        %dma_wait3A_144 = arith.constant 0 : i32
        %dma_wait3A_145 = tpu.memref_slice %arg11[%dma_wait3A_143, %dma_wait3A_144] : memref<10240x128xf32, #tpu.memory_space<vmem_shared>> -> memref<10240x128xf32, #tpu.memory_space<vmem_shared>>
        tpu.wait_indirect_dma semaphore(%arg15 : memref<!tpu.dma_semaphore, #tpu.memory_space<semaphore_mem>>) src(%arg10 : memref<100x128xf32, #tpu.memory_space<vmem>>) dst(%dma_wait3A_145 : memref<10240x128xf32, #tpu.memory_space<vmem_shared>>)
        %add3A_146 = arith.constant 2 : i32
        %add3A_147 = arith.addi %mul3A_87, %add3A_146 : i32
        %add3A_148 = arith.constant 1 : i32
        %add3A_149 = arith.addi %add3A_147, %add3A_148 : i32
        %dma_start3A_150 = arith.constant 0 : i32
        %dma_start3A_151 = tpu.memref_slice %arg7[%add3A_149, %dma_start3A_150] : memref<50x100xi32, #tpu.memory_space<vmem>> -> memref<1x100xi32, #tpu.memory_space<vmem>>
        %dma_start3A_152 = tpu.memref_squeeze %dma_start3A_151 : memref<1x100xi32, #tpu.memory_space<vmem>> -> memref<100xi32, #tpu.memory_space<vmem>>
        %dma_start3A_153 = arith.constant 0 : i32
        %dma_start3A_154 = arith.constant 0 : i32
        %dma_start3A_155 = tpu.memref_slice %arg2[%dma_start3A_153, %dma_start3A_154] : memref<10000x128xf32, #tpu.memory_space<hbm>> -> memref<10000x128xf32, #tpu.memory_space<hbm>>
        tpu.enqueue_indirect_dma source(%dma_start3A_155 : memref<10000x128xf32, #tpu.memory_space<hbm>>) target(%arg10 : memref<100x128xf32, #tpu.memory_space<vmem>>) offsets(%dma_start3A_152 : memref<100xi32, #tpu.memory_space<vmem>>) semaphore(%arg13 : memref<!tpu.dma_semaphore, #tpu.memory_space<semaphore_mem>>)
      }
      %scan3A_39 = arith.constant 24 : i32
      %dma_wait3A = arith.constant 48 : i32
      %dma_wait3A_40 = arith.constant 0 : i32
      %dma_wait3A_41 = tpu.memref_slice %arg7[%dma_wait3A, %dma_wait3A_40] : memref<50x100xi32, #tpu.memory_space<vmem>> -> memref<1x100xi32, #tpu.memory_space<vmem>>
      %dma_wait3A_42 = tpu.memref_squeeze %dma_wait3A_41 : memref<1x100xi32, #tpu.memory_space<vmem>> -> memref<100xi32, #tpu.memory_space<vmem>>
      %dma_wait3A_43 = arith.constant 0 : i32
      %dma_wait3A_44 = arith.constant 0 : i32
      %dma_wait3A_45 = tpu.memref_slice %arg2[%dma_wait3A_43, %dma_wait3A_44] : memref<10000x128xf32, #tpu.memory_space<hbm>> -> memref<10000x128xf32, #tpu.memory_space<hbm>>
      tpu.wait_indirect_dma semaphore(%arg12 : memref<!tpu.dma_semaphore, #tpu.memory_space<semaphore_mem>>) src(%dma_wait3A_45 : memref<10000x128xf32, #tpu.memory_space<hbm>>) dst(%arg9 : memref<100x128xf32, #tpu.memory_space<vmem>>)
      %dma_start3A_46 = arith.constant 48 : i32
      %dma_start3A_47 = arith.constant 0 : i32
      %dma_start3A_48 = tpu.memref_slice %arg8[%dma_start3A_46, %dma_start3A_47] : memref<50x100xi32, #tpu.memory_space<vmem>> -> memref<1x100xi32, #tpu.memory_space<vmem>>
      %dma_start3A_49 = tpu.memref_squeeze %dma_start3A_48 : memref<1x100xi32, #tpu.memory_space<vmem>> -> memref<100xi32, #tpu.memory_space<vmem>>
      %dma_start3A_50 = arith.constant 0 : i32
      %dma_start3A_51 = arith.constant 0 : i32
      %dma_start3A_52 = tpu.memref_slice %arg11[%dma_start3A_50, %dma_start3A_51] : memref<10240x128xf32, #tpu.memory_space<vmem_shared>> -> memref<10240x128xf32, #tpu.memory_space<vmem_shared>>
      tpu.enqueue_indirect_dma source(%arg9 : memref<100x128xf32, #tpu.memory_space<vmem>>) target(%dma_start3A_52 : memref<10240x128xf32, #tpu.memory_space<vmem_shared>>) offsets(%dma_start3A_49 : memref<100xi32, #tpu.memory_space<vmem>>) semaphore(%arg14 : memref<!tpu.dma_semaphore, #tpu.memory_space<semaphore_mem>>) {add = true}
      %dma_wait3A_53 = arith.constant 49 : i32
      %dma_wait3A_54 = arith.constant 0 : i32
      %dma_wait3A_55 = tpu.memref_slice %arg7[%dma_wait3A_53, %dma_wait3A_54] : memref<50x100xi32, #tpu.memory_space<vmem>> -> memref<1x100xi32, #tpu.memory_space<vmem>>
      %dma_wait3A_56 = tpu.memref_squeeze %dma_wait3A_55 : memref<1x100xi32, #tpu.memory_space<vmem>> -> memref<100xi32, #tpu.memory_space<vmem>>
      %dma_wait3A_57 = arith.constant 0 : i32
      %dma_wait3A_58 = arith.constant 0 : i32
      %dma_wait3A_59 = tpu.memref_slice %arg2[%dma_wait3A_57, %dma_wait3A_58] : memref<10000x128xf32, #tpu.memory_space<hbm>> -> memref<10000x128xf32, #tpu.memory_space<hbm>>
      tpu.wait_indirect_dma semaphore(%arg13 : memref<!tpu.dma_semaphore, #tpu.memory_space<semaphore_mem>>) src(%dma_wait3A_59 : memref<10000x128xf32, #tpu.memory_space<hbm>>) dst(%arg10 : memref<100x128xf32, #tpu.memory_space<vmem>>)
      %dma_start3A_60 = arith.constant 49 : i32
      %dma_start3A_61 = arith.constant 0 : i32
      %dma_start3A_62 = tpu.memref_slice %arg8[%dma_start3A_60, %dma_start3A_61] : memref<50x100xi32, #tpu.memory_space<vmem>> -> memref<1x100xi32, #tpu.memory_space<vmem>>
      %dma_start3A_63 = tpu.memref_squeeze %dma_start3A_62 : memref<1x100xi32, #tpu.memory_space<vmem>> -> memref<100xi32, #tpu.memory_space<vmem>>
      %dma_start3A_64 = arith.constant 0 : i32
      %dma_start3A_65 = arith.constant 0 : i32
      %dma_start3A_66 = tpu.memref_slice %arg11[%dma_start3A_64, %dma_start3A_65] : memref<10240x128xf32, #tpu.memory_space<vmem_shared>> -> memref<10240x128xf32, #tpu.memory_space<vmem_shared>>
      tpu.enqueue_indirect_dma source(%arg10 : memref<100x128xf32, #tpu.memory_space<vmem>>) target(%dma_start3A_66 : memref<10240x128xf32, #tpu.memory_space<vmem_shared>>) offsets(%dma_start3A_63 : memref<100xi32, #tpu.memory_space<vmem>>) semaphore(%arg15 : memref<!tpu.dma_semaphore, #tpu.memory_space<semaphore_mem>>) {add = true}
      %dma_wait3A_67 = arith.constant 48 : i32
      %dma_wait3A_68 = arith.constant 0 : i32
      %dma_wait3A_69 = tpu.memref_slice %arg8[%dma_wait3A_67, %dma_wait3A_68] : memref<50x100xi32, #tpu.memory_space<vmem>> -> memref<1x100xi32, #tpu.memory_space<vmem>>
      %dma_wait3A_70 = tpu.memref_squeeze %dma_wait3A_69 : memref<1x100xi32, #tpu.memory_space<vmem>> -> memref<100xi32, #tpu.memory_space<vmem>>
      %dma_wait3A_71 = arith.constant 0 : i32
      %dma_wait3A_72 = arith.constant 0 : i32
      %dma_wait3A_73 = tpu.memref_slice %arg11[%dma_wait3A_71, %dma_wait3A_72] : memref<10240x128xf32, #tpu.memory_space<vmem_shared>> -> memref<10240x128xf32, #tpu.memory_space<vmem_shared>>
      tpu.wait_indirect_dma semaphore(%arg14 : memref<!tpu.dma_semaphore, #tpu.memory_space<semaphore_mem>>) src(%arg9 : memref<100x128xf32, #tpu.memory_space<vmem>>) dst(%dma_wait3A_73 : memref<10240x128xf32, #tpu.memory_space<vmem_shared>>)
      %dma_wait3A_74 = arith.constant 49 : i32
      %dma_wait3A_75 = arith.constant 0 : i32
      %dma_wait3A_76 = tpu.memref_slice %arg8[%dma_wait3A_74, %dma_wait3A_75] : memref<50x100xi32, #tpu.memory_space<vmem>> -> memref<1x100xi32, #tpu.memory_space<vmem>>
      %dma_wait3A_77 = tpu.memref_squeeze %dma_wait3A_76 : memref<1x100xi32, #tpu.memory_space<vmem>> -> memref<100xi32, #tpu.memory_space<vmem>>
      %dma_wait3A_78 = arith.constant 0 : i32
      %dma_wait3A_79 = arith.constant 0 : i32
      %dma_wait3A_80 = tpu.memref_slice %arg11[%dma_wait3A_78, %dma_wait3A_79] : memref<10240x128xf32, #tpu.memory_space<vmem_shared>> -> memref<10240x128xf32, #tpu.memory_space<vmem_shared>>
      tpu.wait_indirect_dma semaphore(%arg15 : memref<!tpu.dma_semaphore, #tpu.memory_space<semaphore_mem>>) src(%arg10 : memref<100x128xf32, #tpu.memory_space<vmem>>) dst(%dma_wait3A_80 : memref<10240x128xf32, #tpu.memory_space<vmem_shared>>)
    }
    %scan3A_22 = arith.constant 2 : i32
    %barrier3A_23 = arith.constant 0 : index
    tpu.barrier barrier_id(%barrier3A_23)
    %mul3A_24 = arith.constant 640 : i32
    %mul3A_25 = arith.muli %arg1, %mul3A_24 : i32
    %mul3A_26 = arith.constant 640 : i32
    %mul3A_27 = arith.muli %arg1, %mul3A_26 : i32
    "tpu.region"() ({
      %run_scoped3A_28 = tpu.sem_alloc : memref<!tpu.dma_semaphore, #tpu.memory_space<semaphore_mem>>
      %dma_start3A_29 = arith.constant 0 : i32
      %dma_start3A_30 = tpu.memref_slice %arg6[%arg0, %mul3A_27, %dma_start3A_29] : memref<2x10240x128xf32, #tpu.memory_space<hbm>> -> memref<1x640x128xf32, #tpu.memory_space<hbm>>
      %dma_start3A_31 = tpu.memref_squeeze %dma_start3A_30 : memref<1x640x128xf32, #tpu.memory_space<hbm>> -> memref<640x128xf32, #tpu.memory_space<hbm>>
      %dma_start3A_32 = arith.constant 0 : i32
      %dma_start3A_33 = tpu.memref_slice %arg11[%mul3A_25, %dma_start3A_32] : memref<10240x128xf32, #tpu.memory_space<vmem_shared>> -> memref<640x128xf32, #tpu.memory_space<vmem_shared>>
      tpu.enqueue_dma source(%dma_start3A_33 : memref<640x128xf32, #tpu.memory_space<vmem_shared>>) target(%dma_start3A_31 : memref<640x128xf32, #tpu.memory_space<hbm>>) target_semaphore(%run_scoped3A_28 : memref<!tpu.dma_semaphore, #tpu.memory_space<semaphore_mem>>)
      %dma_wait3A = arith.constant 0 : i32
      %dma_wait3A_34 = tpu.memref_slice %arg6[%arg0, %mul3A_27, %dma_wait3A] : memref<2x10240x128xf32, #tpu.memory_space<hbm>> -> memref<1x640x128xf32, #tpu.memory_space<hbm>>
      %dma_wait3A_35 = tpu.memref_squeeze %dma_wait3A_34 : memref<1x640x128xf32, #tpu.memory_space<hbm>> -> memref<640x128xf32, #tpu.memory_space<hbm>>
      %dma_wait3A_36 = arith.constant 0 : i32
      %dma_wait3A_37 = tpu.memref_slice %arg11[%mul3A_25, %dma_wait3A_36] : memref<10240x128xf32, #tpu.memory_space<vmem_shared>> -> memref<640x128xf32, #tpu.memory_space<vmem_shared>>
      tpu.wait_dma2 semaphore(%run_scoped3A_28 : memref<!tpu.dma_semaphore, #tpu.memory_space<semaphore_mem>>) src(%dma_wait3A_37 : memref<640x128xf32, #tpu.memory_space<vmem_shared>>) dst(%dma_wait3A_35 : memref<640x128xf32, #tpu.memory_space<hbm>>)
      tpu.yield
    }) : () -> ()
    return
  }
}

#map = affine_map<(d0, d1) -> (0, 0)>
#map1 = affine_map<(d0, d1) -> (0, 0, 0, 0)>
#map2 = affine_map<(d0, d1) -> (0, 0, 0)>
module attributes {stable_mosaic.version = 14 : i64} {
  func.func @agg_kernel(%arg0: i32, %arg1: i32, %arg2: memref<20000x128xf32, #tpu.memory_space<hbm>>, %arg3: memref<32x4x50x100xi32, #tpu.memory_space<hbm>>, %arg4: memref<16x4x50x100xi32, #tpu.memory_space<hbm>>, %arg5: memref<10240x128xf32, #tpu.memory_space<hbm>>, %arg6: memref<2x10240x128xf32, #tpu.memory_space<hbm>>, %arg7: memref<50x100xi32, #tpu.memory_space<vmem>>, %arg8: memref<50x100xi32, #tpu.memory_space<vmem>>, %arg9: memref<100x128xf32, #tpu.memory_space<vmem>>, %arg10: memref<100x128xf32, #tpu.memory_space<vmem>>, %arg11: memref<10240x128xf32, #tpu.memory_space<vmem_shared>>, %arg12: memref<!tpu.dma_semaphore, #tpu.memory_space<semaphore_mem>>, %arg13: memref<!tpu.dma_semaphore, #tpu.memory_space<semaphore_mem>>, %arg14: memref<!tpu.dma_semaphore, #tpu.memory_space<semaphore_mem>>, %arg15: memref<!tpu.dma_semaphore, #tpu.memory_space<semaphore_mem>>) attributes {dimension_semantics = [#tpu.dimension_semantics<core_parallel>, #tpu.dimension_semantics<subcore_parallel>], iteration_bounds = array<i64: 2, 16>, scalar_prefetch = 0 : i64, scratch_operands = 9 : i64, tpu.core_type = #tpu.core_type<sc_vector_subcore>, window_params = [{transform_indices = #map}, {transform_indices = #map1}, {transform_indices = #map1}, {transform_indices = #map}, {transform_indices = #map2}]} {
    %mul3A = arith.constant 16 : i32
    %mul3A_0 = arith.muli %arg0, %mul3A : i32
    %add3A = arith.addi %mul3A_0, %arg1 : i32
    %run_scoped3A = arith.constant 0 : i32
    "tpu.region"() ({
      %run_scoped3A_28 = tpu.sem_alloc : memref<!tpu.dma_semaphore, #tpu.memory_space<semaphore_mem>>
      %dma_start3A_29 = arith.constant 0 : i32
      %dma_start3A_30 = arith.constant 0 : i32
      %dma_start3A_31 = tpu.memref_slice %arg3[%add3A, %run_scoped3A, %dma_start3A_29, %dma_start3A_30] : memref<32x4x50x100xi32, #tpu.memory_space<hbm>> -> memref<1x1x50x100xi32, #tpu.memory_space<hbm>>
      %dma_start3A_32 = tpu.memref_squeeze %dma_start3A_31 : memref<1x1x50x100xi32, #tpu.memory_space<hbm>> -> memref<50x100xi32, #tpu.memory_space<hbm>>
      %dma_start3A_33 = arith.constant 0 : i32
      %dma_start3A_34 = arith.constant 0 : i32
      %dma_start3A_35 = tpu.memref_slice %arg3[%add3A, %run_scoped3A, %dma_start3A_33, %dma_start3A_34] : memref<32x4x50x100xi32, #tpu.memory_space<hbm>> -> memref<1x1x50x100xi32, #tpu.memory_space<hbm>>
      %dma_start3A_36 = tpu.memref_squeeze %dma_start3A_35 : memref<1x1x50x100xi32, #tpu.memory_space<hbm>> -> memref<50x100xi32, #tpu.memory_space<hbm>>
      tpu.enqueue_dma source(%dma_start3A_36 : memref<50x100xi32, #tpu.memory_space<hbm>>) target(%arg7 : memref<50x100xi32, #tpu.memory_space<vmem>>) target_semaphore(%run_scoped3A_28 : memref<!tpu.dma_semaphore, #tpu.memory_space<semaphore_mem>>)
      %dma_wait3A = arith.constant 0 : i32
      %dma_wait3A_37 = arith.constant 0 : i32
      %dma_wait3A_38 = tpu.memref_slice %arg3[%add3A, %run_scoped3A, %dma_wait3A, %dma_wait3A_37] : memref<32x4x50x100xi32, #tpu.memory_space<hbm>> -> memref<1x1x50x100xi32, #tpu.memory_space<hbm>>
      %dma_wait3A_39 = tpu.memref_squeeze %dma_wait3A_38 : memref<1x1x50x100xi32, #tpu.memory_space<hbm>> -> memref<50x100xi32, #tpu.memory_space<hbm>>
      %dma_wait3A_40 = arith.constant 0 : i32
      %dma_wait3A_41 = arith.constant 0 : i32
      %dma_wait3A_42 = tpu.memref_slice %arg3[%add3A, %run_scoped3A, %dma_wait3A_40, %dma_wait3A_41] : memref<32x4x50x100xi32, #tpu.memory_space<hbm>> -> memref<1x1x50x100xi32, #tpu.memory_space<hbm>>
      %dma_wait3A_43 = tpu.memref_squeeze %dma_wait3A_42 : memref<1x1x50x100xi32, #tpu.memory_space<hbm>> -> memref<50x100xi32, #tpu.memory_space<hbm>>
      tpu.wait_dma2 semaphore(%run_scoped3A_28 : memref<!tpu.dma_semaphore, #tpu.memory_space<semaphore_mem>>) src(%dma_wait3A_43 : memref<50x100xi32, #tpu.memory_space<hbm>>) dst(%arg7 : memref<50x100xi32, #tpu.memory_space<vmem>>)
      tpu.yield
    }) : () -> ()
    %run_scoped3A_1 = arith.constant 0 : i32
    "tpu.region"() ({
      %run_scoped3A_28 = tpu.sem_alloc : memref<!tpu.dma_semaphore, #tpu.memory_space<semaphore_mem>>
      %dma_start3A_29 = arith.constant 0 : i32
      %dma_start3A_30 = arith.constant 0 : i32
      %dma_start3A_31 = tpu.memref_slice %arg4[%arg1, %run_scoped3A_1, %dma_start3A_29, %dma_start3A_30] : memref<16x4x50x100xi32, #tpu.memory_space<hbm>> -> memref<1x1x50x100xi32, #tpu.memory_space<hbm>>
      %dma_start3A_32 = tpu.memref_squeeze %dma_start3A_31 : memref<1x1x50x100xi32, #tpu.memory_space<hbm>> -> memref<50x100xi32, #tpu.memory_space<hbm>>
      %dma_start3A_33 = arith.constant 0 : i32
      %dma_start3A_34 = arith.constant 0 : i32
      %dma_start3A_35 = tpu.memref_slice %arg4[%arg1, %run_scoped3A_1, %dma_start3A_33, %dma_start3A_34] : memref<16x4x50x100xi32, #tpu.memory_space<hbm>> -> memref<1x1x50x100xi32, #tpu.memory_space<hbm>>
      %dma_start3A_36 = tpu.memref_squeeze %dma_start3A_35 : memref<1x1x50x100xi32, #tpu.memory_space<hbm>> -> memref<50x100xi32, #tpu.memory_space<hbm>>
      tpu.enqueue_dma source(%dma_start3A_36 : memref<50x100xi32, #tpu.memory_space<hbm>>) target(%arg8 : memref<50x100xi32, #tpu.memory_space<vmem>>) target_semaphore(%run_scoped3A_28 : memref<!tpu.dma_semaphore, #tpu.memory_space<semaphore_mem>>)
      %dma_wait3A = arith.constant 0 : i32
      %dma_wait3A_37 = arith.constant 0 : i32
      %dma_wait3A_38 = tpu.memref_slice %arg4[%arg1, %run_scoped3A_1, %dma_wait3A, %dma_wait3A_37] : memref<16x4x50x100xi32, #tpu.memory_space<hbm>> -> memref<1x1x50x100xi32, #tpu.memory_space<hbm>>
      %dma_wait3A_39 = tpu.memref_squeeze %dma_wait3A_38 : memref<1x1x50x100xi32, #tpu.memory_space<hbm>> -> memref<50x100xi32, #tpu.memory_space<hbm>>
      %dma_wait3A_40 = arith.constant 0 : i32
      %dma_wait3A_41 = arith.constant 0 : i32
      %dma_wait3A_42 = tpu.memref_slice %arg4[%arg1, %run_scoped3A_1, %dma_wait3A_40, %dma_wait3A_41] : memref<16x4x50x100xi32, #tpu.memory_space<hbm>> -> memref<1x1x50x100xi32, #tpu.memory_space<hbm>>
      %dma_wait3A_43 = tpu.memref_squeeze %dma_wait3A_42 : memref<1x1x50x100xi32, #tpu.memory_space<hbm>> -> memref<50x100xi32, #tpu.memory_space<hbm>>
      tpu.wait_dma2 semaphore(%run_scoped3A_28 : memref<!tpu.dma_semaphore, #tpu.memory_space<semaphore_mem>>) src(%dma_wait3A_43 : memref<50x100xi32, #tpu.memory_space<hbm>>) dst(%arg8 : memref<50x100xi32, #tpu.memory_space<vmem>>)
      tpu.yield
    }) : () -> ()
    %dma_start3A = arith.constant 0 : i32
    %dma_start3A_2 = arith.constant 0 : i32
    %dma_start3A_3 = tpu.memref_slice %arg7[%dma_start3A, %dma_start3A_2] : memref<50x100xi32, #tpu.memory_space<vmem>> -> memref<1x100xi32, #tpu.memory_space<vmem>>
    %dma_start3A_4 = tpu.memref_squeeze %dma_start3A_3 : memref<1x100xi32, #tpu.memory_space<vmem>> -> memref<100xi32, #tpu.memory_space<vmem>>
    %dma_start3A_5 = arith.constant 0 : i32
    %dma_start3A_6 = arith.constant 0 : i32
    %dma_start3A_7 = tpu.memref_slice %arg2[%dma_start3A_5, %dma_start3A_6] : memref<20000x128xf32, #tpu.memory_space<hbm>> -> memref<20000x128xf32, #tpu.memory_space<hbm>>
    tpu.enqueue_indirect_dma source(%dma_start3A_7 : memref<20000x128xf32, #tpu.memory_space<hbm>>) target(%arg9 : memref<100x128xf32, #tpu.memory_space<vmem>>) offsets(%dma_start3A_4 : memref<100xi32, #tpu.memory_space<vmem>>) semaphore(%arg12 : memref<!tpu.dma_semaphore, #tpu.memory_space<semaphore_mem>>)
    %dma_start3A_8 = arith.constant 1 : i32
    %dma_start3A_9 = arith.constant 0 : i32
    %dma_start3A_10 = tpu.memref_slice %arg7[%dma_start3A_8, %dma_start3A_9] : memref<50x100xi32, #tpu.memory_space<vmem>> -> memref<1x100xi32, #tpu.memory_space<vmem>>
    %dma_start3A_11 = tpu.memref_squeeze %dma_start3A_10 : memref<1x100xi32, #tpu.memory_space<vmem>> -> memref<100xi32, #tpu.memory_space<vmem>>
    %dma_start3A_12 = arith.constant 0 : i32
    %dma_start3A_13 = arith.constant 0 : i32
    %dma_start3A_14 = tpu.memref_slice %arg2[%dma_start3A_12, %dma_start3A_13] : memref<20000x128xf32, #tpu.memory_space<hbm>> -> memref<20000x128xf32, #tpu.memory_space<hbm>>
    tpu.enqueue_indirect_dma source(%dma_start3A_14 : memref<20000x128xf32, #tpu.memory_space<hbm>>) target(%arg10 : memref<100x128xf32, #tpu.memory_space<vmem>>) offsets(%dma_start3A_11 : memref<100xi32, #tpu.memory_space<vmem>>) semaphore(%arg13 : memref<!tpu.dma_semaphore, #tpu.memory_space<semaphore_mem>>)
    %mul3A_15 = arith.constant 640 : i32
    %mul3A_16 = arith.muli %arg1, %mul3A_15 : i32
    %mul3A_17 = arith.constant 640 : i32
    %mul3A_18 = arith.muli %arg1, %mul3A_17 : i32
    "tpu.region"() ({
      %run_scoped3A_28 = tpu.sem_alloc : memref<!tpu.dma_semaphore, #tpu.memory_space<semaphore_mem>>
      %dma_start3A_29 = arith.constant 0 : i32
      %dma_start3A_30 = tpu.memref_slice %arg11[%mul3A_18, %dma_start3A_29] : memref<10240x128xf32, #tpu.memory_space<vmem_shared>> -> memref<640x128xf32, #tpu.memory_space<vmem_shared>>
      %dma_start3A_31 = arith.constant 0 : i32
      %dma_start3A_32 = tpu.memref_slice %arg5[%mul3A_16, %dma_start3A_31] : memref<10240x128xf32, #tpu.memory_space<hbm>> -> memref<640x128xf32, #tpu.memory_space<hbm>>
      tpu.enqueue_dma source(%dma_start3A_32 : memref<640x128xf32, #tpu.memory_space<hbm>>) target(%dma_start3A_30 : memref<640x128xf32, #tpu.memory_space<vmem_shared>>) target_semaphore(%run_scoped3A_28 : memref<!tpu.dma_semaphore, #tpu.memory_space<semaphore_mem>>)
      %dma_wait3A = arith.constant 0 : i32
      %dma_wait3A_33 = tpu.memref_slice %arg11[%mul3A_18, %dma_wait3A] : memref<10240x128xf32, #tpu.memory_space<vmem_shared>> -> memref<640x128xf32, #tpu.memory_space<vmem_shared>>
      %dma_wait3A_34 = arith.constant 0 : i32
      %dma_wait3A_35 = tpu.memref_slice %arg5[%mul3A_16, %dma_wait3A_34] : memref<10240x128xf32, #tpu.memory_space<hbm>> -> memref<640x128xf32, #tpu.memory_space<hbm>>
      tpu.wait_dma2 semaphore(%run_scoped3A_28 : memref<!tpu.dma_semaphore, #tpu.memory_space<semaphore_mem>>) src(%dma_wait3A_35 : memref<640x128xf32, #tpu.memory_space<hbm>>) dst(%dma_wait3A_33 : memref<640x128xf32, #tpu.memory_space<vmem_shared>>)
      tpu.yield
    }) : () -> ()
    %barrier3A = arith.constant 0 : index
    tpu.barrier barrier_id(%barrier3A)
    %scan3A = arith.constant 0 : i32
    %scan3A_19 = arith.constant 4 : i32
    %scan3A_20 = arith.addi %scan3A, %scan3A_19 : i32
    %scan3A_21 = arith.constant 1 : i32
    scf.for %scan3A_28 = %scan3A to %scan3A_20 step %scan3A_21  : i32 {
      %mul3A_29 = arith.constant 1 : i32
      %mul3A_30 = arith.muli %scan3A_28, %mul3A_29 : i32
      %add3A_31 = arith.constant 0 : i32
      %add3A_32 = arith.addi %add3A_31, %mul3A_30 : i32
      %gt3A = arith.constant 0 : i32
      %gt3A_33 = arith.cmpi sgt, %add3A_32, %gt3A : i32
      %convert_element_type3A = arith.extui %gt3A_33 : i1 to i32
      %cond3A = arith.constant 0 : i32
      %cond3A_34 = arith.cmpi ne, %convert_element_type3A, %cond3A : i32
      scf.if %cond3A_34 {
        "tpu.region"() ({
          %run_scoped3A_95 = tpu.sem_alloc : memref<!tpu.dma_semaphore, #tpu.memory_space<semaphore_mem>>
          %dma_start3A_96 = arith.constant 0 : i32
          %dma_start3A_97 = arith.constant 0 : i32
          %dma_start3A_98 = tpu.memref_slice %arg3[%add3A, %add3A_32, %dma_start3A_96, %dma_start3A_97] : memref<32x4x50x100xi32, #tpu.memory_space<hbm>> -> memref<1x1x50x100xi32, #tpu.memory_space<hbm>>
          %dma_start3A_99 = tpu.memref_squeeze %dma_start3A_98 : memref<1x1x50x100xi32, #tpu.memory_space<hbm>> -> memref<50x100xi32, #tpu.memory_space<hbm>>
          %dma_start3A_100 = arith.constant 0 : i32
          %dma_start3A_101 = arith.constant 0 : i32
          %dma_start3A_102 = tpu.memref_slice %arg3[%add3A, %add3A_32, %dma_start3A_100, %dma_start3A_101] : memref<32x4x50x100xi32, #tpu.memory_space<hbm>> -> memref<1x1x50x100xi32, #tpu.memory_space<hbm>>
          %dma_start3A_103 = tpu.memref_squeeze %dma_start3A_102 : memref<1x1x50x100xi32, #tpu.memory_space<hbm>> -> memref<50x100xi32, #tpu.memory_space<hbm>>
          tpu.enqueue_dma source(%dma_start3A_103 : memref<50x100xi32, #tpu.memory_space<hbm>>) target(%arg7 : memref<50x100xi32, #tpu.memory_space<vmem>>) target_semaphore(%run_scoped3A_95 : memref<!tpu.dma_semaphore, #tpu.memory_space<semaphore_mem>>)
          %dma_wait3A_104 = arith.constant 0 : i32
          %dma_wait3A_105 = arith.constant 0 : i32
          %dma_wait3A_106 = tpu.memref_slice %arg3[%add3A, %add3A_32, %dma_wait3A_104, %dma_wait3A_105] : memref<32x4x50x100xi32, #tpu.memory_space<hbm>> -> memref<1x1x50x100xi32, #tpu.memory_space<hbm>>
          %dma_wait3A_107 = tpu.memref_squeeze %dma_wait3A_106 : memref<1x1x50x100xi32, #tpu.memory_space<hbm>> -> memref<50x100xi32, #tpu.memory_space<hbm>>
          %dma_wait3A_108 = arith.constant 0 : i32
          %dma_wait3A_109 = arith.constant 0 : i32
          %dma_wait3A_110 = tpu.memref_slice %arg3[%add3A, %add3A_32, %dma_wait3A_108, %dma_wait3A_109] : memref<32x4x50x100xi32, #tpu.memory_space<hbm>> -> memref<1x1x50x100xi32, #tpu.memory_space<hbm>>
          %dma_wait3A_111 = tpu.memref_squeeze %dma_wait3A_110 : memref<1x1x50x100xi32, #tpu.memory_space<hbm>> -> memref<50x100xi32, #tpu.memory_space<hbm>>
          tpu.wait_dma2 semaphore(%run_scoped3A_95 : memref<!tpu.dma_semaphore, #tpu.memory_space<semaphore_mem>>) src(%dma_wait3A_111 : memref<50x100xi32, #tpu.memory_space<hbm>>) dst(%arg7 : memref<50x100xi32, #tpu.memory_space<vmem>>)
          tpu.yield
        }) : () -> ()
        "tpu.region"() ({
          %run_scoped3A_95 = tpu.sem_alloc : memref<!tpu.dma_semaphore, #tpu.memory_space<semaphore_mem>>
          %dma_start3A_96 = arith.constant 0 : i32
          %dma_start3A_97 = arith.constant 0 : i32
          %dma_start3A_98 = tpu.memref_slice %arg4[%arg1, %add3A_32, %dma_start3A_96, %dma_start3A_97] : memref<16x4x50x100xi32, #tpu.memory_space<hbm>> -> memref<1x1x50x100xi32, #tpu.memory_space<hbm>>
          %dma_start3A_99 = tpu.memref_squeeze %dma_start3A_98 : memref<1x1x50x100xi32, #tpu.memory_space<hbm>> -> memref<50x100xi32, #tpu.memory_space<hbm>>
          %dma_start3A_100 = arith.constant 0 : i32
          %dma_start3A_101 = arith.constant 0 : i32
          %dma_start3A_102 = tpu.memref_slice %arg4[%arg1, %add3A_32, %dma_start3A_100, %dma_start3A_101] : memref<16x4x50x100xi32, #tpu.memory_space<hbm>> -> memref<1x1x50x100xi32, #tpu.memory_space<hbm>>
          %dma_start3A_103 = tpu.memref_squeeze %dma_start3A_102 : memref<1x1x50x100xi32, #tpu.memory_space<hbm>> -> memref<50x100xi32, #tpu.memory_space<hbm>>
          tpu.enqueue_dma source(%dma_start3A_103 : memref<50x100xi32, #tpu.memory_space<hbm>>) target(%arg8 : memref<50x100xi32, #tpu.memory_space<vmem>>) target_semaphore(%run_scoped3A_95 : memref<!tpu.dma_semaphore, #tpu.memory_space<semaphore_mem>>)
          %dma_wait3A_104 = arith.constant 0 : i32
          %dma_wait3A_105 = arith.constant 0 : i32
          %dma_wait3A_106 = tpu.memref_slice %arg4[%arg1, %add3A_32, %dma_wait3A_104, %dma_wait3A_105] : memref<16x4x50x100xi32, #tpu.memory_space<hbm>> -> memref<1x1x50x100xi32, #tpu.memory_space<hbm>>
          %dma_wait3A_107 = tpu.memref_squeeze %dma_wait3A_106 : memref<1x1x50x100xi32, #tpu.memory_space<hbm>> -> memref<50x100xi32, #tpu.memory_space<hbm>>
          %dma_wait3A_108 = arith.constant 0 : i32
          %dma_wait3A_109 = arith.constant 0 : i32
          %dma_wait3A_110 = tpu.memref_slice %arg4[%arg1, %add3A_32, %dma_wait3A_108, %dma_wait3A_109] : memref<16x4x50x100xi32, #tpu.memory_space<hbm>> -> memref<1x1x50x100xi32, #tpu.memory_space<hbm>>
          %dma_wait3A_111 = tpu.memref_squeeze %dma_wait3A_110 : memref<1x1x50x100xi32, #tpu.memory_space<hbm>> -> memref<50x100xi32, #tpu.memory_space<hbm>>
          tpu.wait_dma2 semaphore(%run_scoped3A_95 : memref<!tpu.dma_semaphore, #tpu.memory_space<semaphore_mem>>) src(%dma_wait3A_111 : memref<50x100xi32, #tpu.memory_space<hbm>>) dst(%arg8 : memref<50x100xi32, #tpu.memory_space<vmem>>)
          tpu.yield
        }) : () -> ()
        %dma_start3A_81 = arith.constant 0 : i32
        %dma_start3A_82 = arith.constant 0 : i32
        %dma_start3A_83 = tpu.memref_slice %arg7[%dma_start3A_81, %dma_start3A_82] : memref<50x100xi32, #tpu.memory_space<vmem>> -> memref<1x100xi32, #tpu.memory_space<vmem>>
        %dma_start3A_84 = tpu.memref_squeeze %dma_start3A_83 : memref<1x100xi32, #tpu.memory_space<vmem>> -> memref<100xi32, #tpu.memory_space<vmem>>
        %dma_start3A_85 = arith.constant 0 : i32
        %dma_start3A_86 = arith.constant 0 : i32
        %dma_start3A_87 = tpu.memref_slice %arg2[%dma_start3A_85, %dma_start3A_86] : memref<20000x128xf32, #tpu.memory_space<hbm>> -> memref<20000x128xf32, #tpu.memory_space<hbm>>
        tpu.enqueue_indirect_dma source(%dma_start3A_87 : memref<20000x128xf32, #tpu.memory_space<hbm>>) target(%arg9 : memref<100x128xf32, #tpu.memory_space<vmem>>) offsets(%dma_start3A_84 : memref<100xi32, #tpu.memory_space<vmem>>) semaphore(%arg12 : memref<!tpu.dma_semaphore, #tpu.memory_space<semaphore_mem>>)
        %dma_start3A_88 = arith.constant 1 : i32
        %dma_start3A_89 = arith.constant 0 : i32
        %dma_start3A_90 = tpu.memref_slice %arg7[%dma_start3A_88, %dma_start3A_89] : memref<50x100xi32, #tpu.memory_space<vmem>> -> memref<1x100xi32, #tpu.memory_space<vmem>>
        %dma_start3A_91 = tpu.memref_squeeze %dma_start3A_90 : memref<1x100xi32, #tpu.memory_space<vmem>> -> memref<100xi32, #tpu.memory_space<vmem>>
        %dma_start3A_92 = arith.constant 0 : i32
        %dma_start3A_93 = arith.constant 0 : i32
        %dma_start3A_94 = tpu.memref_slice %arg2[%dma_start3A_92, %dma_start3A_93] : memref<20000x128xf32, #tpu.memory_space<hbm>> -> memref<20000x128xf32, #tpu.memory_space<hbm>>
        tpu.enqueue_indirect_dma source(%dma_start3A_94 : memref<20000x128xf32, #tpu.memory_space<hbm>>) target(%arg10 : memref<100x128xf32, #tpu.memory_space<vmem>>) offsets(%dma_start3A_91 : memref<100xi32, #tpu.memory_space<vmem>>) semaphore(%arg13 : memref<!tpu.dma_semaphore, #tpu.memory_space<semaphore_mem>>)
      } else {
      }
      %scan3A_35 = arith.constant 0 : i32
      %scan3A_36 = arith.constant 24 : i32
      %scan3A_37 = arith.addi %scan3A_35, %scan3A_36 : i32
      %scan3A_38 = arith.constant 1 : i32
      scf.for %scan3A_81 = %scan3A_35 to %scan3A_37 step %scan3A_38  : i32 {
        %mul3A_82 = arith.constant 1 : i32
        %mul3A_83 = arith.muli %scan3A_81, %mul3A_82 : i32
        %add3A_84 = arith.constant 0 : i32
        %add3A_85 = arith.addi %add3A_84, %mul3A_83 : i32
        %mul3A_86 = arith.constant 2 : i32
        %mul3A_87 = arith.muli %mul3A_86, %add3A_85 : i32
        %add3A_88 = arith.constant 0 : i32
        %add3A_89 = arith.addi %mul3A_87, %add3A_88 : i32
        %dma_wait3A_90 = arith.constant 0 : i32
        %dma_wait3A_91 = tpu.memref_slice %arg7[%add3A_89, %dma_wait3A_90] : memref<50x100xi32, #tpu.memory_space<vmem>> -> memref<1x100xi32, #tpu.memory_space<vmem>>
        %dma_wait3A_92 = tpu.memref_squeeze %dma_wait3A_91 : memref<1x100xi32, #tpu.memory_space<vmem>> -> memref<100xi32, #tpu.memory_space<vmem>>
        %dma_wait3A_93 = arith.constant 0 : i32
        %dma_wait3A_94 = arith.constant 0 : i32
        %dma_wait3A_95 = tpu.memref_slice %arg2[%dma_wait3A_93, %dma_wait3A_94] : memref<20000x128xf32, #tpu.memory_space<hbm>> -> memref<20000x128xf32, #tpu.memory_space<hbm>>
        tpu.wait_indirect_dma semaphore(%arg12 : memref<!tpu.dma_semaphore, #tpu.memory_space<semaphore_mem>>) src(%dma_wait3A_95 : memref<20000x128xf32, #tpu.memory_space<hbm>>) dst(%arg9 : memref<100x128xf32, #tpu.memory_space<vmem>>)
        %add3A_96 = arith.constant 0 : i32
        %add3A_97 = arith.addi %mul3A_87, %add3A_96 : i32
        %dma_start3A_98 = arith.constant 0 : i32
        %dma_start3A_99 = tpu.memref_slice %arg8[%add3A_97, %dma_start3A_98] : memref<50x100xi32, #tpu.memory_space<vmem>> -> memref<1x100xi32, #tpu.memory_space<vmem>>
        %dma_start3A_100 = tpu.memref_squeeze %dma_start3A_99 : memref<1x100xi32, #tpu.memory_space<vmem>> -> memref<100xi32, #tpu.memory_space<vmem>>
        %dma_start3A_101 = arith.constant 0 : i32
        %dma_start3A_102 = arith.constant 0 : i32
        %dma_start3A_103 = tpu.memref_slice %arg11[%dma_start3A_101, %dma_start3A_102] : memref<10240x128xf32, #tpu.memory_space<vmem_shared>> -> memref<10240x128xf32, #tpu.memory_space<vmem_shared>>
        tpu.enqueue_indirect_dma source(%arg9 : memref<100x128xf32, #tpu.memory_space<vmem>>) target(%dma_start3A_103 : memref<10240x128xf32, #tpu.memory_space<vmem_shared>>) offsets(%dma_start3A_100 : memref<100xi32, #tpu.memory_space<vmem>>) semaphore(%arg14 : memref<!tpu.dma_semaphore, #tpu.memory_space<semaphore_mem>>) {add = true}
        %add3A_104 = arith.constant 1 : i32
        %add3A_105 = arith.addi %mul3A_87, %add3A_104 : i32
        %dma_wait3A_106 = arith.constant 0 : i32
        %dma_wait3A_107 = tpu.memref_slice %arg7[%add3A_105, %dma_wait3A_106] : memref<50x100xi32, #tpu.memory_space<vmem>> -> memref<1x100xi32, #tpu.memory_space<vmem>>
        %dma_wait3A_108 = tpu.memref_squeeze %dma_wait3A_107 : memref<1x100xi32, #tpu.memory_space<vmem>> -> memref<100xi32, #tpu.memory_space<vmem>>
        %dma_wait3A_109 = arith.constant 0 : i32
        %dma_wait3A_110 = arith.constant 0 : i32
        %dma_wait3A_111 = tpu.memref_slice %arg2[%dma_wait3A_109, %dma_wait3A_110] : memref<20000x128xf32, #tpu.memory_space<hbm>> -> memref<20000x128xf32, #tpu.memory_space<hbm>>
        tpu.wait_indirect_dma semaphore(%arg13 : memref<!tpu.dma_semaphore, #tpu.memory_space<semaphore_mem>>) src(%dma_wait3A_111 : memref<20000x128xf32, #tpu.memory_space<hbm>>) dst(%arg10 : memref<100x128xf32, #tpu.memory_space<vmem>>)
        %add3A_112 = arith.constant 1 : i32
        %add3A_113 = arith.addi %mul3A_87, %add3A_112 : i32
        %dma_start3A_114 = arith.constant 0 : i32
        %dma_start3A_115 = tpu.memref_slice %arg8[%add3A_113, %dma_start3A_114] : memref<50x100xi32, #tpu.memory_space<vmem>> -> memref<1x100xi32, #tpu.memory_space<vmem>>
        %dma_start3A_116 = tpu.memref_squeeze %dma_start3A_115 : memref<1x100xi32, #tpu.memory_space<vmem>> -> memref<100xi32, #tpu.memory_space<vmem>>
        %dma_start3A_117 = arith.constant 0 : i32
        %dma_start3A_118 = arith.constant 0 : i32
        %dma_start3A_119 = tpu.memref_slice %arg11[%dma_start3A_117, %dma_start3A_118] : memref<10240x128xf32, #tpu.memory_space<vmem_shared>> -> memref<10240x128xf32, #tpu.memory_space<vmem_shared>>
        tpu.enqueue_indirect_dma source(%arg10 : memref<100x128xf32, #tpu.memory_space<vmem>>) target(%dma_start3A_119 : memref<10240x128xf32, #tpu.memory_space<vmem_shared>>) offsets(%dma_start3A_116 : memref<100xi32, #tpu.memory_space<vmem>>) semaphore(%arg15 : memref<!tpu.dma_semaphore, #tpu.memory_space<semaphore_mem>>) {add = true}
        %add3A_120 = arith.constant 0 : i32
        %add3A_121 = arith.addi %mul3A_87, %add3A_120 : i32
        %dma_wait3A_122 = arith.constant 0 : i32
        %dma_wait3A_123 = tpu.memref_slice %arg8[%add3A_121, %dma_wait3A_122] : memref<50x100xi32, #tpu.memory_space<vmem>> -> memref<1x100xi32, #tpu.memory_space<vmem>>
        %dma_wait3A_124 = tpu.memref_squeeze %dma_wait3A_123 : memref<1x100xi32, #tpu.memory_space<vmem>> -> memref<100xi32, #tpu.memory_space<vmem>>
        %dma_wait3A_125 = arith.constant 0 : i32
        %dma_wait3A_126 = arith.constant 0 : i32
        %dma_wait3A_127 = tpu.memref_slice %arg11[%dma_wait3A_125, %dma_wait3A_126] : memref<10240x128xf32, #tpu.memory_space<vmem_shared>> -> memref<10240x128xf32, #tpu.memory_space<vmem_shared>>
        tpu.wait_indirect_dma semaphore(%arg14 : memref<!tpu.dma_semaphore, #tpu.memory_space<semaphore_mem>>) src(%arg9 : memref<100x128xf32, #tpu.memory_space<vmem>>) dst(%dma_wait3A_127 : memref<10240x128xf32, #tpu.memory_space<vmem_shared>>)
        %add3A_128 = arith.constant 2 : i32
        %add3A_129 = arith.addi %mul3A_87, %add3A_128 : i32
        %add3A_130 = arith.constant 0 : i32
        %add3A_131 = arith.addi %add3A_129, %add3A_130 : i32
        %dma_start3A_132 = arith.constant 0 : i32
        %dma_start3A_133 = tpu.memref_slice %arg7[%add3A_131, %dma_start3A_132] : memref<50x100xi32, #tpu.memory_space<vmem>> -> memref<1x100xi32, #tpu.memory_space<vmem>>
        %dma_start3A_134 = tpu.memref_squeeze %dma_start3A_133 : memref<1x100xi32, #tpu.memory_space<vmem>> -> memref<100xi32, #tpu.memory_space<vmem>>
        %dma_start3A_135 = arith.constant 0 : i32
        %dma_start3A_136 = arith.constant 0 : i32
        %dma_start3A_137 = tpu.memref_slice %arg2[%dma_start3A_135, %dma_start3A_136] : memref<20000x128xf32, #tpu.memory_space<hbm>> -> memref<20000x128xf32, #tpu.memory_space<hbm>>
        tpu.enqueue_indirect_dma source(%dma_start3A_137 : memref<20000x128xf32, #tpu.memory_space<hbm>>) target(%arg9 : memref<100x128xf32, #tpu.memory_space<vmem>>) offsets(%dma_start3A_134 : memref<100xi32, #tpu.memory_space<vmem>>) semaphore(%arg12 : memref<!tpu.dma_semaphore, #tpu.memory_space<semaphore_mem>>)
        %add3A_138 = arith.constant 1 : i32
        %add3A_139 = arith.addi %mul3A_87, %add3A_138 : i32
        %dma_wait3A_140 = arith.constant 0 : i32
        %dma_wait3A_141 = tpu.memref_slice %arg8[%add3A_139, %dma_wait3A_140] : memref<50x100xi32, #tpu.memory_space<vmem>> -> memref<1x100xi32, #tpu.memory_space<vmem>>
        %dma_wait3A_142 = tpu.memref_squeeze %dma_wait3A_141 : memref<1x100xi32, #tpu.memory_space<vmem>> -> memref<100xi32, #tpu.memory_space<vmem>>
        %dma_wait3A_143 = arith.constant 0 : i32
        %dma_wait3A_144 = arith.constant 0 : i32
        %dma_wait3A_145 = tpu.memref_slice %arg11[%dma_wait3A_143, %dma_wait3A_144] : memref<10240x128xf32, #tpu.memory_space<vmem_shared>> -> memref<10240x128xf32, #tpu.memory_space<vmem_shared>>
        tpu.wait_indirect_dma semaphore(%arg15 : memref<!tpu.dma_semaphore, #tpu.memory_space<semaphore_mem>>) src(%arg10 : memref<100x128xf32, #tpu.memory_space<vmem>>) dst(%dma_wait3A_145 : memref<10240x128xf32, #tpu.memory_space<vmem_shared>>)
        %add3A_146 = arith.constant 2 : i32
        %add3A_147 = arith.addi %mul3A_87, %add3A_146 : i32
        %add3A_148 = arith.constant 1 : i32
        %add3A_149 = arith.addi %add3A_147, %add3A_148 : i32
        %dma_start3A_150 = arith.constant 0 : i32
        %dma_start3A_151 = tpu.memref_slice %arg7[%add3A_149, %dma_start3A_150] : memref<50x100xi32, #tpu.memory_space<vmem>> -> memref<1x100xi32, #tpu.memory_space<vmem>>
        %dma_start3A_152 = tpu.memref_squeeze %dma_start3A_151 : memref<1x100xi32, #tpu.memory_space<vmem>> -> memref<100xi32, #tpu.memory_space<vmem>>
        %dma_start3A_153 = arith.constant 0 : i32
        %dma_start3A_154 = arith.constant 0 : i32
        %dma_start3A_155 = tpu.memref_slice %arg2[%dma_start3A_153, %dma_start3A_154] : memref<20000x128xf32, #tpu.memory_space<hbm>> -> memref<20000x128xf32, #tpu.memory_space<hbm>>
        tpu.enqueue_indirect_dma source(%dma_start3A_155 : memref<20000x128xf32, #tpu.memory_space<hbm>>) target(%arg10 : memref<100x128xf32, #tpu.memory_space<vmem>>) offsets(%dma_start3A_152 : memref<100xi32, #tpu.memory_space<vmem>>) semaphore(%arg13 : memref<!tpu.dma_semaphore, #tpu.memory_space<semaphore_mem>>)
      }
      %scan3A_39 = arith.constant 24 : i32
      %dma_wait3A = arith.constant 48 : i32
      %dma_wait3A_40 = arith.constant 0 : i32
      %dma_wait3A_41 = tpu.memref_slice %arg7[%dma_wait3A, %dma_wait3A_40] : memref<50x100xi32, #tpu.memory_space<vmem>> -> memref<1x100xi32, #tpu.memory_space<vmem>>
      %dma_wait3A_42 = tpu.memref_squeeze %dma_wait3A_41 : memref<1x100xi32, #tpu.memory_space<vmem>> -> memref<100xi32, #tpu.memory_space<vmem>>
      %dma_wait3A_43 = arith.constant 0 : i32
      %dma_wait3A_44 = arith.constant 0 : i32
      %dma_wait3A_45 = tpu.memref_slice %arg2[%dma_wait3A_43, %dma_wait3A_44] : memref<20000x128xf32, #tpu.memory_space<hbm>> -> memref<20000x128xf32, #tpu.memory_space<hbm>>
      tpu.wait_indirect_dma semaphore(%arg12 : memref<!tpu.dma_semaphore, #tpu.memory_space<semaphore_mem>>) src(%dma_wait3A_45 : memref<20000x128xf32, #tpu.memory_space<hbm>>) dst(%arg9 : memref<100x128xf32, #tpu.memory_space<vmem>>)
      %dma_start3A_46 = arith.constant 48 : i32
      %dma_start3A_47 = arith.constant 0 : i32
      %dma_start3A_48 = tpu.memref_slice %arg8[%dma_start3A_46, %dma_start3A_47] : memref<50x100xi32, #tpu.memory_space<vmem>> -> memref<1x100xi32, #tpu.memory_space<vmem>>
      %dma_start3A_49 = tpu.memref_squeeze %dma_start3A_48 : memref<1x100xi32, #tpu.memory_space<vmem>> -> memref<100xi32, #tpu.memory_space<vmem>>
      %dma_start3A_50 = arith.constant 0 : i32
      %dma_start3A_51 = arith.constant 0 : i32
      %dma_start3A_52 = tpu.memref_slice %arg11[%dma_start3A_50, %dma_start3A_51] : memref<10240x128xf32, #tpu.memory_space<vmem_shared>> -> memref<10240x128xf32, #tpu.memory_space<vmem_shared>>
      tpu.enqueue_indirect_dma source(%arg9 : memref<100x128xf32, #tpu.memory_space<vmem>>) target(%dma_start3A_52 : memref<10240x128xf32, #tpu.memory_space<vmem_shared>>) offsets(%dma_start3A_49 : memref<100xi32, #tpu.memory_space<vmem>>) semaphore(%arg14 : memref<!tpu.dma_semaphore, #tpu.memory_space<semaphore_mem>>) {add = true}
      %dma_wait3A_53 = arith.constant 49 : i32
      %dma_wait3A_54 = arith.constant 0 : i32
      %dma_wait3A_55 = tpu.memref_slice %arg7[%dma_wait3A_53, %dma_wait3A_54] : memref<50x100xi32, #tpu.memory_space<vmem>> -> memref<1x100xi32, #tpu.memory_space<vmem>>
      %dma_wait3A_56 = tpu.memref_squeeze %dma_wait3A_55 : memref<1x100xi32, #tpu.memory_space<vmem>> -> memref<100xi32, #tpu.memory_space<vmem>>
      %dma_wait3A_57 = arith.constant 0 : i32
      %dma_wait3A_58 = arith.constant 0 : i32
      %dma_wait3A_59 = tpu.memref_slice %arg2[%dma_wait3A_57, %dma_wait3A_58] : memref<20000x128xf32, #tpu.memory_space<hbm>> -> memref<20000x128xf32, #tpu.memory_space<hbm>>
      tpu.wait_indirect_dma semaphore(%arg13 : memref<!tpu.dma_semaphore, #tpu.memory_space<semaphore_mem>>) src(%dma_wait3A_59 : memref<20000x128xf32, #tpu.memory_space<hbm>>) dst(%arg10 : memref<100x128xf32, #tpu.memory_space<vmem>>)
      %dma_start3A_60 = arith.constant 49 : i32
      %dma_start3A_61 = arith.constant 0 : i32
      %dma_start3A_62 = tpu.memref_slice %arg8[%dma_start3A_60, %dma_start3A_61] : memref<50x100xi32, #tpu.memory_space<vmem>> -> memref<1x100xi32, #tpu.memory_space<vmem>>
      %dma_start3A_63 = tpu.memref_squeeze %dma_start3A_62 : memref<1x100xi32, #tpu.memory_space<vmem>> -> memref<100xi32, #tpu.memory_space<vmem>>
      %dma_start3A_64 = arith.constant 0 : i32
      %dma_start3A_65 = arith.constant 0 : i32
      %dma_start3A_66 = tpu.memref_slice %arg11[%dma_start3A_64, %dma_start3A_65] : memref<10240x128xf32, #tpu.memory_space<vmem_shared>> -> memref<10240x128xf32, #tpu.memory_space<vmem_shared>>
      tpu.enqueue_indirect_dma source(%arg10 : memref<100x128xf32, #tpu.memory_space<vmem>>) target(%dma_start3A_66 : memref<10240x128xf32, #tpu.memory_space<vmem_shared>>) offsets(%dma_start3A_63 : memref<100xi32, #tpu.memory_space<vmem>>) semaphore(%arg15 : memref<!tpu.dma_semaphore, #tpu.memory_space<semaphore_mem>>) {add = true}
      %dma_wait3A_67 = arith.constant 48 : i32
      %dma_wait3A_68 = arith.constant 0 : i32
      %dma_wait3A_69 = tpu.memref_slice %arg8[%dma_wait3A_67, %dma_wait3A_68] : memref<50x100xi32, #tpu.memory_space<vmem>> -> memref<1x100xi32, #tpu.memory_space<vmem>>
      %dma_wait3A_70 = tpu.memref_squeeze %dma_wait3A_69 : memref<1x100xi32, #tpu.memory_space<vmem>> -> memref<100xi32, #tpu.memory_space<vmem>>
      %dma_wait3A_71 = arith.constant 0 : i32
      %dma_wait3A_72 = arith.constant 0 : i32
      %dma_wait3A_73 = tpu.memref_slice %arg11[%dma_wait3A_71, %dma_wait3A_72] : memref<10240x128xf32, #tpu.memory_space<vmem_shared>> -> memref<10240x128xf32, #tpu.memory_space<vmem_shared>>
      tpu.wait_indirect_dma semaphore(%arg14 : memref<!tpu.dma_semaphore, #tpu.memory_space<semaphore_mem>>) src(%arg9 : memref<100x128xf32, #tpu.memory_space<vmem>>) dst(%dma_wait3A_73 : memref<10240x128xf32, #tpu.memory_space<vmem_shared>>)
      %dma_wait3A_74 = arith.constant 49 : i32
      %dma_wait3A_75 = arith.constant 0 : i32
      %dma_wait3A_76 = tpu.memref_slice %arg8[%dma_wait3A_74, %dma_wait3A_75] : memref<50x100xi32, #tpu.memory_space<vmem>> -> memref<1x100xi32, #tpu.memory_space<vmem>>
      %dma_wait3A_77 = tpu.memref_squeeze %dma_wait3A_76 : memref<1x100xi32, #tpu.memory_space<vmem>> -> memref<100xi32, #tpu.memory_space<vmem>>
      %dma_wait3A_78 = arith.constant 0 : i32
      %dma_wait3A_79 = arith.constant 0 : i32
      %dma_wait3A_80 = tpu.memref_slice %arg11[%dma_wait3A_78, %dma_wait3A_79] : memref<10240x128xf32, #tpu.memory_space<vmem_shared>> -> memref<10240x128xf32, #tpu.memory_space<vmem_shared>>
      tpu.wait_indirect_dma semaphore(%arg15 : memref<!tpu.dma_semaphore, #tpu.memory_space<semaphore_mem>>) src(%arg10 : memref<100x128xf32, #tpu.memory_space<vmem>>) dst(%dma_wait3A_80 : memref<10240x128xf32, #tpu.memory_space<vmem_shared>>)
    }
    %scan3A_22 = arith.constant 4 : i32
    %barrier3A_23 = arith.constant 0 : index
    tpu.barrier barrier_id(%barrier3A_23)
    %mul3A_24 = arith.constant 640 : i32
    %mul3A_25 = arith.muli %arg1, %mul3A_24 : i32
    %mul3A_26 = arith.constant 640 : i32
    %mul3A_27 = arith.muli %arg1, %mul3A_26 : i32
    "tpu.region"() ({
      %run_scoped3A_28 = tpu.sem_alloc : memref<!tpu.dma_semaphore, #tpu.memory_space<semaphore_mem>>
      %dma_start3A_29 = arith.constant 0 : i32
      %dma_start3A_30 = tpu.memref_slice %arg6[%arg0, %mul3A_27, %dma_start3A_29] : memref<2x10240x128xf32, #tpu.memory_space<hbm>> -> memref<1x640x128xf32, #tpu.memory_space<hbm>>
      %dma_start3A_31 = tpu.memref_squeeze %dma_start3A_30 : memref<1x640x128xf32, #tpu.memory_space<hbm>> -> memref<640x128xf32, #tpu.memory_space<hbm>>
      %dma_start3A_32 = arith.constant 0 : i32
      %dma_start3A_33 = tpu.memref_slice %arg11[%mul3A_25, %dma_start3A_32] : memref<10240x128xf32, #tpu.memory_space<vmem_shared>> -> memref<640x128xf32, #tpu.memory_space<vmem_shared>>
      tpu.enqueue_dma source(%dma_start3A_33 : memref<640x128xf32, #tpu.memory_space<vmem_shared>>) target(%dma_start3A_31 : memref<640x128xf32, #tpu.memory_space<hbm>>) target_semaphore(%run_scoped3A_28 : memref<!tpu.dma_semaphore, #tpu.memory_space<semaphore_mem>>)
      %dma_wait3A = arith.constant 0 : i32
      %dma_wait3A_34 = tpu.memref_slice %arg6[%arg0, %mul3A_27, %dma_wait3A] : memref<2x10240x128xf32, #tpu.memory_space<hbm>> -> memref<1x640x128xf32, #tpu.memory_space<hbm>>
      %dma_wait3A_35 = tpu.memref_squeeze %dma_wait3A_34 : memref<1x640x128xf32, #tpu.memory_space<hbm>> -> memref<640x128xf32, #tpu.memory_space<hbm>>
      %dma_wait3A_36 = arith.constant 0 : i32
      %dma_wait3A_37 = tpu.memref_slice %arg11[%mul3A_25, %dma_wait3A_36] : memref<10240x128xf32, #tpu.memory_space<vmem_shared>> -> memref<640x128xf32, #tpu.memory_space<vmem_shared>>
      tpu.wait_dma2 semaphore(%run_scoped3A_28 : memref<!tpu.dma_semaphore, #tpu.memory_space<semaphore_mem>>) src(%dma_wait3A_37 : memref<640x128xf32, #tpu.memory_space<vmem_shared>>) dst(%dma_wait3A_35 : memref<640x128xf32, #tpu.memory_space<hbm>>)
      tpu.yield
    }) : () -> ()
    return
  }
}

#map = affine_map<(d0, d1) -> (0, 0)>
#map1 = affine_map<(d0, d1) -> (0, 0, 0, 0)>
#map2 = affine_map<(d0, d1) -> (0, 0, 0)>
module attributes {stable_mosaic.version = 14 : i64} {
  func.func @agg_kernel(%arg0: i32, %arg1: i32, %arg2: memref<20000x128xf32, #tpu.memory_space<hbm>>, %arg3: memref<32x4x50x100xi32, #tpu.memory_space<hbm>>, %arg4: memref<16x4x50x100xi32, #tpu.memory_space<hbm>>, %arg5: memref<10240x128xf32, #tpu.memory_space<hbm>>, %arg6: memref<2x10240x128xf32, #tpu.memory_space<hbm>>, %arg7: memref<50x100xi32, #tpu.memory_space<vmem>>, %arg8: memref<50x100xi32, #tpu.memory_space<vmem>>, %arg9: memref<100x128xf32, #tpu.memory_space<vmem>>, %arg10: memref<100x128xf32, #tpu.memory_space<vmem>>, %arg11: memref<10240x128xf32, #tpu.memory_space<vmem_shared>>, %arg12: memref<!tpu.dma_semaphore, #tpu.memory_space<semaphore_mem>>, %arg13: memref<!tpu.dma_semaphore, #tpu.memory_space<semaphore_mem>>, %arg14: memref<!tpu.dma_semaphore, #tpu.memory_space<semaphore_mem>>, %arg15: memref<!tpu.dma_semaphore, #tpu.memory_space<semaphore_mem>>) attributes {dimension_semantics = [#tpu.dimension_semantics<core_parallel>, #tpu.dimension_semantics<subcore_parallel>], iteration_bounds = array<i64: 2, 16>, scalar_prefetch = 0 : i64, scratch_operands = 9 : i64, tpu.core_type = #tpu.core_type<sc_vector_subcore>, window_params = [{transform_indices = #map}, {transform_indices = #map1}, {transform_indices = #map1}, {transform_indices = #map}, {transform_indices = #map2}]} {
    %mul3A = arith.constant 16 : i32
    %mul3A_0 = arith.muli %arg0, %mul3A : i32
    %add3A = arith.addi %mul3A_0, %arg1 : i32
    %run_scoped3A = arith.constant 0 : i32
    "tpu.region"() ({
      %run_scoped3A_28 = tpu.sem_alloc : memref<!tpu.dma_semaphore, #tpu.memory_space<semaphore_mem>>
      %dma_start3A_29 = arith.constant 0 : i32
      %dma_start3A_30 = arith.constant 0 : i32
      %dma_start3A_31 = tpu.memref_slice %arg3[%add3A, %run_scoped3A, %dma_start3A_29, %dma_start3A_30] : memref<32x4x50x100xi32, #tpu.memory_space<hbm>> -> memref<1x1x50x100xi32, #tpu.memory_space<hbm>>
      %dma_start3A_32 = tpu.memref_squeeze %dma_start3A_31 : memref<1x1x50x100xi32, #tpu.memory_space<hbm>> -> memref<50x100xi32, #tpu.memory_space<hbm>>
      %dma_start3A_33 = arith.constant 0 : i32
      %dma_start3A_34 = arith.constant 0 : i32
      %dma_start3A_35 = tpu.memref_slice %arg3[%add3A, %run_scoped3A, %dma_start3A_33, %dma_start3A_34] : memref<32x4x50x100xi32, #tpu.memory_space<hbm>> -> memref<1x1x50x100xi32, #tpu.memory_space<hbm>>
      %dma_start3A_36 = tpu.memref_squeeze %dma_start3A_35 : memref<1x1x50x100xi32, #tpu.memory_space<hbm>> -> memref<50x100xi32, #tpu.memory_space<hbm>>
      tpu.enqueue_dma source(%dma_start3A_36 : memref<50x100xi32, #tpu.memory_space<hbm>>) target(%arg7 : memref<50x100xi32, #tpu.memory_space<vmem>>) target_semaphore(%run_scoped3A_28 : memref<!tpu.dma_semaphore, #tpu.memory_space<semaphore_mem>>)
      %dma_wait3A = arith.constant 0 : i32
      %dma_wait3A_37 = arith.constant 0 : i32
      %dma_wait3A_38 = tpu.memref_slice %arg3[%add3A, %run_scoped3A, %dma_wait3A, %dma_wait3A_37] : memref<32x4x50x100xi32, #tpu.memory_space<hbm>> -> memref<1x1x50x100xi32, #tpu.memory_space<hbm>>
      %dma_wait3A_39 = tpu.memref_squeeze %dma_wait3A_38 : memref<1x1x50x100xi32, #tpu.memory_space<hbm>> -> memref<50x100xi32, #tpu.memory_space<hbm>>
      %dma_wait3A_40 = arith.constant 0 : i32
      %dma_wait3A_41 = arith.constant 0 : i32
      %dma_wait3A_42 = tpu.memref_slice %arg3[%add3A, %run_scoped3A, %dma_wait3A_40, %dma_wait3A_41] : memref<32x4x50x100xi32, #tpu.memory_space<hbm>> -> memref<1x1x50x100xi32, #tpu.memory_space<hbm>>
      %dma_wait3A_43 = tpu.memref_squeeze %dma_wait3A_42 : memref<1x1x50x100xi32, #tpu.memory_space<hbm>> -> memref<50x100xi32, #tpu.memory_space<hbm>>
      tpu.wait_dma2 semaphore(%run_scoped3A_28 : memref<!tpu.dma_semaphore, #tpu.memory_space<semaphore_mem>>) src(%dma_wait3A_43 : memref<50x100xi32, #tpu.memory_space<hbm>>) dst(%arg7 : memref<50x100xi32, #tpu.memory_space<vmem>>)
      tpu.yield
    }) : () -> ()
    %run_scoped3A_1 = arith.constant 0 : i32
    "tpu.region"() ({
      %run_scoped3A_28 = tpu.sem_alloc : memref<!tpu.dma_semaphore, #tpu.memory_space<semaphore_mem>>
      %dma_start3A_29 = arith.constant 0 : i32
      %dma_start3A_30 = arith.constant 0 : i32
      %dma_start3A_31 = tpu.memref_slice %arg4[%arg1, %run_scoped3A_1, %dma_start3A_29, %dma_start3A_30] : memref<16x4x50x100xi32, #tpu.memory_space<hbm>> -> memref<1x1x50x100xi32, #tpu.memory_space<hbm>>
      %dma_start3A_32 = tpu.memref_squeeze %dma_start3A_31 : memref<1x1x50x100xi32, #tpu.memory_space<hbm>> -> memref<50x100xi32, #tpu.memory_space<hbm>>
      %dma_start3A_33 = arith.constant 0 : i32
      %dma_start3A_34 = arith.constant 0 : i32
      %dma_start3A_35 = tpu.memref_slice %arg4[%arg1, %run_scoped3A_1, %dma_start3A_33, %dma_start3A_34] : memref<16x4x50x100xi32, #tpu.memory_space<hbm>> -> memref<1x1x50x100xi32, #tpu.memory_space<hbm>>
      %dma_start3A_36 = tpu.memref_squeeze %dma_start3A_35 : memref<1x1x50x100xi32, #tpu.memory_space<hbm>> -> memref<50x100xi32, #tpu.memory_space<hbm>>
      tpu.enqueue_dma source(%dma_start3A_36 : memref<50x100xi32, #tpu.memory_space<hbm>>) target(%arg8 : memref<50x100xi32, #tpu.memory_space<vmem>>) target_semaphore(%run_scoped3A_28 : memref<!tpu.dma_semaphore, #tpu.memory_space<semaphore_mem>>)
      %dma_wait3A = arith.constant 0 : i32
      %dma_wait3A_37 = arith.constant 0 : i32
      %dma_wait3A_38 = tpu.memref_slice %arg4[%arg1, %run_scoped3A_1, %dma_wait3A, %dma_wait3A_37] : memref<16x4x50x100xi32, #tpu.memory_space<hbm>> -> memref<1x1x50x100xi32, #tpu.memory_space<hbm>>
      %dma_wait3A_39 = tpu.memref_squeeze %dma_wait3A_38 : memref<1x1x50x100xi32, #tpu.memory_space<hbm>> -> memref<50x100xi32, #tpu.memory_space<hbm>>
      %dma_wait3A_40 = arith.constant 0 : i32
      %dma_wait3A_41 = arith.constant 0 : i32
      %dma_wait3A_42 = tpu.memref_slice %arg4[%arg1, %run_scoped3A_1, %dma_wait3A_40, %dma_wait3A_41] : memref<16x4x50x100xi32, #tpu.memory_space<hbm>> -> memref<1x1x50x100xi32, #tpu.memory_space<hbm>>
      %dma_wait3A_43 = tpu.memref_squeeze %dma_wait3A_42 : memref<1x1x50x100xi32, #tpu.memory_space<hbm>> -> memref<50x100xi32, #tpu.memory_space<hbm>>
      tpu.wait_dma2 semaphore(%run_scoped3A_28 : memref<!tpu.dma_semaphore, #tpu.memory_space<semaphore_mem>>) src(%dma_wait3A_43 : memref<50x100xi32, #tpu.memory_space<hbm>>) dst(%arg8 : memref<50x100xi32, #tpu.memory_space<vmem>>)
      tpu.yield
    }) : () -> ()
    %dma_start3A = arith.constant 0 : i32
    %dma_start3A_2 = arith.constant 0 : i32
    %dma_start3A_3 = tpu.memref_slice %arg7[%dma_start3A, %dma_start3A_2] : memref<50x100xi32, #tpu.memory_space<vmem>> -> memref<1x100xi32, #tpu.memory_space<vmem>>
    %dma_start3A_4 = tpu.memref_squeeze %dma_start3A_3 : memref<1x100xi32, #tpu.memory_space<vmem>> -> memref<100xi32, #tpu.memory_space<vmem>>
    %dma_start3A_5 = arith.constant 0 : i32
    %dma_start3A_6 = arith.constant 0 : i32
    %dma_start3A_7 = tpu.memref_slice %arg2[%dma_start3A_5, %dma_start3A_6] : memref<20000x128xf32, #tpu.memory_space<hbm>> -> memref<20000x128xf32, #tpu.memory_space<hbm>>
    tpu.enqueue_indirect_dma source(%dma_start3A_7 : memref<20000x128xf32, #tpu.memory_space<hbm>>) target(%arg9 : memref<100x128xf32, #tpu.memory_space<vmem>>) offsets(%dma_start3A_4 : memref<100xi32, #tpu.memory_space<vmem>>) semaphore(%arg12 : memref<!tpu.dma_semaphore, #tpu.memory_space<semaphore_mem>>)
    %dma_start3A_8 = arith.constant 1 : i32
    %dma_start3A_9 = arith.constant 0 : i32
    %dma_start3A_10 = tpu.memref_slice %arg7[%dma_start3A_8, %dma_start3A_9] : memref<50x100xi32, #tpu.memory_space<vmem>> -> memref<1x100xi32, #tpu.memory_space<vmem>>
    %dma_start3A_11 = tpu.memref_squeeze %dma_start3A_10 : memref<1x100xi32, #tpu.memory_space<vmem>> -> memref<100xi32, #tpu.memory_space<vmem>>
    %dma_start3A_12 = arith.constant 0 : i32
    %dma_start3A_13 = arith.constant 0 : i32
    %dma_start3A_14 = tpu.memref_slice %arg2[%dma_start3A_12, %dma_start3A_13] : memref<20000x128xf32, #tpu.memory_space<hbm>> -> memref<20000x128xf32, #tpu.memory_space<hbm>>
    tpu.enqueue_indirect_dma source(%dma_start3A_14 : memref<20000x128xf32, #tpu.memory_space<hbm>>) target(%arg10 : memref<100x128xf32, #tpu.memory_space<vmem>>) offsets(%dma_start3A_11 : memref<100xi32, #tpu.memory_space<vmem>>) semaphore(%arg13 : memref<!tpu.dma_semaphore, #tpu.memory_space<semaphore_mem>>)
    %mul3A_15 = arith.constant 640 : i32
    %mul3A_16 = arith.muli %arg1, %mul3A_15 : i32
    %mul3A_17 = arith.constant 640 : i32
    %mul3A_18 = arith.muli %arg1, %mul3A_17 : i32
    "tpu.region"() ({
      %run_scoped3A_28 = tpu.sem_alloc : memref<!tpu.dma_semaphore, #tpu.memory_space<semaphore_mem>>
      %dma_start3A_29 = arith.constant 0 : i32
      %dma_start3A_30 = tpu.memref_slice %arg11[%mul3A_18, %dma_start3A_29] : memref<10240x128xf32, #tpu.memory_space<vmem_shared>> -> memref<640x128xf32, #tpu.memory_space<vmem_shared>>
      %dma_start3A_31 = arith.constant 0 : i32
      %dma_start3A_32 = tpu.memref_slice %arg5[%mul3A_16, %dma_start3A_31] : memref<10240x128xf32, #tpu.memory_space<hbm>> -> memref<640x128xf32, #tpu.memory_space<hbm>>
      tpu.enqueue_dma source(%dma_start3A_32 : memref<640x128xf32, #tpu.memory_space<hbm>>) target(%dma_start3A_30 : memref<640x128xf32, #tpu.memory_space<vmem_shared>>) target_semaphore(%run_scoped3A_28 : memref<!tpu.dma_semaphore, #tpu.memory_space<semaphore_mem>>)
      %dma_wait3A = arith.constant 0 : i32
      %dma_wait3A_33 = tpu.memref_slice %arg11[%mul3A_18, %dma_wait3A] : memref<10240x128xf32, #tpu.memory_space<vmem_shared>> -> memref<640x128xf32, #tpu.memory_space<vmem_shared>>
      %dma_wait3A_34 = arith.constant 0 : i32
      %dma_wait3A_35 = tpu.memref_slice %arg5[%mul3A_16, %dma_wait3A_34] : memref<10240x128xf32, #tpu.memory_space<hbm>> -> memref<640x128xf32, #tpu.memory_space<hbm>>
      tpu.wait_dma2 semaphore(%run_scoped3A_28 : memref<!tpu.dma_semaphore, #tpu.memory_space<semaphore_mem>>) src(%dma_wait3A_35 : memref<640x128xf32, #tpu.memory_space<hbm>>) dst(%dma_wait3A_33 : memref<640x128xf32, #tpu.memory_space<vmem_shared>>)
      tpu.yield
    }) : () -> ()
    %barrier3A = arith.constant 0 : index
    tpu.barrier barrier_id(%barrier3A)
    %scan3A = arith.constant 0 : i32
    %scan3A_19 = arith.constant 4 : i32
    %scan3A_20 = arith.addi %scan3A, %scan3A_19 : i32
    %scan3A_21 = arith.constant 1 : i32
    scf.for %scan3A_28 = %scan3A to %scan3A_20 step %scan3A_21  : i32 {
      %mul3A_29 = arith.constant 1 : i32
      %mul3A_30 = arith.muli %scan3A_28, %mul3A_29 : i32
      %add3A_31 = arith.constant 0 : i32
      %add3A_32 = arith.addi %add3A_31, %mul3A_30 : i32
      %gt3A = arith.constant 0 : i32
      %gt3A_33 = arith.cmpi sgt, %add3A_32, %gt3A : i32
      %convert_element_type3A = arith.extui %gt3A_33 : i1 to i32
      %cond3A = arith.constant 0 : i32
      %cond3A_34 = arith.cmpi ne, %convert_element_type3A, %cond3A : i32
      scf.if %cond3A_34 {
        "tpu.region"() ({
          %run_scoped3A_95 = tpu.sem_alloc : memref<!tpu.dma_semaphore, #tpu.memory_space<semaphore_mem>>
          %dma_start3A_96 = arith.constant 0 : i32
          %dma_start3A_97 = arith.constant 0 : i32
          %dma_start3A_98 = tpu.memref_slice %arg3[%add3A, %add3A_32, %dma_start3A_96, %dma_start3A_97] : memref<32x4x50x100xi32, #tpu.memory_space<hbm>> -> memref<1x1x50x100xi32, #tpu.memory_space<hbm>>
          %dma_start3A_99 = tpu.memref_squeeze %dma_start3A_98 : memref<1x1x50x100xi32, #tpu.memory_space<hbm>> -> memref<50x100xi32, #tpu.memory_space<hbm>>
          %dma_start3A_100 = arith.constant 0 : i32
          %dma_start3A_101 = arith.constant 0 : i32
          %dma_start3A_102 = tpu.memref_slice %arg3[%add3A, %add3A_32, %dma_start3A_100, %dma_start3A_101] : memref<32x4x50x100xi32, #tpu.memory_space<hbm>> -> memref<1x1x50x100xi32, #tpu.memory_space<hbm>>
          %dma_start3A_103 = tpu.memref_squeeze %dma_start3A_102 : memref<1x1x50x100xi32, #tpu.memory_space<hbm>> -> memref<50x100xi32, #tpu.memory_space<hbm>>
          tpu.enqueue_dma source(%dma_start3A_103 : memref<50x100xi32, #tpu.memory_space<hbm>>) target(%arg7 : memref<50x100xi32, #tpu.memory_space<vmem>>) target_semaphore(%run_scoped3A_95 : memref<!tpu.dma_semaphore, #tpu.memory_space<semaphore_mem>>)
          %dma_wait3A_104 = arith.constant 0 : i32
          %dma_wait3A_105 = arith.constant 0 : i32
          %dma_wait3A_106 = tpu.memref_slice %arg3[%add3A, %add3A_32, %dma_wait3A_104, %dma_wait3A_105] : memref<32x4x50x100xi32, #tpu.memory_space<hbm>> -> memref<1x1x50x100xi32, #tpu.memory_space<hbm>>
          %dma_wait3A_107 = tpu.memref_squeeze %dma_wait3A_106 : memref<1x1x50x100xi32, #tpu.memory_space<hbm>> -> memref<50x100xi32, #tpu.memory_space<hbm>>
          %dma_wait3A_108 = arith.constant 0 : i32
          %dma_wait3A_109 = arith.constant 0 : i32
          %dma_wait3A_110 = tpu.memref_slice %arg3[%add3A, %add3A_32, %dma_wait3A_108, %dma_wait3A_109] : memref<32x4x50x100xi32, #tpu.memory_space<hbm>> -> memref<1x1x50x100xi32, #tpu.memory_space<hbm>>
          %dma_wait3A_111 = tpu.memref_squeeze %dma_wait3A_110 : memref<1x1x50x100xi32, #tpu.memory_space<hbm>> -> memref<50x100xi32, #tpu.memory_space<hbm>>
          tpu.wait_dma2 semaphore(%run_scoped3A_95 : memref<!tpu.dma_semaphore, #tpu.memory_space<semaphore_mem>>) src(%dma_wait3A_111 : memref<50x100xi32, #tpu.memory_space<hbm>>) dst(%arg7 : memref<50x100xi32, #tpu.memory_space<vmem>>)
          tpu.yield
        }) : () -> ()
        "tpu.region"() ({
          %run_scoped3A_95 = tpu.sem_alloc : memref<!tpu.dma_semaphore, #tpu.memory_space<semaphore_mem>>
          %dma_start3A_96 = arith.constant 0 : i32
          %dma_start3A_97 = arith.constant 0 : i32
          %dma_start3A_98 = tpu.memref_slice %arg4[%arg1, %add3A_32, %dma_start3A_96, %dma_start3A_97] : memref<16x4x50x100xi32, #tpu.memory_space<hbm>> -> memref<1x1x50x100xi32, #tpu.memory_space<hbm>>
          %dma_start3A_99 = tpu.memref_squeeze %dma_start3A_98 : memref<1x1x50x100xi32, #tpu.memory_space<hbm>> -> memref<50x100xi32, #tpu.memory_space<hbm>>
          %dma_start3A_100 = arith.constant 0 : i32
          %dma_start3A_101 = arith.constant 0 : i32
          %dma_start3A_102 = tpu.memref_slice %arg4[%arg1, %add3A_32, %dma_start3A_100, %dma_start3A_101] : memref<16x4x50x100xi32, #tpu.memory_space<hbm>> -> memref<1x1x50x100xi32, #tpu.memory_space<hbm>>
          %dma_start3A_103 = tpu.memref_squeeze %dma_start3A_102 : memref<1x1x50x100xi32, #tpu.memory_space<hbm>> -> memref<50x100xi32, #tpu.memory_space<hbm>>
          tpu.enqueue_dma source(%dma_start3A_103 : memref<50x100xi32, #tpu.memory_space<hbm>>) target(%arg8 : memref<50x100xi32, #tpu.memory_space<vmem>>) target_semaphore(%run_scoped3A_95 : memref<!tpu.dma_semaphore, #tpu.memory_space<semaphore_mem>>)
          %dma_wait3A_104 = arith.constant 0 : i32
          %dma_wait3A_105 = arith.constant 0 : i32
          %dma_wait3A_106 = tpu.memref_slice %arg4[%arg1, %add3A_32, %dma_wait3A_104, %dma_wait3A_105] : memref<16x4x50x100xi32, #tpu.memory_space<hbm>> -> memref<1x1x50x100xi32, #tpu.memory_space<hbm>>
          %dma_wait3A_107 = tpu.memref_squeeze %dma_wait3A_106 : memref<1x1x50x100xi32, #tpu.memory_space<hbm>> -> memref<50x100xi32, #tpu.memory_space<hbm>>
          %dma_wait3A_108 = arith.constant 0 : i32
          %dma_wait3A_109 = arith.constant 0 : i32
          %dma_wait3A_110 = tpu.memref_slice %arg4[%arg1, %add3A_32, %dma_wait3A_108, %dma_wait3A_109] : memref<16x4x50x100xi32, #tpu.memory_space<hbm>> -> memref<1x1x50x100xi32, #tpu.memory_space<hbm>>
          %dma_wait3A_111 = tpu.memref_squeeze %dma_wait3A_110 : memref<1x1x50x100xi32, #tpu.memory_space<hbm>> -> memref<50x100xi32, #tpu.memory_space<hbm>>
          tpu.wait_dma2 semaphore(%run_scoped3A_95 : memref<!tpu.dma_semaphore, #tpu.memory_space<semaphore_mem>>) src(%dma_wait3A_111 : memref<50x100xi32, #tpu.memory_space<hbm>>) dst(%arg8 : memref<50x100xi32, #tpu.memory_space<vmem>>)
          tpu.yield
        }) : () -> ()
        %dma_start3A_81 = arith.constant 0 : i32
        %dma_start3A_82 = arith.constant 0 : i32
        %dma_start3A_83 = tpu.memref_slice %arg7[%dma_start3A_81, %dma_start3A_82] : memref<50x100xi32, #tpu.memory_space<vmem>> -> memref<1x100xi32, #tpu.memory_space<vmem>>
        %dma_start3A_84 = tpu.memref_squeeze %dma_start3A_83 : memref<1x100xi32, #tpu.memory_space<vmem>> -> memref<100xi32, #tpu.memory_space<vmem>>
        %dma_start3A_85 = arith.constant 0 : i32
        %dma_start3A_86 = arith.constant 0 : i32
        %dma_start3A_87 = tpu.memref_slice %arg2[%dma_start3A_85, %dma_start3A_86] : memref<20000x128xf32, #tpu.memory_space<hbm>> -> memref<20000x128xf32, #tpu.memory_space<hbm>>
        tpu.enqueue_indirect_dma source(%dma_start3A_87 : memref<20000x128xf32, #tpu.memory_space<hbm>>) target(%arg9 : memref<100x128xf32, #tpu.memory_space<vmem>>) offsets(%dma_start3A_84 : memref<100xi32, #tpu.memory_space<vmem>>) semaphore(%arg12 : memref<!tpu.dma_semaphore, #tpu.memory_space<semaphore_mem>>)
        %dma_start3A_88 = arith.constant 1 : i32
        %dma_start3A_89 = arith.constant 0 : i32
        %dma_start3A_90 = tpu.memref_slice %arg7[%dma_start3A_88, %dma_start3A_89] : memref<50x100xi32, #tpu.memory_space<vmem>> -> memref<1x100xi32, #tpu.memory_space<vmem>>
        %dma_start3A_91 = tpu.memref_squeeze %dma_start3A_90 : memref<1x100xi32, #tpu.memory_space<vmem>> -> memref<100xi32, #tpu.memory_space<vmem>>
        %dma_start3A_92 = arith.constant 0 : i32
        %dma_start3A_93 = arith.constant 0 : i32
        %dma_start3A_94 = tpu.memref_slice %arg2[%dma_start3A_92, %dma_start3A_93] : memref<20000x128xf32, #tpu.memory_space<hbm>> -> memref<20000x128xf32, #tpu.memory_space<hbm>>
        tpu.enqueue_indirect_dma source(%dma_start3A_94 : memref<20000x128xf32, #tpu.memory_space<hbm>>) target(%arg10 : memref<100x128xf32, #tpu.memory_space<vmem>>) offsets(%dma_start3A_91 : memref<100xi32, #tpu.memory_space<vmem>>) semaphore(%arg13 : memref<!tpu.dma_semaphore, #tpu.memory_space<semaphore_mem>>)
      } else {
      }
      %scan3A_35 = arith.constant 0 : i32
      %scan3A_36 = arith.constant 24 : i32
      %scan3A_37 = arith.addi %scan3A_35, %scan3A_36 : i32
      %scan3A_38 = arith.constant 1 : i32
      scf.for %scan3A_81 = %scan3A_35 to %scan3A_37 step %scan3A_38  : i32 {
        %mul3A_82 = arith.constant 1 : i32
        %mul3A_83 = arith.muli %scan3A_81, %mul3A_82 : i32
        %add3A_84 = arith.constant 0 : i32
        %add3A_85 = arith.addi %add3A_84, %mul3A_83 : i32
        %mul3A_86 = arith.constant 2 : i32
        %mul3A_87 = arith.muli %mul3A_86, %add3A_85 : i32
        %add3A_88 = arith.constant 0 : i32
        %add3A_89 = arith.addi %mul3A_87, %add3A_88 : i32
        %dma_wait3A_90 = arith.constant 0 : i32
        %dma_wait3A_91 = tpu.memref_slice %arg7[%add3A_89, %dma_wait3A_90] : memref<50x100xi32, #tpu.memory_space<vmem>> -> memref<1x100xi32, #tpu.memory_space<vmem>>
        %dma_wait3A_92 = tpu.memref_squeeze %dma_wait3A_91 : memref<1x100xi32, #tpu.memory_space<vmem>> -> memref<100xi32, #tpu.memory_space<vmem>>
        %dma_wait3A_93 = arith.constant 0 : i32
        %dma_wait3A_94 = arith.constant 0 : i32
        %dma_wait3A_95 = tpu.memref_slice %arg2[%dma_wait3A_93, %dma_wait3A_94] : memref<20000x128xf32, #tpu.memory_space<hbm>> -> memref<20000x128xf32, #tpu.memory_space<hbm>>
        tpu.wait_indirect_dma semaphore(%arg12 : memref<!tpu.dma_semaphore, #tpu.memory_space<semaphore_mem>>) src(%dma_wait3A_95 : memref<20000x128xf32, #tpu.memory_space<hbm>>) dst(%arg9 : memref<100x128xf32, #tpu.memory_space<vmem>>)
        %add3A_96 = arith.constant 0 : i32
        %add3A_97 = arith.addi %mul3A_87, %add3A_96 : i32
        %dma_start3A_98 = arith.constant 0 : i32
        %dma_start3A_99 = tpu.memref_slice %arg8[%add3A_97, %dma_start3A_98] : memref<50x100xi32, #tpu.memory_space<vmem>> -> memref<1x100xi32, #tpu.memory_space<vmem>>
        %dma_start3A_100 = tpu.memref_squeeze %dma_start3A_99 : memref<1x100xi32, #tpu.memory_space<vmem>> -> memref<100xi32, #tpu.memory_space<vmem>>
        %dma_start3A_101 = arith.constant 0 : i32
        %dma_start3A_102 = arith.constant 0 : i32
        %dma_start3A_103 = tpu.memref_slice %arg11[%dma_start3A_101, %dma_start3A_102] : memref<10240x128xf32, #tpu.memory_space<vmem_shared>> -> memref<10240x128xf32, #tpu.memory_space<vmem_shared>>
        tpu.enqueue_indirect_dma source(%arg9 : memref<100x128xf32, #tpu.memory_space<vmem>>) target(%dma_start3A_103 : memref<10240x128xf32, #tpu.memory_space<vmem_shared>>) offsets(%dma_start3A_100 : memref<100xi32, #tpu.memory_space<vmem>>) semaphore(%arg14 : memref<!tpu.dma_semaphore, #tpu.memory_space<semaphore_mem>>) {add = true}
        %add3A_104 = arith.constant 1 : i32
        %add3A_105 = arith.addi %mul3A_87, %add3A_104 : i32
        %dma_wait3A_106 = arith.constant 0 : i32
        %dma_wait3A_107 = tpu.memref_slice %arg7[%add3A_105, %dma_wait3A_106] : memref<50x100xi32, #tpu.memory_space<vmem>> -> memref<1x100xi32, #tpu.memory_space<vmem>>
        %dma_wait3A_108 = tpu.memref_squeeze %dma_wait3A_107 : memref<1x100xi32, #tpu.memory_space<vmem>> -> memref<100xi32, #tpu.memory_space<vmem>>
        %dma_wait3A_109 = arith.constant 0 : i32
        %dma_wait3A_110 = arith.constant 0 : i32
        %dma_wait3A_111 = tpu.memref_slice %arg2[%dma_wait3A_109, %dma_wait3A_110] : memref<20000x128xf32, #tpu.memory_space<hbm>> -> memref<20000x128xf32, #tpu.memory_space<hbm>>
        tpu.wait_indirect_dma semaphore(%arg13 : memref<!tpu.dma_semaphore, #tpu.memory_space<semaphore_mem>>) src(%dma_wait3A_111 : memref<20000x128xf32, #tpu.memory_space<hbm>>) dst(%arg10 : memref<100x128xf32, #tpu.memory_space<vmem>>)
        %add3A_112 = arith.constant 1 : i32
        %add3A_113 = arith.addi %mul3A_87, %add3A_112 : i32
        %dma_start3A_114 = arith.constant 0 : i32
        %dma_start3A_115 = tpu.memref_slice %arg8[%add3A_113, %dma_start3A_114] : memref<50x100xi32, #tpu.memory_space<vmem>> -> memref<1x100xi32, #tpu.memory_space<vmem>>
        %dma_start3A_116 = tpu.memref_squeeze %dma_start3A_115 : memref<1x100xi32, #tpu.memory_space<vmem>> -> memref<100xi32, #tpu.memory_space<vmem>>
        %dma_start3A_117 = arith.constant 0 : i32
        %dma_start3A_118 = arith.constant 0 : i32
        %dma_start3A_119 = tpu.memref_slice %arg11[%dma_start3A_117, %dma_start3A_118] : memref<10240x128xf32, #tpu.memory_space<vmem_shared>> -> memref<10240x128xf32, #tpu.memory_space<vmem_shared>>
        tpu.enqueue_indirect_dma source(%arg10 : memref<100x128xf32, #tpu.memory_space<vmem>>) target(%dma_start3A_119 : memref<10240x128xf32, #tpu.memory_space<vmem_shared>>) offsets(%dma_start3A_116 : memref<100xi32, #tpu.memory_space<vmem>>) semaphore(%arg15 : memref<!tpu.dma_semaphore, #tpu.memory_space<semaphore_mem>>) {add = true}
        %add3A_120 = arith.constant 0 : i32
        %add3A_121 = arith.addi %mul3A_87, %add3A_120 : i32
        %dma_wait3A_122 = arith.constant 0 : i32
        %dma_wait3A_123 = tpu.memref_slice %arg8[%add3A_121, %dma_wait3A_122] : memref<50x100xi32, #tpu.memory_space<vmem>> -> memref<1x100xi32, #tpu.memory_space<vmem>>
        %dma_wait3A_124 = tpu.memref_squeeze %dma_wait3A_123 : memref<1x100xi32, #tpu.memory_space<vmem>> -> memref<100xi32, #tpu.memory_space<vmem>>
        %dma_wait3A_125 = arith.constant 0 : i32
        %dma_wait3A_126 = arith.constant 0 : i32
        %dma_wait3A_127 = tpu.memref_slice %arg11[%dma_wait3A_125, %dma_wait3A_126] : memref<10240x128xf32, #tpu.memory_space<vmem_shared>> -> memref<10240x128xf32, #tpu.memory_space<vmem_shared>>
        tpu.wait_indirect_dma semaphore(%arg14 : memref<!tpu.dma_semaphore, #tpu.memory_space<semaphore_mem>>) src(%arg9 : memref<100x128xf32, #tpu.memory_space<vmem>>) dst(%dma_wait3A_127 : memref<10240x128xf32, #tpu.memory_space<vmem_shared>>)
        %add3A_128 = arith.constant 2 : i32
        %add3A_129 = arith.addi %mul3A_87, %add3A_128 : i32
        %add3A_130 = arith.constant 0 : i32
        %add3A_131 = arith.addi %add3A_129, %add3A_130 : i32
        %dma_start3A_132 = arith.constant 0 : i32
        %dma_start3A_133 = tpu.memref_slice %arg7[%add3A_131, %dma_start3A_132] : memref<50x100xi32, #tpu.memory_space<vmem>> -> memref<1x100xi32, #tpu.memory_space<vmem>>
        %dma_start3A_134 = tpu.memref_squeeze %dma_start3A_133 : memref<1x100xi32, #tpu.memory_space<vmem>> -> memref<100xi32, #tpu.memory_space<vmem>>
        %dma_start3A_135 = arith.constant 0 : i32
        %dma_start3A_136 = arith.constant 0 : i32
        %dma_start3A_137 = tpu.memref_slice %arg2[%dma_start3A_135, %dma_start3A_136] : memref<20000x128xf32, #tpu.memory_space<hbm>> -> memref<20000x128xf32, #tpu.memory_space<hbm>>
        tpu.enqueue_indirect_dma source(%dma_start3A_137 : memref<20000x128xf32, #tpu.memory_space<hbm>>) target(%arg9 : memref<100x128xf32, #tpu.memory_space<vmem>>) offsets(%dma_start3A_134 : memref<100xi32, #tpu.memory_space<vmem>>) semaphore(%arg12 : memref<!tpu.dma_semaphore, #tpu.memory_space<semaphore_mem>>)
        %add3A_138 = arith.constant 1 : i32
        %add3A_139 = arith.addi %mul3A_87, %add3A_138 : i32
        %dma_wait3A_140 = arith.constant 0 : i32
        %dma_wait3A_141 = tpu.memref_slice %arg8[%add3A_139, %dma_wait3A_140] : memref<50x100xi32, #tpu.memory_space<vmem>> -> memref<1x100xi32, #tpu.memory_space<vmem>>
        %dma_wait3A_142 = tpu.memref_squeeze %dma_wait3A_141 : memref<1x100xi32, #tpu.memory_space<vmem>> -> memref<100xi32, #tpu.memory_space<vmem>>
        %dma_wait3A_143 = arith.constant 0 : i32
        %dma_wait3A_144 = arith.constant 0 : i32
        %dma_wait3A_145 = tpu.memref_slice %arg11[%dma_wait3A_143, %dma_wait3A_144] : memref<10240x128xf32, #tpu.memory_space<vmem_shared>> -> memref<10240x128xf32, #tpu.memory_space<vmem_shared>>
        tpu.wait_indirect_dma semaphore(%arg15 : memref<!tpu.dma_semaphore, #tpu.memory_space<semaphore_mem>>) src(%arg10 : memref<100x128xf32, #tpu.memory_space<vmem>>) dst(%dma_wait3A_145 : memref<10240x128xf32, #tpu.memory_space<vmem_shared>>)
        %add3A_146 = arith.constant 2 : i32
        %add3A_147 = arith.addi %mul3A_87, %add3A_146 : i32
        %add3A_148 = arith.constant 1 : i32
        %add3A_149 = arith.addi %add3A_147, %add3A_148 : i32
        %dma_start3A_150 = arith.constant 0 : i32
        %dma_start3A_151 = tpu.memref_slice %arg7[%add3A_149, %dma_start3A_150] : memref<50x100xi32, #tpu.memory_space<vmem>> -> memref<1x100xi32, #tpu.memory_space<vmem>>
        %dma_start3A_152 = tpu.memref_squeeze %dma_start3A_151 : memref<1x100xi32, #tpu.memory_space<vmem>> -> memref<100xi32, #tpu.memory_space<vmem>>
        %dma_start3A_153 = arith.constant 0 : i32
        %dma_start3A_154 = arith.constant 0 : i32
        %dma_start3A_155 = tpu.memref_slice %arg2[%dma_start3A_153, %dma_start3A_154] : memref<20000x128xf32, #tpu.memory_space<hbm>> -> memref<20000x128xf32, #tpu.memory_space<hbm>>
        tpu.enqueue_indirect_dma source(%dma_start3A_155 : memref<20000x128xf32, #tpu.memory_space<hbm>>) target(%arg10 : memref<100x128xf32, #tpu.memory_space<vmem>>) offsets(%dma_start3A_152 : memref<100xi32, #tpu.memory_space<vmem>>) semaphore(%arg13 : memref<!tpu.dma_semaphore, #tpu.memory_space<semaphore_mem>>)
      }
      %scan3A_39 = arith.constant 24 : i32
      %dma_wait3A = arith.constant 48 : i32
      %dma_wait3A_40 = arith.constant 0 : i32
      %dma_wait3A_41 = tpu.memref_slice %arg7[%dma_wait3A, %dma_wait3A_40] : memref<50x100xi32, #tpu.memory_space<vmem>> -> memref<1x100xi32, #tpu.memory_space<vmem>>
      %dma_wait3A_42 = tpu.memref_squeeze %dma_wait3A_41 : memref<1x100xi32, #tpu.memory_space<vmem>> -> memref<100xi32, #tpu.memory_space<vmem>>
      %dma_wait3A_43 = arith.constant 0 : i32
      %dma_wait3A_44 = arith.constant 0 : i32
      %dma_wait3A_45 = tpu.memref_slice %arg2[%dma_wait3A_43, %dma_wait3A_44] : memref<20000x128xf32, #tpu.memory_space<hbm>> -> memref<20000x128xf32, #tpu.memory_space<hbm>>
      tpu.wait_indirect_dma semaphore(%arg12 : memref<!tpu.dma_semaphore, #tpu.memory_space<semaphore_mem>>) src(%dma_wait3A_45 : memref<20000x128xf32, #tpu.memory_space<hbm>>) dst(%arg9 : memref<100x128xf32, #tpu.memory_space<vmem>>)
      %dma_start3A_46 = arith.constant 48 : i32
      %dma_start3A_47 = arith.constant 0 : i32
      %dma_start3A_48 = tpu.memref_slice %arg8[%dma_start3A_46, %dma_start3A_47] : memref<50x100xi32, #tpu.memory_space<vmem>> -> memref<1x100xi32, #tpu.memory_space<vmem>>
      %dma_start3A_49 = tpu.memref_squeeze %dma_start3A_48 : memref<1x100xi32, #tpu.memory_space<vmem>> -> memref<100xi32, #tpu.memory_space<vmem>>
      %dma_start3A_50 = arith.constant 0 : i32
      %dma_start3A_51 = arith.constant 0 : i32
      %dma_start3A_52 = tpu.memref_slice %arg11[%dma_start3A_50, %dma_start3A_51] : memref<10240x128xf32, #tpu.memory_space<vmem_shared>> -> memref<10240x128xf32, #tpu.memory_space<vmem_shared>>
      tpu.enqueue_indirect_dma source(%arg9 : memref<100x128xf32, #tpu.memory_space<vmem>>) target(%dma_start3A_52 : memref<10240x128xf32, #tpu.memory_space<vmem_shared>>) offsets(%dma_start3A_49 : memref<100xi32, #tpu.memory_space<vmem>>) semaphore(%arg14 : memref<!tpu.dma_semaphore, #tpu.memory_space<semaphore_mem>>) {add = true}
      %dma_wait3A_53 = arith.constant 49 : i32
      %dma_wait3A_54 = arith.constant 0 : i32
      %dma_wait3A_55 = tpu.memref_slice %arg7[%dma_wait3A_53, %dma_wait3A_54] : memref<50x100xi32, #tpu.memory_space<vmem>> -> memref<1x100xi32, #tpu.memory_space<vmem>>
      %dma_wait3A_56 = tpu.memref_squeeze %dma_wait3A_55 : memref<1x100xi32, #tpu.memory_space<vmem>> -> memref<100xi32, #tpu.memory_space<vmem>>
      %dma_wait3A_57 = arith.constant 0 : i32
      %dma_wait3A_58 = arith.constant 0 : i32
      %dma_wait3A_59 = tpu.memref_slice %arg2[%dma_wait3A_57, %dma_wait3A_58] : memref<20000x128xf32, #tpu.memory_space<hbm>> -> memref<20000x128xf32, #tpu.memory_space<hbm>>
      tpu.wait_indirect_dma semaphore(%arg13 : memref<!tpu.dma_semaphore, #tpu.memory_space<semaphore_mem>>) src(%dma_wait3A_59 : memref<20000x128xf32, #tpu.memory_space<hbm>>) dst(%arg10 : memref<100x128xf32, #tpu.memory_space<vmem>>)
      %dma_start3A_60 = arith.constant 49 : i32
      %dma_start3A_61 = arith.constant 0 : i32
      %dma_start3A_62 = tpu.memref_slice %arg8[%dma_start3A_60, %dma_start3A_61] : memref<50x100xi32, #tpu.memory_space<vmem>> -> memref<1x100xi32, #tpu.memory_space<vmem>>
      %dma_start3A_63 = tpu.memref_squeeze %dma_start3A_62 : memref<1x100xi32, #tpu.memory_space<vmem>> -> memref<100xi32, #tpu.memory_space<vmem>>
      %dma_start3A_64 = arith.constant 0 : i32
      %dma_start3A_65 = arith.constant 0 : i32
      %dma_start3A_66 = tpu.memref_slice %arg11[%dma_start3A_64, %dma_start3A_65] : memref<10240x128xf32, #tpu.memory_space<vmem_shared>> -> memref<10240x128xf32, #tpu.memory_space<vmem_shared>>
      tpu.enqueue_indirect_dma source(%arg10 : memref<100x128xf32, #tpu.memory_space<vmem>>) target(%dma_start3A_66 : memref<10240x128xf32, #tpu.memory_space<vmem_shared>>) offsets(%dma_start3A_63 : memref<100xi32, #tpu.memory_space<vmem>>) semaphore(%arg15 : memref<!tpu.dma_semaphore, #tpu.memory_space<semaphore_mem>>) {add = true}
      %dma_wait3A_67 = arith.constant 48 : i32
      %dma_wait3A_68 = arith.constant 0 : i32
      %dma_wait3A_69 = tpu.memref_slice %arg8[%dma_wait3A_67, %dma_wait3A_68] : memref<50x100xi32, #tpu.memory_space<vmem>> -> memref<1x100xi32, #tpu.memory_space<vmem>>
      %dma_wait3A_70 = tpu.memref_squeeze %dma_wait3A_69 : memref<1x100xi32, #tpu.memory_space<vmem>> -> memref<100xi32, #tpu.memory_space<vmem>>
      %dma_wait3A_71 = arith.constant 0 : i32
      %dma_wait3A_72 = arith.constant 0 : i32
      %dma_wait3A_73 = tpu.memref_slice %arg11[%dma_wait3A_71, %dma_wait3A_72] : memref<10240x128xf32, #tpu.memory_space<vmem_shared>> -> memref<10240x128xf32, #tpu.memory_space<vmem_shared>>
      tpu.wait_indirect_dma semaphore(%arg14 : memref<!tpu.dma_semaphore, #tpu.memory_space<semaphore_mem>>) src(%arg9 : memref<100x128xf32, #tpu.memory_space<vmem>>) dst(%dma_wait3A_73 : memref<10240x128xf32, #tpu.memory_space<vmem_shared>>)
      %dma_wait3A_74 = arith.constant 49 : i32
      %dma_wait3A_75 = arith.constant 0 : i32
      %dma_wait3A_76 = tpu.memref_slice %arg8[%dma_wait3A_74, %dma_wait3A_75] : memref<50x100xi32, #tpu.memory_space<vmem>> -> memref<1x100xi32, #tpu.memory_space<vmem>>
      %dma_wait3A_77 = tpu.memref_squeeze %dma_wait3A_76 : memref<1x100xi32, #tpu.memory_space<vmem>> -> memref<100xi32, #tpu.memory_space<vmem>>
      %dma_wait3A_78 = arith.constant 0 : i32
      %dma_wait3A_79 = arith.constant 0 : i32
      %dma_wait3A_80 = tpu.memref_slice %arg11[%dma_wait3A_78, %dma_wait3A_79] : memref<10240x128xf32, #tpu.memory_space<vmem_shared>> -> memref<10240x128xf32, #tpu.memory_space<vmem_shared>>
      tpu.wait_indirect_dma semaphore(%arg15 : memref<!tpu.dma_semaphore, #tpu.memory_space<semaphore_mem>>) src(%arg10 : memref<100x128xf32, #tpu.memory_space<vmem>>) dst(%dma_wait3A_80 : memref<10240x128xf32, #tpu.memory_space<vmem_shared>>)
    }
    %scan3A_22 = arith.constant 4 : i32
    %barrier3A_23 = arith.constant 0 : index
    tpu.barrier barrier_id(%barrier3A_23)
    %mul3A_24 = arith.constant 640 : i32
    %mul3A_25 = arith.muli %arg1, %mul3A_24 : i32
    %mul3A_26 = arith.constant 640 : i32
    %mul3A_27 = arith.muli %arg1, %mul3A_26 : i32
    "tpu.region"() ({
      %run_scoped3A_28 = tpu.sem_alloc : memref<!tpu.dma_semaphore, #tpu.memory_space<semaphore_mem>>
      %dma_start3A_29 = arith.constant 0 : i32
      %dma_start3A_30 = tpu.memref_slice %arg6[%arg0, %mul3A_27, %dma_start3A_29] : memref<2x10240x128xf32, #tpu.memory_space<hbm>> -> memref<1x640x128xf32, #tpu.memory_space<hbm>>
      %dma_start3A_31 = tpu.memref_squeeze %dma_start3A_30 : memref<1x640x128xf32, #tpu.memory_space<hbm>> -> memref<640x128xf32, #tpu.memory_space<hbm>>
      %dma_start3A_32 = arith.constant 0 : i32
      %dma_start3A_33 = tpu.memref_slice %arg11[%mul3A_25, %dma_start3A_32] : memref<10240x128xf32, #tpu.memory_space<vmem_shared>> -> memref<640x128xf32, #tpu.memory_space<vmem_shared>>
      tpu.enqueue_dma source(%dma_start3A_33 : memref<640x128xf32, #tpu.memory_space<vmem_shared>>) target(%dma_start3A_31 : memref<640x128xf32, #tpu.memory_space<hbm>>) target_semaphore(%run_scoped3A_28 : memref<!tpu.dma_semaphore, #tpu.memory_space<semaphore_mem>>)
      %dma_wait3A = arith.constant 0 : i32
      %dma_wait3A_34 = tpu.memref_slice %arg6[%arg0, %mul3A_27, %dma_wait3A] : memref<2x10240x128xf32, #tpu.memory_space<hbm>> -> memref<1x640x128xf32, #tpu.memory_space<hbm>>
      %dma_wait3A_35 = tpu.memref_squeeze %dma_wait3A_34 : memref<1x640x128xf32, #tpu.memory_space<hbm>> -> memref<640x128xf32, #tpu.memory_space<hbm>>
      %dma_wait3A_36 = arith.constant 0 : i32
      %dma_wait3A_37 = tpu.memref_slice %arg11[%mul3A_25, %dma_wait3A_36] : memref<10240x128xf32, #tpu.memory_space<vmem_shared>> -> memref<640x128xf32, #tpu.memory_space<vmem_shared>>
      tpu.wait_dma2 semaphore(%run_scoped3A_28 : memref<!tpu.dma_semaphore, #tpu.memory_space<semaphore_mem>>) src(%dma_wait3A_37 : memref<640x128xf32, #tpu.memory_space<vmem_shared>>) dst(%dma_wait3A_35 : memref<640x128xf32, #tpu.memory_space<hbm>>)
      tpu.yield
    }) : () -> ()
    return
  }
}

module attributes {stable_mosaic.version = 14 : i64} {
  func.func @_mlp_bn_body(%arg0: i32, %arg1: memref<400x64xf32, #tpu.memory_space<vmem>>, %arg2: memref<400x64xf32, #tpu.memory_space<vmem>>, %arg3: memref<1x400x128xf32, #tpu.memory_space<vmem>>, %arg4: memref<1x400x128xf32, #tpu.memory_space<vmem>>, %arg5: memref<128x256xf32, #tpu.memory_space<vmem>>, %arg6: memref<1x256xf32, #tpu.memory_space<vmem>>, %arg7: memref<256x256xf32, #tpu.memory_space<vmem>>, %arg8: memref<1x256xf32, #tpu.memory_space<vmem>>, %arg9: memref<1x128xf32, #tpu.memory_space<vmem>>, %arg10: memref<1x256xf32, #tpu.memory_space<vmem>>, %arg11: memref<1x256xf32, #tpu.memory_space<vmem>>, %arg12: memref<2x400x128xf32, #tpu.memory_space<vmem>>, %arg13: memref<10000x256xf32, #tpu.memory_space<vmem>>, %arg14: memref<1x256xf32, #tpu.memory_space<vmem>>, %arg15: memref<1x256xf32, #tpu.memory_space<vmem>>) attributes {dimension_semantics = [#tpu.dimension_semantics<arbitrary>], iteration_bounds = array<i64: 50>, scalar_prefetch = 0 : i64, scratch_operands = 3 : i64, tpu.core_type = #tpu.core_type<tc>, window_params = [{transform_indices = @transform_0, window_bounds = array<i64: 400, 64>}, {transform_indices = @transform_1, window_bounds = array<i64: 400, 64>}, {transform_indices = @transform_2, window_bounds = array<i64: 1, 400, 128>}, {transform_indices = @transform_3, window_bounds = array<i64: 1, 400, 128>}, {pipeline_mode = #tpu.pipeline_mode<synchronous>, transform_indices = @transform_4, window_bounds = array<i64: 128, 256>}, {pipeline_mode = #tpu.pipeline_mode<synchronous>, transform_indices = @transform_5, window_bounds = array<i64: 1, 256>}, {pipeline_mode = #tpu.pipeline_mode<synchronous>, transform_indices = @transform_6, window_bounds = array<i64: 256, 256>}, {pipeline_mode = #tpu.pipeline_mode<synchronous>, transform_indices = @transform_7, window_bounds = array<i64: 1, 256>}, {pipeline_mode = #tpu.pipeline_mode<synchronous>, transform_indices = @transform_8, window_bounds = array<i64: 1, 128>}, {pipeline_mode = #tpu.pipeline_mode<synchronous>, transform_indices = @transform_9, window_bounds = array<i64: 1, 256>}, {pipeline_mode = #tpu.pipeline_mode<synchronous>, transform_indices = @transform_10, window_bounds = array<i64: 1, 256>}, {transform_indices = @transform_11, window_bounds = array<i64: 2, 400, 128>}]} {
    %lt3A = arith.constant 25 : i32
    %lt3A_0 = arith.cmpi slt, %arg0, %lt3A : i32
    %convert_element_type3A = arith.extui %lt3A_0 : i1 to i32
    %cond3A = arith.constant 0 : i32
    %cond3A_1 = arith.cmpi ne, %convert_element_type3A, %cond3A : i32
    scf.if %cond3A_1 {
      %get3A = arith.constant 0 : index
      %get3A_6 = arith.constant 0 : index
      %get3A_7 = vector.load %arg9[%get3A, %get3A_6] : memref<1x128xf32, #tpu.memory_space<vmem>>, vector<1x1xf32>
      %get3A_8 = vector.extract %get3A_7[0, 0] : f32 from vector<1x1xf32>
      %get3A_9 = arith.constant 0 : index
      %get3A_10 = arith.constant 0 : index
      %get3A_11 = vector.load %arg1[%get3A_9, %get3A_10] : memref<400x64xf32, #tpu.memory_space<vmem>>, vector<400x64xf32>
      %get3A_12 = arith.constant 0 : index
      %get3A_13 = arith.constant 0 : index
      %get3A_14 = vector.load %arg2[%get3A_12, %get3A_13] : memref<400x64xf32, #tpu.memory_space<vmem>>, vector<400x64xf32>
      %concatenate3A = tpu.concatenate %get3A_11, %get3A_14 in 1 : vector<400x64xf32>, vector<400x64xf32> -> vector<400x128xf32>
      %mul3A = vector.broadcast %get3A_8 : f32 to vector<400x128xf32>
      %mul3A_15 = arith.mulf %mul3A, %concatenate3A : vector<400x128xf32>
      %get3A_16 = arith.constant 0 : index
      %get3A_17 = arith.constant 0 : index
      %get3A_18 = arith.constant 0 : index
      %get3A_19 = vector.load %arg3[%get3A_16, %get3A_17, %get3A_18] : memref<1x400x128xf32, #tpu.memory_space<vmem>>, vector<1x400x128xf32>
      %get3A_20 = vector.shape_cast %get3A_19 : vector<1x400x128xf32> to vector<400x128xf32>
      %add3A = arith.addf %mul3A_15, %get3A_20 : vector<400x128xf32>
      %get3A_21 = arith.constant 0 : index
      %get3A_22 = arith.constant 0 : index
      %get3A_23 = arith.constant 0 : index
      %get3A_24 = vector.load %arg4[%get3A_21, %get3A_22, %get3A_23] : memref<1x400x128xf32, #tpu.memory_space<vmem>>, vector<1x400x128xf32>
      %get3A_25 = vector.shape_cast %get3A_24 : vector<1x400x128xf32> to vector<400x128xf32>
      %add3A_26 = arith.addf %add3A, %get3A_25 : vector<400x128xf32>
      %get3A_27 = arith.constant 0 : index
      %get3A_28 = arith.constant 0 : index
      %get3A_29 = vector.load %arg5[%get3A_27, %get3A_28] : memref<128x256xf32, #tpu.memory_space<vmem>>, vector<128x256xf32>
      %dot_general3A = arith.constant dense<0.000000e+00> : vector<400x256xf32>
      %dot_general3A_30 = tpu.matmul %add3A_26, %get3A_29, %dot_general3A {dimension_numbers = #tpu.dot_dimension_numbers<[1], [0], [0], [1], [0, 0, 1, 1], [], []>, precision = #tpu.contract_precision<fp32>, transpose_lhs_hint = false} : vector<400x128xf32>, vector<128x256xf32>, vector<400x256xf32> -> vector<400x256xf32>
      %get3A_31 = arith.constant 0 : index
      %get3A_32 = arith.constant 0 : index
      %get3A_33 = vector.load %arg6[%get3A_31, %get3A_32] : memref<1x256xf32, #tpu.memory_space<vmem>>, vector<1x256xf32>
      %add3A_34 = vector.broadcast %get3A_33 : vector<1x256xf32> to vector<400x256xf32>
      %add3A_35 = arith.addf %dot_general3A_30, %add3A_34 : vector<400x256xf32>
      %max3A = arith.constant 0.000000e+00 : f32
      %max3A_36 = vector.broadcast %max3A : f32 to vector<400x256xf32>
      %max3A_37 = arith.maximumf %add3A_35, %max3A_36 : vector<400x256xf32>
      %get3A_38 = arith.constant 0 : index
      %get3A_39 = arith.constant 0 : index
      %get3A_40 = vector.load %arg7[%get3A_38, %get3A_39] : memref<256x256xf32, #tpu.memory_space<vmem>>, vector<256x256xf32>
      %dot_general3A_41 = arith.constant dense<0.000000e+00> : vector<400x256xf32>
      %dot_general3A_42 = tpu.matmul %max3A_37, %get3A_40, %dot_general3A_41 {dimension_numbers = #tpu.dot_dimension_numbers<[1], [0], [0], [1], [0, 0, 1, 1], [], []>, precision = #tpu.contract_precision<fp32>, transpose_lhs_hint = false} : vector<400x256xf32>, vector<256x256xf32>, vector<400x256xf32> -> vector<400x256xf32>
      %get3A_43 = arith.constant 0 : index
      %get3A_44 = arith.constant 0 : index
      %get3A_45 = vector.load %arg8[%get3A_43, %get3A_44] : memref<1x256xf32, #tpu.memory_space<vmem>>, vector<1x256xf32>
      %add3A_46 = vector.broadcast %get3A_45 : vector<1x256xf32> to vector<400x256xf32>
      %add3A_47 = arith.addf %dot_general3A_42, %add3A_46 : vector<400x256xf32>
      %max3A_48 = arith.constant 0.000000e+00 : f32
      %max3A_49 = vector.broadcast %max3A_48 : f32 to vector<400x256xf32>
      %max3A_50 = arith.maximumf %add3A_47, %max3A_49 : vector<400x256xf32>
      %mul3A_51 = arith.constant 400 : i32
      %mul3A_52 = arith.muli %arg0, %mul3A_51 : i32
      %swap3A = arith.index_cast %mul3A_52 : i32 to index
      %swap3A_53 = arith.constant 0 : index
      %swap3A_54 = vector.load %arg13[%swap3A, %swap3A_53] : memref<10000x256xf32, #tpu.memory_space<vmem>>, vector<400x256xf32>
      tpu.vector_store %arg13[%swap3A, %swap3A_53], %max3A_50 {strides = array<i32>} : memref<10000x256xf32, #tpu.memory_space<vmem>>, vector<400x256xf32>,
      %eq3A = arith.constant 0 : i32
      %eq3A_55 = arith.cmpi eq, %arg0, %eq3A : i32
      %convert_element_type3A_56 = arith.extui %eq3A_55 : i1 to i32
      %cond3A_57 = arith.constant 0 : i32
      %cond3A_58 = arith.cmpi ne, %convert_element_type3A_56, %cond3A_57 : i32
      scf.if %cond3A_58 {
        %broadcast_in_dim3A_78 = arith.constant 0.000000e+00 : f32
        %broadcast_in_dim3A_79 = vector.broadcast %broadcast_in_dim3A_78 : f32 to vector<1x256xf32>
        %swap3A_80 = arith.constant 0 : index
        %swap3A_81 = arith.constant 0 : index
        %swap3A_82 = vector.load %arg14[%swap3A_80, %swap3A_81] : memref<1x256xf32, #tpu.memory_space<vmem>>, vector<1x256xf32>
        tpu.vector_store %arg14[%swap3A_80, %swap3A_81], %broadcast_in_dim3A_79 {strides = array<i32>} : memref<1x256xf32, #tpu.memory_space<vmem>>, vector<1x256xf32>,
        %broadcast_in_dim3A_83 = arith.constant 0.000000e+00 : f32
        %broadcast_in_dim3A_84 = vector.broadcast %broadcast_in_dim3A_83 : f32 to vector<1x256xf32>
        %swap3A_85 = arith.constant 0 : index
        %swap3A_86 = arith.constant 0 : index
        %swap3A_87 = vector.load %arg15[%swap3A_85, %swap3A_86] : memref<1x256xf32, #tpu.memory_space<vmem>>, vector<1x256xf32>
        tpu.vector_store %arg15[%swap3A_85, %swap3A_86], %broadcast_in_dim3A_84 {strides = array<i32>} : memref<1x256xf32, #tpu.memory_space<vmem>>, vector<1x256xf32>,
      } else {
      }
      %get3A_59 = arith.constant 0 : index
      %get3A_60 = arith.constant 0 : index
      %get3A_61 = vector.load %arg14[%get3A_59, %get3A_60] : memref<1x256xf32, #tpu.memory_space<vmem>>, vector<1x256xf32>
      %reduce_sum3A = arith.constant dense<0.000000e+00> : vector<256xf32>
      %reduce_sum3A_62 = vector.multi_reduction <add>, %max3A_50, %reduce_sum3A [0] : vector<400x256xf32> to vector<256xf32>
      %broadcast_in_dim3A = vector.shape_cast %reduce_sum3A_62 : vector<256xf32> to vector<1x256xf32>
      %add3A_63 = arith.addf %get3A_61, %broadcast_in_dim3A : vector<1x256xf32>
      %swap3A_64 = arith.constant 0 : index
      %swap3A_65 = arith.constant 0 : index
      %swap3A_66 = vector.load %arg14[%swap3A_64, %swap3A_65] : memref<1x256xf32, #tpu.memory_space<vmem>>, vector<1x256xf32>
      tpu.vector_store %arg14[%swap3A_64, %swap3A_65], %add3A_63 {strides = array<i32>} : memref<1x256xf32, #tpu.memory_space<vmem>>, vector<1x256xf32>,
      %get3A_67 = arith.constant 0 : index
      %get3A_68 = arith.constant 0 : index
      %get3A_69 = vector.load %arg15[%get3A_67, %get3A_68] : memref<1x256xf32, #tpu.memory_space<vmem>>, vector<1x256xf32>
      %mul3A_70 = arith.mulf %max3A_50, %max3A_50 : vector<400x256xf32>
      %reduce_sum3A_71 = arith.constant dense<0.000000e+00> : vector<256xf32>
      %reduce_sum3A_72 = vector.multi_reduction <add>, %mul3A_70, %reduce_sum3A_71 [0] : vector<400x256xf32> to vector<256xf32>
      %broadcast_in_dim3A_73 = vector.shape_cast %reduce_sum3A_72 : vector<256xf32> to vector<1x256xf32>
      %add3A_74 = arith.addf %get3A_69, %broadcast_in_dim3A_73 : vector<1x256xf32>
      %swap3A_75 = arith.constant 0 : index
      %swap3A_76 = arith.constant 0 : index
      %swap3A_77 = vector.load %arg15[%swap3A_75, %swap3A_76] : memref<1x256xf32, #tpu.memory_space<vmem>>, vector<1x256xf32>
      tpu.vector_store %arg15[%swap3A_75, %swap3A_76], %add3A_74 {strides = array<i32>} : memref<1x256xf32, #tpu.memory_space<vmem>>, vector<1x256xf32>,
    } else {
    }
    %ge3A = arith.constant 25 : i32
    %ge3A_2 = arith.cmpi sge, %arg0, %ge3A : i32
    %convert_element_type3A_3 = arith.extui %ge3A_2 : i1 to i32
    %cond3A_4 = arith.constant 0 : i32
    %cond3A_5 = arith.cmpi ne, %convert_element_type3A_3, %cond3A_4 : i32
    scf.if %cond3A_5 {
      %sub3A = arith.constant 25 : i32
      %sub3A_6 = arith.subi %arg0, %sub3A : i32
      %mul3A = arith.constant 400 : i32
      %mul3A_7 = arith.muli %sub3A_6, %mul3A : i32
      %get3A = arith.index_cast %mul3A_7 : i32 to index
      %get3A_8 = arith.constant 0 : index
      %get3A_9 = vector.load %arg13[%get3A, %get3A_8] : memref<10000x256xf32, #tpu.memory_space<vmem>>, vector<400x256xf32>
      %get3A_10 = arith.constant 0 : index
      %get3A_11 = arith.constant 0 : index
      %get3A_12 = vector.load %arg14[%get3A_10, %get3A_11] : memref<1x256xf32, #tpu.memory_space<vmem>>, vector<1x256xf32>
      %mul3A_13 = arith.constant 9.99999974E-5 : f32
      %mul3A_14 = vector.broadcast %mul3A_13 : f32 to vector<1x256xf32>
      %mul3A_15 = arith.mulf %get3A_12, %mul3A_14 : vector<1x256xf32>
      %get3A_16 = arith.constant 0 : index
      %get3A_17 = arith.constant 0 : index
      %get3A_18 = vector.load %arg15[%get3A_16, %get3A_17] : memref<1x256xf32, #tpu.memory_space<vmem>>, vector<1x256xf32>
      %mul3A_19 = arith.constant 9.99999974E-5 : f32
      %mul3A_20 = vector.broadcast %mul3A_19 : f32 to vector<1x256xf32>
      %mul3A_21 = arith.mulf %get3A_18, %mul3A_20 : vector<1x256xf32>
      %mul3A_22 = arith.mulf %mul3A_15, %mul3A_15 : vector<1x256xf32>
      %sub3A_23 = arith.subf %mul3A_21, %mul3A_22 : vector<1x256xf32>
      %get3A_24 = arith.constant 0 : index
      %get3A_25 = arith.constant 0 : index
      %get3A_26 = vector.load %arg10[%get3A_24, %get3A_25] : memref<1x256xf32, #tpu.memory_space<vmem>>, vector<1x256xf32>
      %add3A = arith.constant 9.99999974E-6 : f32
      %add3A_27 = vector.broadcast %add3A : f32 to vector<1x256xf32>
      %add3A_28 = arith.addf %sub3A_23, %add3A_27 : vector<1x256xf32>
      %sqrt3A = math.sqrt %add3A_28 : vector<1x256xf32>
      %div3A = arith.divf %get3A_26, %sqrt3A : vector<1x256xf32>
      %get3A_29 = arith.constant 0 : index
      %get3A_30 = arith.constant 0 : index
      %get3A_31 = vector.load %arg11[%get3A_29, %get3A_30] : memref<1x256xf32, #tpu.memory_space<vmem>>, vector<1x256xf32>
      %mul3A_32 = arith.mulf %mul3A_15, %div3A : vector<1x256xf32>
      %sub3A_33 = arith.subf %get3A_31, %mul3A_32 : vector<1x256xf32>
      %mul3A_34 = vector.broadcast %div3A : vector<1x256xf32> to vector<400x256xf32>
      %mul3A_35 = arith.mulf %get3A_9, %mul3A_34 : vector<400x256xf32>
      %add3A_36 = vector.broadcast %sub3A_33 : vector<1x256xf32> to vector<400x256xf32>
      %add3A_37 = arith.addf %mul3A_35, %add3A_36 : vector<400x256xf32>
      %slice3A = vector.extract_strided_slice %add3A_37 {offsets = [0, 0], sizes = [400, 128], strides = [1, 1]} : vector<400x256xf32> to vector<400x128xf32>
      %slice3A_38 = vector.extract_strided_slice %add3A_37 {offsets = [0, 128], sizes = [400, 128], strides = [1, 1]} : vector<400x256xf32> to vector<400x128xf32>
      %stack3A = vector.shape_cast %slice3A : vector<400x128xf32> to vector<1x400x128xf32>
      %stack3A_39 = vector.shape_cast %slice3A_38 : vector<400x128xf32> to vector<1x400x128xf32>
      %stack3A_40 = tpu.concatenate %stack3A, %stack3A_39 in 0 : vector<1x400x128xf32>, vector<1x400x128xf32> -> vector<2x400x128xf32>
      %swap3A = arith.constant 0 : index
      %swap3A_41 = arith.constant 0 : index
      %swap3A_42 = arith.constant 0 : index
      %swap3A_43 = vector.load %arg12[%swap3A, %swap3A_41, %swap3A_42] : memref<2x400x128xf32, #tpu.memory_space<vmem>>, vector<2x400x128xf32>
      tpu.vector_store %arg12[%swap3A, %swap3A_41, %swap3A_42], %stack3A_40 {strides = array<i32>} : memref<2x400x128xf32, #tpu.memory_space<vmem>>, vector<2x400x128xf32>,
    } else {
    }
    return
  }
  func.func @transform_0(%arg0: i32) -> (i32, i32) {
    %lt3A = arith.constant 25 : i32
    %lt3A_0 = arith.cmpi slt, %arg0, %lt3A : i32
    %jit3A = arith.constant 24 : i32
    %select_n3A = arith.select %lt3A_0, %arg0, %jit3A : i32
    %c0_i32 = arith.constant 0 : i32
    %c0_i32_1 = arith.constant 0 : i32
    return %select_n3A, %c0_i32 : i32, i32
  }
  func.func @transform_1(%arg0: i32) -> (i32, i32) {
    %lt3A = arith.constant 25 : i32
    %lt3A_0 = arith.cmpi slt, %arg0, %lt3A : i32
    %jit3A = arith.constant 24 : i32
    %select_n3A = arith.select %lt3A_0, %arg0, %jit3A : i32
    %add3A = arith.constant 25 : i32
    %add3A_1 = arith.addi %select_n3A, %add3A : i32
    %c0_i32 = arith.constant 0 : i32
    %c0_i32_2 = arith.constant 0 : i32
    return %add3A_1, %c0_i32 : i32, i32
  }
  func.func @transform_2(%arg0: i32) -> (i32, i32, i32) {
    %lt3A = arith.constant 25 : i32
    %lt3A_0 = arith.cmpi slt, %arg0, %lt3A : i32
    %jit3A = arith.constant 24 : i32
    %select_n3A = arith.select %lt3A_0, %arg0, %jit3A : i32
    %c0_i32 = arith.constant 0 : i32
    %c0_i32_1 = arith.constant 0 : i32
    %c0_i32_2 = arith.constant 0 : i32
    return %c0_i32, %select_n3A, %c0_i32_1 : i32, i32, i32
  }
  func.func @transform_3(%arg0: i32) -> (i32, i32, i32) {
    %lt3A = arith.constant 25 : i32
    %lt3A_0 = arith.cmpi slt, %arg0, %lt3A : i32
    %jit3A = arith.constant 24 : i32
    %select_n3A = arith.select %lt3A_0, %arg0, %jit3A : i32
    %c1_i32 = arith.constant 1 : i32
    %c0_i32 = arith.constant 0 : i32
    %c0_i32_1 = arith.constant 0 : i32
    return %c1_i32, %select_n3A, %c0_i32 : i32, i32, i32
  }
  func.func @transform_4(%arg0: i32) -> (i32, i32) {
    %c0_i32 = arith.constant 0 : i32
    %c0_i32_0 = arith.constant 0 : i32
    %c0_i32_1 = arith.constant 0 : i32
    return %c0_i32, %c0_i32_0 : i32, i32
  }
  func.func @transform_5(%arg0: i32) -> (i32, i32) {
    %c0_i32 = arith.constant 0 : i32
    %c0_i32_0 = arith.constant 0 : i32
    %c0_i32_1 = arith.constant 0 : i32
    return %c0_i32, %c0_i32_0 : i32, i32
  }
  func.func @transform_6(%arg0: i32) -> (i32, i32) {
    %c0_i32 = arith.constant 0 : i32
    %c0_i32_0 = arith.constant 0 : i32
    %c0_i32_1 = arith.constant 0 : i32
    return %c0_i32, %c0_i32_0 : i32, i32
  }
  func.func @transform_7(%arg0: i32) -> (i32, i32) {
    %c0_i32 = arith.constant 0 : i32
    %c0_i32_0 = arith.constant 0 : i32
    %c0_i32_1 = arith.constant 0 : i32
    return %c0_i32, %c0_i32_0 : i32, i32
  }
  func.func @transform_8(%arg0: i32) -> (i32, i32) {
    %c0_i32 = arith.constant 0 : i32
    %c0_i32_0 = arith.constant 0 : i32
    %c0_i32_1 = arith.constant 0 : i32
    return %c0_i32, %c0_i32_0 : i32, i32
  }
  func.func @transform_9(%arg0: i32) -> (i32, i32) {
    %c0_i32 = arith.constant 0 : i32
    %c0_i32_0 = arith.constant 0 : i32
    %c0_i32_1 = arith.constant 0 : i32
    return %c0_i32, %c0_i32_0 : i32, i32
  }
  func.func @transform_10(%arg0: i32) -> (i32, i32) {
    %c0_i32 = arith.constant 0 : i32
    %c0_i32_0 = arith.constant 0 : i32
    %c0_i32_1 = arith.constant 0 : i32
    return %c0_i32, %c0_i32_0 : i32, i32
  }
  func.func @transform_11(%arg0: i32) -> (i32, i32, i32) {
    %ge3A = arith.constant 25 : i32
    %ge3A_0 = arith.cmpi sge, %arg0, %ge3A : i32
    %sub3A = arith.constant 25 : i32
    %sub3A_1 = arith.subi %arg0, %sub3A : i32
    %jit3A = arith.constant 0 : i32
    %select_n3A = arith.select %ge3A_0, %sub3A_1, %jit3A : i32
    %c0_i32 = arith.constant 0 : i32
    %c0_i32_2 = arith.constant 0 : i32
    %c0_i32_3 = arith.constant 0 : i32
    return %c0_i32, %select_n3A, %c0_i32_2 : i32, i32, i32
  }
}

module attributes {stable_mosaic.version = 14 : i64} {
  func.func @_mlp_bn_body(%arg0: i32, %arg1: memref<1x400x128xf32, #tpu.memory_space<vmem>>, %arg2: memref<1x400x128xf32, #tpu.memory_space<vmem>>, %arg3: memref<1x400x128xf32, #tpu.memory_space<vmem>>, %arg4: memref<1x400x128xf32, #tpu.memory_space<vmem>>, %arg5: memref<256x256xf32, #tpu.memory_space<vmem>>, %arg6: memref<1x256xf32, #tpu.memory_space<vmem>>, %arg7: memref<256x256xf32, #tpu.memory_space<vmem>>, %arg8: memref<1x256xf32, #tpu.memory_space<vmem>>, %arg9: memref<1x128xf32, #tpu.memory_space<vmem>>, %arg10: memref<1x256xf32, #tpu.memory_space<vmem>>, %arg11: memref<1x256xf32, #tpu.memory_space<vmem>>, %arg12: memref<2x400x128xf32, #tpu.memory_space<vmem>>, %arg13: memref<10000x256xf32, #tpu.memory_space<vmem>>, %arg14: memref<1x256xf32, #tpu.memory_space<vmem>>, %arg15: memref<1x256xf32, #tpu.memory_space<vmem>>) attributes {dimension_semantics = [#tpu.dimension_semantics<arbitrary>], iteration_bounds = array<i64: 50>, scalar_prefetch = 0 : i64, scratch_operands = 3 : i64, tpu.core_type = #tpu.core_type<tc>, window_params = [{transform_indices = @transform_0, window_bounds = array<i64: 1, 400, 128>}, {transform_indices = @transform_1, window_bounds = array<i64: 1, 400, 128>}, {transform_indices = @transform_2, window_bounds = array<i64: 1, 400, 128>}, {transform_indices = @transform_3, window_bounds = array<i64: 1, 400, 128>}, {pipeline_mode = #tpu.pipeline_mode<synchronous>, transform_indices = @transform_4, window_bounds = array<i64: 256, 256>}, {pipeline_mode = #tpu.pipeline_mode<synchronous>, transform_indices = @transform_5, window_bounds = array<i64: 1, 256>}, {pipeline_mode = #tpu.pipeline_mode<synchronous>, transform_indices = @transform_6, window_bounds = array<i64: 256, 256>}, {pipeline_mode = #tpu.pipeline_mode<synchronous>, transform_indices = @transform_7, window_bounds = array<i64: 1, 256>}, {pipeline_mode = #tpu.pipeline_mode<synchronous>, transform_indices = @transform_8, window_bounds = array<i64: 1, 128>}, {pipeline_mode = #tpu.pipeline_mode<synchronous>, transform_indices = @transform_9, window_bounds = array<i64: 1, 256>}, {pipeline_mode = #tpu.pipeline_mode<synchronous>, transform_indices = @transform_10, window_bounds = array<i64: 1, 256>}, {transform_indices = @transform_11, window_bounds = array<i64: 2, 400, 128>}]} {
    %lt3A = arith.constant 25 : i32
    %lt3A_0 = arith.cmpi slt, %arg0, %lt3A : i32
    %convert_element_type3A = arith.extui %lt3A_0 : i1 to i32
    %cond3A = arith.constant 0 : i32
    %cond3A_1 = arith.cmpi ne, %convert_element_type3A, %cond3A : i32
    scf.if %cond3A_1 {
      %get3A = arith.constant 0 : index
      %get3A_6 = arith.constant 0 : index
      %get3A_7 = vector.load %arg9[%get3A, %get3A_6] : memref<1x128xf32, #tpu.memory_space<vmem>>, vector<1x1xf32>
      %get3A_8 = vector.extract %get3A_7[0, 0] : f32 from vector<1x1xf32>
      %get3A_9 = arith.constant 0 : index
      %get3A_10 = arith.constant 0 : index
      %get3A_11 = arith.constant 0 : index
      %get3A_12 = vector.load %arg1[%get3A_9, %get3A_10, %get3A_11] : memref<1x400x128xf32, #tpu.memory_space<vmem>>, vector<1x400x128xf32>
      %get3A_13 = vector.shape_cast %get3A_12 : vector<1x400x128xf32> to vector<400x128xf32>
      %mul3A = vector.broadcast %get3A_8 : f32 to vector<400x128xf32>
      %mul3A_14 = arith.mulf %mul3A, %get3A_13 : vector<400x128xf32>
      %get3A_15 = arith.constant 0 : index
      %get3A_16 = arith.constant 0 : index
      %get3A_17 = arith.constant 0 : index
      %get3A_18 = vector.load %arg3[%get3A_15, %get3A_16, %get3A_17] : memref<1x400x128xf32, #tpu.memory_space<vmem>>, vector<1x400x128xf32>
      %get3A_19 = vector.shape_cast %get3A_18 : vector<1x400x128xf32> to vector<400x128xf32>
      %add3A = arith.addf %mul3A_14, %get3A_19 : vector<400x128xf32>
      %get3A_20 = arith.constant 0 : index
      %get3A_21 = arith.constant 0 : index
      %get3A_22 = arith.constant 0 : index
      %get3A_23 = vector.load %arg2[%get3A_20, %get3A_21, %get3A_22] : memref<1x400x128xf32, #tpu.memory_space<vmem>>, vector<1x400x128xf32>
      %get3A_24 = vector.shape_cast %get3A_23 : vector<1x400x128xf32> to vector<400x128xf32>
      %mul3A_25 = vector.broadcast %get3A_8 : f32 to vector<400x128xf32>
      %mul3A_26 = arith.mulf %mul3A_25, %get3A_24 : vector<400x128xf32>
      %get3A_27 = arith.constant 0 : index
      %get3A_28 = arith.constant 0 : index
      %get3A_29 = arith.constant 0 : index
      %get3A_30 = vector.load %arg4[%get3A_27, %get3A_28, %get3A_29] : memref<1x400x128xf32, #tpu.memory_space<vmem>>, vector<1x400x128xf32>
      %get3A_31 = vector.shape_cast %get3A_30 : vector<1x400x128xf32> to vector<400x128xf32>
      %add3A_32 = arith.addf %mul3A_26, %get3A_31 : vector<400x128xf32>
      %concatenate3A = tpu.concatenate %add3A, %add3A_32 in 1 : vector<400x128xf32>, vector<400x128xf32> -> vector<400x256xf32>
      %get3A_33 = arith.constant 0 : index
      %get3A_34 = arith.constant 0 : index
      %get3A_35 = vector.load %arg5[%get3A_33, %get3A_34] : memref<256x256xf32, #tpu.memory_space<vmem>>, vector<256x256xf32>
      %dot_general3A = arith.constant dense<0.000000e+00> : vector<400x256xf32>
      %dot_general3A_36 = tpu.matmul %concatenate3A, %get3A_35, %dot_general3A {dimension_numbers = #tpu.dot_dimension_numbers<[1], [0], [0], [1], [0, 0, 1, 1], [], []>, precision = #tpu.contract_precision<fp32>, transpose_lhs_hint = false} : vector<400x256xf32>, vector<256x256xf32>, vector<400x256xf32> -> vector<400x256xf32>
      %get3A_37 = arith.constant 0 : index
      %get3A_38 = arith.constant 0 : index
      %get3A_39 = vector.load %arg6[%get3A_37, %get3A_38] : memref<1x256xf32, #tpu.memory_space<vmem>>, vector<1x256xf32>
      %add3A_40 = vector.broadcast %get3A_39 : vector<1x256xf32> to vector<400x256xf32>
      %add3A_41 = arith.addf %dot_general3A_36, %add3A_40 : vector<400x256xf32>
      %max3A = arith.constant 0.000000e+00 : f32
      %max3A_42 = vector.broadcast %max3A : f32 to vector<400x256xf32>
      %max3A_43 = arith.maximumf %add3A_41, %max3A_42 : vector<400x256xf32>
      %get3A_44 = arith.constant 0 : index
      %get3A_45 = arith.constant 0 : index
      %get3A_46 = vector.load %arg7[%get3A_44, %get3A_45] : memref<256x256xf32, #tpu.memory_space<vmem>>, vector<256x256xf32>
      %dot_general3A_47 = arith.constant dense<0.000000e+00> : vector<400x256xf32>
      %dot_general3A_48 = tpu.matmul %max3A_43, %get3A_46, %dot_general3A_47 {dimension_numbers = #tpu.dot_dimension_numbers<[1], [0], [0], [1], [0, 0, 1, 1], [], []>, precision = #tpu.contract_precision<fp32>, transpose_lhs_hint = false} : vector<400x256xf32>, vector<256x256xf32>, vector<400x256xf32> -> vector<400x256xf32>
      %get3A_49 = arith.constant 0 : index
      %get3A_50 = arith.constant 0 : index
      %get3A_51 = vector.load %arg8[%get3A_49, %get3A_50] : memref<1x256xf32, #tpu.memory_space<vmem>>, vector<1x256xf32>
      %add3A_52 = vector.broadcast %get3A_51 : vector<1x256xf32> to vector<400x256xf32>
      %add3A_53 = arith.addf %dot_general3A_48, %add3A_52 : vector<400x256xf32>
      %max3A_54 = arith.constant 0.000000e+00 : f32
      %max3A_55 = vector.broadcast %max3A_54 : f32 to vector<400x256xf32>
      %max3A_56 = arith.maximumf %add3A_53, %max3A_55 : vector<400x256xf32>
      %mul3A_57 = arith.constant 400 : i32
      %mul3A_58 = arith.muli %arg0, %mul3A_57 : i32
      %swap3A = arith.index_cast %mul3A_58 : i32 to index
      %swap3A_59 = arith.constant 0 : index
      %swap3A_60 = vector.load %arg13[%swap3A, %swap3A_59] : memref<10000x256xf32, #tpu.memory_space<vmem>>, vector<400x256xf32>
      tpu.vector_store %arg13[%swap3A, %swap3A_59], %max3A_56 {strides = array<i32>} : memref<10000x256xf32, #tpu.memory_space<vmem>>, vector<400x256xf32>,
      %eq3A = arith.constant 0 : i32
      %eq3A_61 = arith.cmpi eq, %arg0, %eq3A : i32
      %convert_element_type3A_62 = arith.extui %eq3A_61 : i1 to i32
      %cond3A_63 = arith.constant 0 : i32
      %cond3A_64 = arith.cmpi ne, %convert_element_type3A_62, %cond3A_63 : i32
      scf.if %cond3A_64 {
        %broadcast_in_dim3A_84 = arith.constant 0.000000e+00 : f32
        %broadcast_in_dim3A_85 = vector.broadcast %broadcast_in_dim3A_84 : f32 to vector<1x256xf32>
        %swap3A_86 = arith.constant 0 : index
        %swap3A_87 = arith.constant 0 : index
        %swap3A_88 = vector.load %arg14[%swap3A_86, %swap3A_87] : memref<1x256xf32, #tpu.memory_space<vmem>>, vector<1x256xf32>
        tpu.vector_store %arg14[%swap3A_86, %swap3A_87], %broadcast_in_dim3A_85 {strides = array<i32>} : memref<1x256xf32, #tpu.memory_space<vmem>>, vector<1x256xf32>,
        %broadcast_in_dim3A_89 = arith.constant 0.000000e+00 : f32
        %broadcast_in_dim3A_90 = vector.broadcast %broadcast_in_dim3A_89 : f32 to vector<1x256xf32>
        %swap3A_91 = arith.constant 0 : index
        %swap3A_92 = arith.constant 0 : index
        %swap3A_93 = vector.load %arg15[%swap3A_91, %swap3A_92] : memref<1x256xf32, #tpu.memory_space<vmem>>, vector<1x256xf32>
        tpu.vector_store %arg15[%swap3A_91, %swap3A_92], %broadcast_in_dim3A_90 {strides = array<i32>} : memref<1x256xf32, #tpu.memory_space<vmem>>, vector<1x256xf32>,
      } else {
      }
      %get3A_65 = arith.constant 0 : index
      %get3A_66 = arith.constant 0 : index
      %get3A_67 = vector.load %arg14[%get3A_65, %get3A_66] : memref<1x256xf32, #tpu.memory_space<vmem>>, vector<1x256xf32>
      %reduce_sum3A = arith.constant dense<0.000000e+00> : vector<256xf32>
      %reduce_sum3A_68 = vector.multi_reduction <add>, %max3A_56, %reduce_sum3A [0] : vector<400x256xf32> to vector<256xf32>
      %broadcast_in_dim3A = vector.shape_cast %reduce_sum3A_68 : vector<256xf32> to vector<1x256xf32>
      %add3A_69 = arith.addf %get3A_67, %broadcast_in_dim3A : vector<1x256xf32>
      %swap3A_70 = arith.constant 0 : index
      %swap3A_71 = arith.constant 0 : index
      %swap3A_72 = vector.load %arg14[%swap3A_70, %swap3A_71] : memref<1x256xf32, #tpu.memory_space<vmem>>, vector<1x256xf32>
      tpu.vector_store %arg14[%swap3A_70, %swap3A_71], %add3A_69 {strides = array<i32>} : memref<1x256xf32, #tpu.memory_space<vmem>>, vector<1x256xf32>,
      %get3A_73 = arith.constant 0 : index
      %get3A_74 = arith.constant 0 : index
      %get3A_75 = vector.load %arg15[%get3A_73, %get3A_74] : memref<1x256xf32, #tpu.memory_space<vmem>>, vector<1x256xf32>
      %mul3A_76 = arith.mulf %max3A_56, %max3A_56 : vector<400x256xf32>
      %reduce_sum3A_77 = arith.constant dense<0.000000e+00> : vector<256xf32>
      %reduce_sum3A_78 = vector.multi_reduction <add>, %mul3A_76, %reduce_sum3A_77 [0] : vector<400x256xf32> to vector<256xf32>
      %broadcast_in_dim3A_79 = vector.shape_cast %reduce_sum3A_78 : vector<256xf32> to vector<1x256xf32>
      %add3A_80 = arith.addf %get3A_75, %broadcast_in_dim3A_79 : vector<1x256xf32>
      %swap3A_81 = arith.constant 0 : index
      %swap3A_82 = arith.constant 0 : index
      %swap3A_83 = vector.load %arg15[%swap3A_81, %swap3A_82] : memref<1x256xf32, #tpu.memory_space<vmem>>, vector<1x256xf32>
      tpu.vector_store %arg15[%swap3A_81, %swap3A_82], %add3A_80 {strides = array<i32>} : memref<1x256xf32, #tpu.memory_space<vmem>>, vector<1x256xf32>,
    } else {
    }
    %ge3A = arith.constant 25 : i32
    %ge3A_2 = arith.cmpi sge, %arg0, %ge3A : i32
    %convert_element_type3A_3 = arith.extui %ge3A_2 : i1 to i32
    %cond3A_4 = arith.constant 0 : i32
    %cond3A_5 = arith.cmpi ne, %convert_element_type3A_3, %cond3A_4 : i32
    scf.if %cond3A_5 {
      %sub3A = arith.constant 25 : i32
      %sub3A_6 = arith.subi %arg0, %sub3A : i32
      %mul3A = arith.constant 400 : i32
      %mul3A_7 = arith.muli %sub3A_6, %mul3A : i32
      %get3A = arith.index_cast %mul3A_7 : i32 to index
      %get3A_8 = arith.constant 0 : index
      %get3A_9 = vector.load %arg13[%get3A, %get3A_8] : memref<10000x256xf32, #tpu.memory_space<vmem>>, vector<400x256xf32>
      %get3A_10 = arith.constant 0 : index
      %get3A_11 = arith.constant 0 : index
      %get3A_12 = vector.load %arg14[%get3A_10, %get3A_11] : memref<1x256xf32, #tpu.memory_space<vmem>>, vector<1x256xf32>
      %mul3A_13 = arith.constant 9.99999974E-5 : f32
      %mul3A_14 = vector.broadcast %mul3A_13 : f32 to vector<1x256xf32>
      %mul3A_15 = arith.mulf %get3A_12, %mul3A_14 : vector<1x256xf32>
      %get3A_16 = arith.constant 0 : index
      %get3A_17 = arith.constant 0 : index
      %get3A_18 = vector.load %arg15[%get3A_16, %get3A_17] : memref<1x256xf32, #tpu.memory_space<vmem>>, vector<1x256xf32>
      %mul3A_19 = arith.constant 9.99999974E-5 : f32
      %mul3A_20 = vector.broadcast %mul3A_19 : f32 to vector<1x256xf32>
      %mul3A_21 = arith.mulf %get3A_18, %mul3A_20 : vector<1x256xf32>
      %mul3A_22 = arith.mulf %mul3A_15, %mul3A_15 : vector<1x256xf32>
      %sub3A_23 = arith.subf %mul3A_21, %mul3A_22 : vector<1x256xf32>
      %get3A_24 = arith.constant 0 : index
      %get3A_25 = arith.constant 0 : index
      %get3A_26 = vector.load %arg10[%get3A_24, %get3A_25] : memref<1x256xf32, #tpu.memory_space<vmem>>, vector<1x256xf32>
      %add3A = arith.constant 9.99999974E-6 : f32
      %add3A_27 = vector.broadcast %add3A : f32 to vector<1x256xf32>
      %add3A_28 = arith.addf %sub3A_23, %add3A_27 : vector<1x256xf32>
      %sqrt3A = math.sqrt %add3A_28 : vector<1x256xf32>
      %div3A = arith.divf %get3A_26, %sqrt3A : vector<1x256xf32>
      %get3A_29 = arith.constant 0 : index
      %get3A_30 = arith.constant 0 : index
      %get3A_31 = vector.load %arg11[%get3A_29, %get3A_30] : memref<1x256xf32, #tpu.memory_space<vmem>>, vector<1x256xf32>
      %mul3A_32 = arith.mulf %mul3A_15, %div3A : vector<1x256xf32>
      %sub3A_33 = arith.subf %get3A_31, %mul3A_32 : vector<1x256xf32>
      %mul3A_34 = vector.broadcast %div3A : vector<1x256xf32> to vector<400x256xf32>
      %mul3A_35 = arith.mulf %get3A_9, %mul3A_34 : vector<400x256xf32>
      %add3A_36 = vector.broadcast %sub3A_33 : vector<1x256xf32> to vector<400x256xf32>
      %add3A_37 = arith.addf %mul3A_35, %add3A_36 : vector<400x256xf32>
      %slice3A = vector.extract_strided_slice %add3A_37 {offsets = [0, 0], sizes = [400, 128], strides = [1, 1]} : vector<400x256xf32> to vector<400x128xf32>
      %slice3A_38 = vector.extract_strided_slice %add3A_37 {offsets = [0, 128], sizes = [400, 128], strides = [1, 1]} : vector<400x256xf32> to vector<400x128xf32>
      %stack3A = vector.shape_cast %slice3A : vector<400x128xf32> to vector<1x400x128xf32>
      %stack3A_39 = vector.shape_cast %slice3A_38 : vector<400x128xf32> to vector<1x400x128xf32>
      %stack3A_40 = tpu.concatenate %stack3A, %stack3A_39 in 0 : vector<1x400x128xf32>, vector<1x400x128xf32> -> vector<2x400x128xf32>
      %swap3A = arith.constant 0 : index
      %swap3A_41 = arith.constant 0 : index
      %swap3A_42 = arith.constant 0 : index
      %swap3A_43 = vector.load %arg12[%swap3A, %swap3A_41, %swap3A_42] : memref<2x400x128xf32, #tpu.memory_space<vmem>>, vector<2x400x128xf32>
      tpu.vector_store %arg12[%swap3A, %swap3A_41, %swap3A_42], %stack3A_40 {strides = array<i32>} : memref<2x400x128xf32, #tpu.memory_space<vmem>>, vector<2x400x128xf32>,
    } else {
    }
    return
  }
  func.func @transform_0(%arg0: i32) -> (i32, i32, i32) {
    %lt3A = arith.constant 25 : i32
    %lt3A_0 = arith.cmpi slt, %arg0, %lt3A : i32
    %jit3A = arith.constant 24 : i32
    %select_n3A = arith.select %lt3A_0, %arg0, %jit3A : i32
    %c0_i32 = arith.constant 0 : i32
    %c0_i32_1 = arith.constant 0 : i32
    %c0_i32_2 = arith.constant 0 : i32
    return %c0_i32, %select_n3A, %c0_i32_1 : i32, i32, i32
  }
  func.func @transform_1(%arg0: i32) -> (i32, i32, i32) {
    %lt3A = arith.constant 25 : i32
    %lt3A_0 = arith.cmpi slt, %arg0, %lt3A : i32
    %jit3A = arith.constant 24 : i32
    %select_n3A = arith.select %lt3A_0, %arg0, %jit3A : i32
    %c1_i32 = arith.constant 1 : i32
    %c0_i32 = arith.constant 0 : i32
    %c0_i32_1 = arith.constant 0 : i32
    return %c1_i32, %select_n3A, %c0_i32 : i32, i32, i32
  }
  func.func @transform_2(%arg0: i32) -> (i32, i32, i32) {
    %lt3A = arith.constant 25 : i32
    %lt3A_0 = arith.cmpi slt, %arg0, %lt3A : i32
    %jit3A = arith.constant 24 : i32
    %select_n3A = arith.select %lt3A_0, %arg0, %jit3A : i32
    %c0_i32 = arith.constant 0 : i32
    %c0_i32_1 = arith.constant 0 : i32
    %c0_i32_2 = arith.constant 0 : i32
    return %c0_i32, %select_n3A, %c0_i32_1 : i32, i32, i32
  }
  func.func @transform_3(%arg0: i32) -> (i32, i32, i32) {
    %lt3A = arith.constant 25 : i32
    %lt3A_0 = arith.cmpi slt, %arg0, %lt3A : i32
    %jit3A = arith.constant 24 : i32
    %select_n3A = arith.select %lt3A_0, %arg0, %jit3A : i32
    %c1_i32 = arith.constant 1 : i32
    %c0_i32 = arith.constant 0 : i32
    %c0_i32_1 = arith.constant 0 : i32
    return %c1_i32, %select_n3A, %c0_i32 : i32, i32, i32
  }
  func.func @transform_4(%arg0: i32) -> (i32, i32) {
    %c0_i32 = arith.constant 0 : i32
    %c0_i32_0 = arith.constant 0 : i32
    %c0_i32_1 = arith.constant 0 : i32
    return %c0_i32, %c0_i32_0 : i32, i32
  }
  func.func @transform_5(%arg0: i32) -> (i32, i32) {
    %c0_i32 = arith.constant 0 : i32
    %c0_i32_0 = arith.constant 0 : i32
    %c0_i32_1 = arith.constant 0 : i32
    return %c0_i32, %c0_i32_0 : i32, i32
  }
  func.func @transform_6(%arg0: i32) -> (i32, i32) {
    %c0_i32 = arith.constant 0 : i32
    %c0_i32_0 = arith.constant 0 : i32
    %c0_i32_1 = arith.constant 0 : i32
    return %c0_i32, %c0_i32_0 : i32, i32
  }
  func.func @transform_7(%arg0: i32) -> (i32, i32) {
    %c0_i32 = arith.constant 0 : i32
    %c0_i32_0 = arith.constant 0 : i32
    %c0_i32_1 = arith.constant 0 : i32
    return %c0_i32, %c0_i32_0 : i32, i32
  }
  func.func @transform_8(%arg0: i32) -> (i32, i32) {
    %c0_i32 = arith.constant 0 : i32
    %c0_i32_0 = arith.constant 0 : i32
    %c0_i32_1 = arith.constant 0 : i32
    return %c0_i32, %c0_i32_0 : i32, i32
  }
  func.func @transform_9(%arg0: i32) -> (i32, i32) {
    %c0_i32 = arith.constant 0 : i32
    %c0_i32_0 = arith.constant 0 : i32
    %c0_i32_1 = arith.constant 0 : i32
    return %c0_i32, %c0_i32_0 : i32, i32
  }
  func.func @transform_10(%arg0: i32) -> (i32, i32) {
    %c0_i32 = arith.constant 0 : i32
    %c0_i32_0 = arith.constant 0 : i32
    %c0_i32_1 = arith.constant 0 : i32
    return %c0_i32, %c0_i32_0 : i32, i32
  }
  func.func @transform_11(%arg0: i32) -> (i32, i32, i32) {
    %ge3A = arith.constant 25 : i32
    %ge3A_0 = arith.cmpi sge, %arg0, %ge3A : i32
    %sub3A = arith.constant 25 : i32
    %sub3A_1 = arith.subi %arg0, %sub3A : i32
    %jit3A = arith.constant 0 : i32
    %select_n3A = arith.select %ge3A_0, %sub3A_1, %jit3A : i32
    %c0_i32 = arith.constant 0 : i32
    %c0_i32_2 = arith.constant 0 : i32
    %c0_i32_3 = arith.constant 0 : i32
    return %c0_i32, %select_n3A, %c0_i32_2 : i32, i32, i32
  }
}

module attributes {stable_mosaic.version = 14 : i64} {
  func.func @_pool_body(%arg0: i32, %arg1: memref<1x400x128xf32, #tpu.memory_space<vmem>>, %arg2: memref<1x400x128xf32, #tpu.memory_space<vmem>>, %arg3: memref<1x400x128xf32, #tpu.memory_space<vmem>>, %arg4: memref<1x400x128xf32, #tpu.memory_space<vmem>>, %arg5: memref<1x400x128xf32, #tpu.memory_space<vmem>>, %arg6: memref<1x400x128xf32, #tpu.memory_space<vmem>>, %arg7: memref<1x400x128xf32, #tpu.memory_space<vmem>>, %arg8: memref<1x400x128xf32, #tpu.memory_space<vmem>>, %arg9: memref<1x1x400xi32, #tpu.memory_space<vmem>>, %arg10: memref<1024x256xf32, #tpu.memory_space<vmem>>, %arg11: memref<1x256xf32, #tpu.memory_space<vmem>>, %arg12: memref<256x32xf32, #tpu.memory_space<vmem>>, %arg13: memref<1x32xf32, #tpu.memory_space<vmem>>, %arg14: memref<64x32xf32, #tpu.memory_space<vmem>>, %arg15: memref<64x1024xf32, #tpu.memory_space<vmem>>, %arg16: memref<64x1xf32, #tpu.memory_space<vmem>>) attributes {dimension_semantics = [#tpu.dimension_semantics<arbitrary>], iteration_bounds = array<i64: 25>, scalar_prefetch = 0 : i64, scratch_operands = 2 : i64, tpu.core_type = #tpu.core_type<tc>, window_params = [{transform_indices = @transform_0, window_bounds = array<i64: 1, 400, 128>}, {transform_indices = @transform_1, window_bounds = array<i64: 1, 400, 128>}, {transform_indices = @transform_2, window_bounds = array<i64: 1, 400, 128>}, {transform_indices = @transform_3, window_bounds = array<i64: 1, 400, 128>}, {transform_indices = @transform_4, window_bounds = array<i64: 1, 400, 128>}, {transform_indices = @transform_5, window_bounds = array<i64: 1, 400, 128>}, {transform_indices = @transform_6, window_bounds = array<i64: 1, 400, 128>}, {transform_indices = @transform_7, window_bounds = array<i64: 1, 400, 128>}, {transform_indices = @transform_8, window_bounds = array<i64: 1, 1, 400>}, {pipeline_mode = #tpu.pipeline_mode<synchronous>, transform_indices = @transform_9, window_bounds = array<i64: 1024, 256>}, {pipeline_mode = #tpu.pipeline_mode<synchronous>, transform_indices = @transform_10, window_bounds = array<i64: 1, 256>}, {pipeline_mode = #tpu.pipeline_mode<synchronous>, transform_indices = @transform_11, window_bounds = array<i64: 256, 32>}, {pipeline_mode = #tpu.pipeline_mode<synchronous>, transform_indices = @transform_12, window_bounds = array<i64: 1, 32>}, {pipeline_mode = #tpu.pipeline_mode<synchronous>, transform_indices = @transform_13, window_bounds = array<i64: 64, 32>}]} {
    %get3A = arith.constant 0 : index
    %get3A_0 = arith.constant 0 : index
    %get3A_1 = arith.constant 0 : index
    %get3A_2 = vector.load %arg1[%get3A, %get3A_0, %get3A_1] : memref<1x400x128xf32, #tpu.memory_space<vmem>>, vector<1x400x128xf32>
    %get3A_3 = vector.shape_cast %get3A_2 : vector<1x400x128xf32> to vector<400x128xf32>
    %get3A_4 = arith.constant 0 : index
    %get3A_5 = arith.constant 0 : index
    %get3A_6 = arith.constant 0 : index
    %get3A_7 = vector.load %arg2[%get3A_4, %get3A_5, %get3A_6] : memref<1x400x128xf32, #tpu.memory_space<vmem>>, vector<1x400x128xf32>
    %get3A_8 = vector.shape_cast %get3A_7 : vector<1x400x128xf32> to vector<400x128xf32>
    %get3A_9 = arith.constant 0 : index
    %get3A_10 = arith.constant 0 : index
    %get3A_11 = arith.constant 0 : index
    %get3A_12 = vector.load %arg3[%get3A_9, %get3A_10, %get3A_11] : memref<1x400x128xf32, #tpu.memory_space<vmem>>, vector<1x400x128xf32>
    %get3A_13 = vector.shape_cast %get3A_12 : vector<1x400x128xf32> to vector<400x128xf32>
    %get3A_14 = arith.constant 0 : index
    %get3A_15 = arith.constant 0 : index
    %get3A_16 = arith.constant 0 : index
    %get3A_17 = vector.load %arg4[%get3A_14, %get3A_15, %get3A_16] : memref<1x400x128xf32, #tpu.memory_space<vmem>>, vector<1x400x128xf32>
    %get3A_18 = vector.shape_cast %get3A_17 : vector<1x400x128xf32> to vector<400x128xf32>
    %get3A_19 = arith.constant 0 : index
    %get3A_20 = arith.constant 0 : index
    %get3A_21 = arith.constant 0 : index
    %get3A_22 = vector.load %arg5[%get3A_19, %get3A_20, %get3A_21] : memref<1x400x128xf32, #tpu.memory_space<vmem>>, vector<1x400x128xf32>
    %get3A_23 = vector.shape_cast %get3A_22 : vector<1x400x128xf32> to vector<400x128xf32>
    %get3A_24 = arith.constant 0 : index
    %get3A_25 = arith.constant 0 : index
    %get3A_26 = arith.constant 0 : index
    %get3A_27 = vector.load %arg6[%get3A_24, %get3A_25, %get3A_26] : memref<1x400x128xf32, #tpu.memory_space<vmem>>, vector<1x400x128xf32>
    %get3A_28 = vector.shape_cast %get3A_27 : vector<1x400x128xf32> to vector<400x128xf32>
    %get3A_29 = arith.constant 0 : index
    %get3A_30 = arith.constant 0 : index
    %get3A_31 = arith.constant 0 : index
    %get3A_32 = vector.load %arg7[%get3A_29, %get3A_30, %get3A_31] : memref<1x400x128xf32, #tpu.memory_space<vmem>>, vector<1x400x128xf32>
    %get3A_33 = vector.shape_cast %get3A_32 : vector<1x400x128xf32> to vector<400x128xf32>
    %get3A_34 = arith.constant 0 : index
    %get3A_35 = arith.constant 0 : index
    %get3A_36 = arith.constant 0 : index
    %get3A_37 = vector.load %arg8[%get3A_34, %get3A_35, %get3A_36] : memref<1x400x128xf32, #tpu.memory_space<vmem>>, vector<1x400x128xf32>
    %get3A_38 = vector.shape_cast %get3A_37 : vector<1x400x128xf32> to vector<400x128xf32>
    %concatenate3A = tpu.concatenate %get3A_3, %get3A_8, %get3A_13, %get3A_18, %get3A_23, %get3A_28, %get3A_33, %get3A_38 in 1 : vector<400x128xf32>, vector<400x128xf32>, vector<400x128xf32>, vector<400x128xf32>, vector<400x128xf32>, vector<400x128xf32>, vector<400x128xf32>, vector<400x128xf32> -> vector<400x1024xf32>
    %get3A_39 = arith.constant 0 : index
    %get3A_40 = arith.constant 0 : index
    %get3A_41 = arith.constant 0 : index
    %get3A_42 = vector.load %arg9[%get3A_39, %get3A_40, %get3A_41] : memref<1x1x400xi32, #tpu.memory_space<vmem>>, vector<1x1x400xi32>
    %get3A_43 = vector.shape_cast %get3A_42 : vector<1x1x400xi32> to vector<1x400xi32>
    %iota3A = tpu.iota {dimensions = array<i32: 0>} : vector<64x400xi32>
    %eq3A = vector.broadcast %get3A_43 : vector<1x400xi32> to vector<64x400xi32>
    %eq3A_44 = arith.cmpi eq, %eq3A, %iota3A : vector<64x400xi32>
    %convert_element_type3A = arith.extui %eq3A_44 : vector<64x400xi1> to vector<64x400xi32>
    %convert_element_type3A_45 = arith.sitofp %convert_element_type3A : vector<64x400xi32> to vector<64x400xf32>
    %eq3A_46 = arith.constant 0 : i32
    %eq3A_47 = arith.cmpi eq, %arg0, %eq3A_46 : i32
    %convert_element_type3A_48 = arith.extui %eq3A_47 : i1 to i32
    %cond3A = arith.constant 0 : i32
    %cond3A_49 = arith.cmpi ne, %convert_element_type3A_48, %cond3A : i32
    scf.if %cond3A_49 {
      %broadcast_in_dim3A_71 = arith.constant 0.000000e+00 : f32
      %broadcast_in_dim3A_72 = vector.broadcast %broadcast_in_dim3A_71 : f32 to vector<64x1024xf32>
      %swap3A_73 = arith.constant 0 : index
      %swap3A_74 = arith.constant 0 : index
      %swap3A_75 = vector.load %arg15[%swap3A_73, %swap3A_74] : memref<64x1024xf32, #tpu.memory_space<vmem>>, vector<64x1024xf32>
      tpu.vector_store %arg15[%swap3A_73, %swap3A_74], %broadcast_in_dim3A_72 {strides = array<i32>} : memref<64x1024xf32, #tpu.memory_space<vmem>>, vector<64x1024xf32>,
      %broadcast_in_dim3A_76 = arith.constant 0.000000e+00 : f32
      %broadcast_in_dim3A_77 = vector.broadcast %broadcast_in_dim3A_76 : f32 to vector<64x1xf32>
      %swap3A_78 = arith.constant 0 : index
      %swap3A_79 = arith.constant 0 : index
      %swap3A_80 = vector.load %arg16[%swap3A_78, %swap3A_79] : memref<64x1xf32, #tpu.memory_space<vmem>>, vector<64x1xf32>
      tpu.vector_store %arg16[%swap3A_78, %swap3A_79], %broadcast_in_dim3A_77 {strides = array<i32>} : memref<64x1xf32, #tpu.memory_space<vmem>>, vector<64x1xf32>,
    } else {
    }
    %get3A_50 = arith.constant 0 : index
    %get3A_51 = arith.constant 0 : index
    %get3A_52 = vector.load %arg15[%get3A_50, %get3A_51] : memref<64x1024xf32, #tpu.memory_space<vmem>>, vector<64x1024xf32>
    %dot_general3A = arith.constant dense<0.000000e+00> : vector<64x1024xf32>
    %dot_general3A_53 = tpu.matmul %convert_element_type3A_45, %concatenate3A, %dot_general3A {dimension_numbers = #tpu.dot_dimension_numbers<[1], [0], [0], [1], [0, 0, 1, 1], [], []>, precision = #tpu.contract_precision<fp32>, transpose_lhs_hint = false} : vector<64x400xf32>, vector<400x1024xf32>, vector<64x1024xf32> -> vector<64x1024xf32>
    %add3A = arith.addf %get3A_52, %dot_general3A_53 : vector<64x1024xf32>
    %swap3A = arith.constant 0 : index
    %swap3A_54 = arith.constant 0 : index
    %swap3A_55 = vector.load %arg15[%swap3A, %swap3A_54] : memref<64x1024xf32, #tpu.memory_space<vmem>>, vector<64x1024xf32>
    tpu.vector_store %arg15[%swap3A, %swap3A_54], %add3A {strides = array<i32>} : memref<64x1024xf32, #tpu.memory_space<vmem>>, vector<64x1024xf32>,
    %get3A_56 = arith.constant 0 : index
    %get3A_57 = arith.constant 0 : index
    %get3A_58 = vector.load %arg16[%get3A_56, %get3A_57] : memref<64x1xf32, #tpu.memory_space<vmem>>, vector<64x1xf32>
    %broadcast_in_dim3A = arith.constant 1.000000e+00 : f32
    %broadcast_in_dim3A_59 = vector.broadcast %broadcast_in_dim3A : f32 to vector<400x1xf32>
    %dot_general3A_60 = arith.constant dense<0.000000e+00> : vector<64x1xf32>
    %dot_general3A_61 = tpu.matmul %convert_element_type3A_45, %broadcast_in_dim3A_59, %dot_general3A_60 {dimension_numbers = #tpu.dot_dimension_numbers<[1], [0], [0], [1], [0, 0, 1, 1], [], []>, precision = #tpu.contract_precision<fp32>, transpose_lhs_hint = false} : vector<64x400xf32>, vector<400x1xf32>, vector<64x1xf32> -> vector<64x1xf32>
    %add3A_62 = arith.addf %get3A_58, %dot_general3A_61 : vector<64x1xf32>
    %swap3A_63 = arith.constant 0 : index
    %swap3A_64 = arith.constant 0 : index
    %swap3A_65 = vector.load %arg16[%swap3A_63, %swap3A_64] : memref<64x1xf32, #tpu.memory_space<vmem>>, vector<64x1xf32>
    tpu.vector_store %arg16[%swap3A_63, %swap3A_64], %add3A_62 {strides = array<i32>} : memref<64x1xf32, #tpu.memory_space<vmem>>, vector<64x1xf32>,
    %eq3A_66 = arith.constant 24 : i32
    %eq3A_67 = arith.cmpi eq, %arg0, %eq3A_66 : i32
    %convert_element_type3A_68 = arith.extui %eq3A_67 : i1 to i32
    %cond3A_69 = arith.constant 0 : i32
    %cond3A_70 = arith.cmpi ne, %convert_element_type3A_68, %cond3A_69 : i32
    scf.if %cond3A_70 {
      %get3A_71 = arith.constant 0 : index
      %get3A_72 = arith.constant 0 : index
      %get3A_73 = vector.load %arg15[%get3A_71, %get3A_72] : memref<64x1024xf32, #tpu.memory_space<vmem>>, vector<64x1024xf32>
      %get3A_74 = arith.constant 0 : index
      %get3A_75 = arith.constant 0 : index
      %get3A_76 = vector.load %arg16[%get3A_74, %get3A_75] : memref<64x1xf32, #tpu.memory_space<vmem>>, vector<64x1xf32>
      %max3A = arith.constant 1.000000e+00 : f32
      %max3A_77 = vector.broadcast %max3A : f32 to vector<64x1xf32>
      %max3A_78 = arith.maximumf %get3A_76, %max3A_77 : vector<64x1xf32>
      %div3A = vector.broadcast %max3A_78 : vector<64x1xf32> to vector<64x1024xf32>
      %div3A_79 = arith.divf %get3A_73, %div3A : vector<64x1024xf32>
      %get3A_80 = arith.constant 0 : index
      %get3A_81 = arith.constant 0 : index
      %get3A_82 = vector.load %arg10[%get3A_80, %get3A_81] : memref<1024x256xf32, #tpu.memory_space<vmem>>, vector<1024x256xf32>
      %dot_general3A_83 = arith.constant dense<0.000000e+00> : vector<64x256xf32>
      %dot_general3A_84 = tpu.matmul %div3A_79, %get3A_82, %dot_general3A_83 {dimension_numbers = #tpu.dot_dimension_numbers<[1], [0], [0], [1], [0, 0, 1, 1], [], []>, precision = #tpu.contract_precision<fp32>, transpose_lhs_hint = false} : vector<64x1024xf32>, vector<1024x256xf32>, vector<64x256xf32> -> vector<64x256xf32>
      %get3A_85 = arith.constant 0 : index
      %get3A_86 = arith.constant 0 : index
      %get3A_87 = vector.load %arg11[%get3A_85, %get3A_86] : memref<1x256xf32, #tpu.memory_space<vmem>>, vector<1x256xf32>
      %add3A_88 = vector.broadcast %get3A_87 : vector<1x256xf32> to vector<64x256xf32>
      %add3A_89 = arith.addf %dot_general3A_84, %add3A_88 : vector<64x256xf32>
      %max3A_90 = arith.constant 0.000000e+00 : f32
      %max3A_91 = vector.broadcast %max3A_90 : f32 to vector<64x256xf32>
      %max3A_92 = arith.maximumf %add3A_89, %max3A_91 : vector<64x256xf32>
      %get3A_93 = arith.constant 0 : index
      %get3A_94 = arith.constant 0 : index
      %get3A_95 = vector.load %arg12[%get3A_93, %get3A_94] : memref<256x32xf32, #tpu.memory_space<vmem>>, vector<256x32xf32>
      %dot_general3A_96 = arith.constant dense<0.000000e+00> : vector<64x32xf32>
      %dot_general3A_97 = tpu.matmul %max3A_92, %get3A_95, %dot_general3A_96 {dimension_numbers = #tpu.dot_dimension_numbers<[1], [0], [0], [1], [0, 0, 1, 1], [], []>, precision = #tpu.contract_precision<fp32>, transpose_lhs_hint = false} : vector<64x256xf32>, vector<256x32xf32>, vector<64x32xf32> -> vector<64x32xf32>
      %get3A_98 = arith.constant 0 : index
      %get3A_99 = arith.constant 0 : index
      %get3A_100 = vector.load %arg13[%get3A_98, %get3A_99] : memref<1x32xf32, #tpu.memory_space<vmem>>, vector<1x32xf32>
      %add3A_101 = vector.broadcast %get3A_100 : vector<1x32xf32> to vector<64x32xf32>
      %add3A_102 = arith.addf %dot_general3A_97, %add3A_101 : vector<64x32xf32>
      %reduce_max3A = arith.constant dense<0xFF800000> : vector<64xf32>
      %reduce_max3A_103 = vector.multi_reduction <maximumf>, %add3A_102, %reduce_max3A [1] : vector<64x32xf32> to vector<64xf32>
      %broadcast_in_dim3A_104 = vector.shape_cast %reduce_max3A_103 : vector<64xf32> to vector<64x1xf32>
      %sub3A = vector.broadcast %broadcast_in_dim3A_104 : vector<64x1xf32> to vector<64x32xf32>
      %sub3A_105 = arith.subf %add3A_102, %sub3A : vector<64x32xf32>
      %sub3A_106 = vector.broadcast %broadcast_in_dim3A_104 : vector<64x1xf32> to vector<64x32xf32>
      %sub3A_107 = arith.subf %add3A_102, %sub3A_106 : vector<64x32xf32>
      %exp3A = math.exp %sub3A_107 : vector<64x32xf32>
      %reduce_sum3A = arith.constant dense<0.000000e+00> : vector<64xf32>
      %reduce_sum3A_108 = vector.multi_reduction <add>, %exp3A, %reduce_sum3A [1] : vector<64x32xf32> to vector<64xf32>
      %broadcast_in_dim3A_109 = vector.shape_cast %reduce_sum3A_108 : vector<64xf32> to vector<64x1xf32>
      %log3A = math.log %broadcast_in_dim3A_109 : vector<64x1xf32>
      %sub3A_110 = vector.broadcast %log3A : vector<64x1xf32> to vector<64x32xf32>
      %sub3A_111 = arith.subf %sub3A_105, %sub3A_110 : vector<64x32xf32>
      %swap3A_112 = arith.constant 0 : index
      %swap3A_113 = arith.constant 0 : index
      %swap3A_114 = vector.load %arg14[%swap3A_112, %swap3A_113] : memref<64x32xf32, #tpu.memory_space<vmem>>, vector<64x32xf32>
      tpu.vector_store %arg14[%swap3A_112, %swap3A_113], %sub3A_111 {strides = array<i32>} : memref<64x32xf32, #tpu.memory_space<vmem>>, vector<64x32xf32>,
    } else {
    }
    return
  }
  func.func @transform_0(%arg0: i32) -> (i32, i32, i32) {
    %c0_i32 = arith.constant 0 : i32
    %c0_i32_0 = arith.constant 0 : i32
    %c0_i32_1 = arith.constant 0 : i32
    return %c0_i32, %arg0, %c0_i32_0 : i32, i32, i32
  }
  func.func @transform_1(%arg0: i32) -> (i32, i32, i32) {
    %c1_i32 = arith.constant 1 : i32
    %c0_i32 = arith.constant 0 : i32
    %c0_i32_0 = arith.constant 0 : i32
    return %c1_i32, %arg0, %c0_i32 : i32, i32, i32
  }
  func.func @transform_2(%arg0: i32) -> (i32, i32, i32) {
    %c0_i32 = arith.constant 0 : i32
    %c0_i32_0 = arith.constant 0 : i32
    %c0_i32_1 = arith.constant 0 : i32
    return %c0_i32, %arg0, %c0_i32_0 : i32, i32, i32
  }
  func.func @transform_3(%arg0: i32) -> (i32, i32, i32) {
    %c1_i32 = arith.constant 1 : i32
    %c0_i32 = arith.constant 0 : i32
    %c0_i32_0 = arith.constant 0 : i32
    return %c1_i32, %arg0, %c0_i32 : i32, i32, i32
  }
  func.func @transform_4(%arg0: i32) -> (i32, i32, i32) {
    %c0_i32 = arith.constant 0 : i32
    %c0_i32_0 = arith.constant 0 : i32
    %c0_i32_1 = arith.constant 0 : i32
    return %c0_i32, %arg0, %c0_i32_0 : i32, i32, i32
  }
  func.func @transform_5(%arg0: i32) -> (i32, i32, i32) {
    %c1_i32 = arith.constant 1 : i32
    %c0_i32 = arith.constant 0 : i32
    %c0_i32_0 = arith.constant 0 : i32
    return %c1_i32, %arg0, %c0_i32 : i32, i32, i32
  }
  func.func @transform_6(%arg0: i32) -> (i32, i32, i32) {
    %c0_i32 = arith.constant 0 : i32
    %c0_i32_0 = arith.constant 0 : i32
    %c0_i32_1 = arith.constant 0 : i32
    return %c0_i32, %arg0, %c0_i32_0 : i32, i32, i32
  }
  func.func @transform_7(%arg0: i32) -> (i32, i32, i32) {
    %c1_i32 = arith.constant 1 : i32
    %c0_i32 = arith.constant 0 : i32
    %c0_i32_0 = arith.constant 0 : i32
    return %c1_i32, %arg0, %c0_i32 : i32, i32, i32
  }
  func.func @transform_8(%arg0: i32) -> (i32, i32, i32) {
    %c0_i32 = arith.constant 0 : i32
    %c0_i32_0 = arith.constant 0 : i32
    %c0_i32_1 = arith.constant 0 : i32
    return %arg0, %c0_i32, %c0_i32_0 : i32, i32, i32
  }
  func.func @transform_9(%arg0: i32) -> (i32, i32) {
    %c0_i32 = arith.constant 0 : i32
    %c0_i32_0 = arith.constant 0 : i32
    %c0_i32_1 = arith.constant 0 : i32
    return %c0_i32, %c0_i32_0 : i32, i32
  }
  func.func @transform_10(%arg0: i32) -> (i32, i32) {
    %c0_i32 = arith.constant 0 : i32
    %c0_i32_0 = arith.constant 0 : i32
    %c0_i32_1 = arith.constant 0 : i32
    return %c0_i32, %c0_i32_0 : i32, i32
  }
  func.func @transform_11(%arg0: i32) -> (i32, i32) {
    %c0_i32 = arith.constant 0 : i32
    %c0_i32_0 = arith.constant 0 : i32
    %c0_i32_1 = arith.constant 0 : i32
    return %c0_i32, %c0_i32_0 : i32, i32
  }
  func.func @transform_12(%arg0: i32) -> (i32, i32) {
    %c0_i32 = arith.constant 0 : i32
    %c0_i32_0 = arith.constant 0 : i32
    %c0_i32_1 = arith.constant 0 : i32
    return %c0_i32, %c0_i32_0 : i32, i32
  }
  func.func @transform_13(%arg0: i32) -> (i32, i32) {
    %c0_i32 = arith.constant 0 : i32
    %c0_i32_0 = arith.constant 0 : i32
    %c0_i32_1 = arith.constant 0 : i32
    return %c0_i32, %c0_i32_0 : i32, i32
  }
}

</mosaic_0001>

<sc_bundles>
// kernel: kernel.11.cloned.1.call-start
scs
__scs_entry_jumppad:
0x0: {  	(pc) =	sbr.rel $0x88, $3  }
0x1: {  	(tag) =	ssettag $0x0;
	lr =	simm.s32 $0x1  }
0x2: {  	[smem:$0x3F7E] =	sst lr;
	_ =	strace $0xD0000000  }
0x3: {  	_ = 	snop  }
0x4: {  	_ = 	snop  }
0x5: {  	_ = 	snop  }
0x6: {  	_ = 	snop  }
0x7: {  	_ = 	snop  }
__scs_overlays_trampoline_lowered:
0x8: {  	[smem:$0x3F8D] =	sst s0  }
0x9: {  	[smem:$0x3F8E] =	sst s1  }
0xa: {  	[smem:$0x3F8F] =	sst s2  }
0xb: {  	[smem:$0x3F90] =	sst s3  }
0xc: {  	[smem:$0x3F91] =	sst s4  }
0xd: {  	[smem:$0x3F92] =	sst s5  }
0xe: {  	[smem:$0x3F93] =	sst s6  }
0xf: {  	[smem:$0x3F94] =	sst s7  }
0x10: {  	[smem:$0x3F95] =	sst s8  }
0x11: {  	[smem:$0x3F96] =	sst s9;
	s0 =	simm.s32 @!p0 $0x0  }
0x12: {  	s1 =	sld [smem:$0x3F7C];
	s0 =	simm.s32 @p0 $0x1  }
0x13: {  	[smem:$0x3F97] =	sst s0;
	s0 =	simm.s32 @!p1 $0x0  }
0x14: {  	s2 =	sld [smem:$0x3F7B];
	s0 =	simm.s32 @p1 $0x1  }
0x15: {  	[smem:$0x3F98] =	sst s0;
	s0 =	simm.s32 @!p2 $0x0  }
0x16: {  	s3 =	sld [smem:$0x3FDB];
	s0 =	simm.s32 @p2 $0x1  }
0x17: {  	s4 =	simm.s32 $0x1BF5;
	[smem:$0x3F9A] =	sst s0  }
0x18: {  	s0 =	sld [smem:$0x3F7D];
	_ =	swait.ge [sflag:s4], $0x0  }
0x19: {  	s7 =	sld [smem:$0x3F7E]  }
0x1a: {  	s8 =	sadd.s32 $0xFFFFE003, lr  }
0x1b: {  	s9 =	sadd.s32 $0xFFFFFEF7, lr;
	s5 =	simm.s32 $0xFFFFFFFF;
	p2 =	slt.u32 s8, $0xFFFFF086  }
0x1c: {  	p1 =	slt.u32 s9, $0xF7A;
	s5 =	simm.s32 @!p2 $0x0  }
0x1d: {  	s5 =	simm.s32 @p1 $0x1;
	p0 =	seq.s32 s7, s2  }
0x1e: {  	s7 =	smul.u32 @!p0 $0xF7A, s2;
	p2 =	seq.s32 @!p0 s5, $0x0  }
0x1f: {  	s9 =	smul.u32 $0xF7A, s1;
	s8 =	simm.s32 @!p0 $0x1BF5;
	p2 =	por !p2, p0  }
0x20: {  	[sflag:s8] =	ssyncset.s32 @!p0 $0xFFFFF086;
	s6 =	sadd.s32 @!p0 s3, s7;
	s7 =	simm.s32 @!p0 $0x108  }
0x21: {  	s3 =	sadd.s32 s3, s9;
	s6 =	sadd.s32 @!p0 $0x88, s6;
	s7 =	simm.s32 @p2 $0x1082  }
0x22: {  	[simem:s7], [sflag:s8] =	dma.local @!p0 [hbm:s6], $0xF7A  }
0x23: {  	s9 =	sor.u32 $0xD0000000, s2;
	s6 =	simm.s32 $0x108;
	_ =	swait.ge @!p0 [sflag:s8], $0x0  }
0x24: {  	s3 =	sadd.s32 $0x88, s3;
	s6 =	simm.s32 @!p1 $0x1082;
	[sflag:s4] =	ssyncset.s32 $0xFFFFF086  }
0x25: {  	[simem:s6], [sflag:s4] =	dma.local [hbm:s3], $0xF7A  }
0x26: {  	[smem:$0x3F7E] =	sst s1;
	(tag) =	ssettag s2;
	_ =	strace s9  }
0x27: {  	s1 =	sld [smem:$0x3F8E]  }
0x28: {  	s2 =	sld [smem:$0x3F8F]  }
0x29: {  	s4 =	sld [smem:$0x3F91]  }
0x2a: {  	p0 =	seq.s32 s5, $0x0;
	s5 =	sld [smem:$0x3F92]  }
0x2b: {  	s6 =	sld [smem:$0x3F93]  }
0x2c: {  	s7 =	sld [smem:$0x3F94]  }
0x2d: {  	s3 =	simm.s32 $0x108;
	s8 =	sld [smem:$0x3F95]  }
0x2e: {  	s3 =	simm.s32 @!p0 $0x1082;
	s9 =	sld [smem:$0x3F96]  }
0x2f: {  	lr =	sadd.s32 s0, s3;
	s0 =	sld [smem:$0x3F8D]  }
0x30: {  	s3 =	sld [smem:$0x3F90]  }
0x31: {  	[smem:$0x3F99] =	sst s10  }
0x32: {  	s10 =	sld [smem:$0x3F97];
	_ =	sdelay $0x3  }
0x33: {  	p0 =	seq.s32 s10, $0x1;
	s10 =	sld [smem:$0x3F99];
	_ =	sdelay $0x3  }
0x34: {  	[smem:$0x3F99] =	sst s10  }
0x35: {  	s10 =	sld [smem:$0x3F98];
	_ =	sdelay $0x3  }
0x36: {  	p1 =	seq.s32 s10, $0x1;
	s10 =	sld [smem:$0x3F99];
	_ =	sdelay $0x3  }
0x37: {  	[smem:$0x3F99] =	sst s10  }
0x38: {  	s10 =	sld [smem:$0x3F9A]  }
0x39: {  	_ = 	snop;
	(pc) =	sbr.ind lr, $3  }
0x3a: {  	_ = 	snop  }
0x3b: {  	_ = 	snop  }
0x3c: {  	p2 =	seq.s32 s10, $0x1;
	s10 =	sld [smem:$0x3F99]  }
0x3d: {  	_ =	shalt  }
0x3e: {  	_ =	shalt  }
0x3f: {  	_ =	shalt  }
0x40: {  	_ =	shalt  }
0x41: {  	_ =	shalt  }
0x42: {  	_ =	shalt  }
0x43: {  	_ =	shalt  }
0x44: {  	_ =	shalt  }
0x45: {  	_ =	shalt  }
0x46: {  	_ =	shalt  }
0x47: {  	_ =	shalt  }
0x48: {  	_ =	shalt  }
0x49: {  	_ =	shalt  }
0x4a: {  	_ =	shalt  }
0x4b: {  	_ =	shalt  }
0x4c: {  	_ =	shalt  }
0x4d: {  	_ =	shalt  }
0x4e: {  	_ =	shalt  }
0x4f: {  	_ =	shalt  }
0x50: {  	_ =	shalt  }
0x51: {  	_ =	shalt  }
0x52: {  	_ =	shalt  }
0x53: {  	_ =	shalt  }
0x54: {  	_ =	shalt  }
0x55: {  	_ =	shalt  }
0x56: {  	_ =	shalt  }
0x57: {  	_ =	shalt  }
0x58: {  	_ =	shalt  }
0x59: {  	_ =	shalt  }
0x5a: {  	_ =	shalt  }
0x5b: {  	_ =	shalt  }
0x5c: {  	_ =	shalt  }
0x5d: {  	_ =	shalt  }
0x5e: {  	_ =	shalt  }
0x5f: {  	_ =	shalt  }
0x60: {  	_ =	shalt  }
0x61: {  	_ =	shalt  }
0x62: {  	_ =	shalt  }
0x63: {  	_ =	shalt  }
0x64: {  	_ =	shalt  }
0x65: {  	_ =	shalt  }
0x66: {  	_ =	shalt  }
0x67: {  	_ =	shalt  }
0x68: {  	_ =	shalt  }
0x69: {  	_ =	shalt  }
0x6a: {  	_ =	shalt  }
0x6b: {  	_ =	shalt  }
0x6c: {  	_ =	shalt  }
0x6d: {  	_ =	shalt  }
0x6e: {  	_ =	shalt  }
0x6f: {  	_ =	shalt  }
0x70: {  	_ =	shalt  }
0x71: {  	_ =	shalt  }
0x72: {  	_ =	shalt  }
0x73: {  	_ =	shalt  }
0x74: {  	_ =	shalt  }
0x75: {  	_ =	shalt  }
0x76: {  	_ =	shalt  }
0x77: {  	_ =	shalt  }
0x78: {  	_ =	shalt  }
0x79: {  	_ =	shalt  }
0x7a: {  	_ =	shalt  }
0x7b: {  	_ =	shalt  }
0x7c: {  	_ =	shalt  }
0x7d: {  	_ =	shalt  }
0x7e: {  	_ =	shalt  }
0x7f: {  	_ =	shalt  }
0x80: {  	_ =	shalt  }
0x81: {  	_ =	shalt  }
0x82: {  	_ =	shalt  }
0x83: {  	_ =	shalt  }
0x84: {  	_ =	shalt  }
0x85: {  	_ =	shalt  }
0x86: {  	_ =	shalt  }
0x87: {  	_ =	shalt  }
.Lfunc_end0:
.L_simem_size_0:
called_computation_lowered:
.L_overlay_start_0:
0x88: {  	s2 =	sld [smem:$0x3FD9]  }
0x89: {  	s3 =	sld [smem:$0x3FFE];
	_ =	sdelay $0x1  }
0x8a: {  	s1 =	srdreg.scid  }
0x8b: {  	s0 =	sand.u32 $0x1, s1  }
0x8c: {  	s17 =	sshll.u32 s0, $0xA;
	s2 =	sadd.s32 s3, s2  }
0x8d: {  	s2 =	sadd.s32 s2, s17  }
0x8e: {  	[smem:$0x3FA5] =	sst s2  }
0x8f: {  	_ = 	snop  }
0x90: {  	s2 =	sld [smem:$0x3FC9];
	(tm) =	ssettm $0x1  }
0x91: {  	s18 =	sld [smem:$0x3FFB];
	_ =	sdelay $0x3  }
0x92: {  	_ =	strace s18  }
0x93: {  	s3 =	sld [smem:$0x3FFC];
	_ =	sdelay $0x3  }
0x94: {  	_ =	strace s3  }
0x95: {  	s3 =	sld [smem:$0x3FFD];
	_ =	sdelay $0x3  }
0x96: {  	_ =	strace s3  }
0x97: {  	_ =	strace $0x8FFFFFFF  }
0x98: {  	s19 =	sld [smem:$0x3FDB];
	_ =	sdelay $0x1  }
0x99: {  	s4 =	simm.s32 $_scs_section_size  }
0x9a: {  	s5 =	simm.s32 $_size__tile_overlayer_lowered;
	s6 =	simm.s32 $_tile_overlayer_lowered  }
0x9b: {  	s22 =	simm.s32 $0x1BFF;
	s21 =	sshll.u32 s6, $0x1;
	s3 =	sadd.s32 s4, s19  }
0x9c: {  	s7 =	simm.s32 $0x0;
	s20 =	sshll.u32 s5, $0x1;
	s5 =	sadd.s32 s21, s3  }
0x9d: {  	[timem:s7], [sflag:s22] =	dma.local [hbm:s5], s20  }
0x9e: {  	_ =	swait.ge [sflag:s22], s20  }
0x9f: {  	s4 =	ssub.s32 $0x0, s20;
	[sflag:s22] =	ssyncset.done $0x0  }
0xa0: {  	[sflag:s22] =	ssyncadd.s32 s4;
	_ =	sdelay $0x1  }
0xa1: {  	s23 =	simm.s32 $0x1B8B  }
0xa2: {  	_ =	swait.ge [sflag:s23], $0x1  }
0xa3: {  	[sflag:s23] =	ssyncset.done $0x0  }
0xa4: {  	s25 =	simm.s32 $0x1B8E;
	s24 =	sld [smem:$0x3FFE];
	[sflag:s23] =	ssyncadd.s32 $0xFFFFFFFF  }
0xa5: {  	s26 =	simm.s32 $execute0_lowered;
	[smem:$0x3FD2] =	sst s25  }
0xa6: {  	s5 =	sshll.u32 s26, $0x1;
	_ =	strace $0x80000046;
	[dreg:$0x1] =	wrdreg $0xFFFFFFFF  }
0xa7: {  	s28 =	simm.s32 $_size_execute0_lowered;
	s3 =	sadd.s32 s3, s5;
	[dreg:$0x0] =	wrdreg $0x0  }
0xa8: {  	s5 =	sshll.u32 s28, $0x1;
	[dreg:$0x2] =	wrdreg s3  }
0xa9: {  	[dreg:$0x3] =	wrdreg s5  }
0xaa: {  	[dreg:$0x4] =	wrdreg $0xC0  }
0xab: {  	_ =	task [dreg:s7], $0x5FFFF  }
0xac: {  	[dreg:$0x1] =	wrdreg $0xFFFFFFFF  }
0xad: {  	[dreg:$0x0] =	wrdreg $0x60  }
0xae: {  	[dreg:$0x2] =	wrdreg s2  }
0xaf: {  	[dreg:$0x3] =	wrdreg s24  }
0xb0: {  	[dreg:$0x4] =	wrdreg $0xA0000  }
0xb1: {  	[dreg:$0x5] =	wrdreg $0x9  }
0xb2: {  	_ =	task.clear_ibuf [dreg:s7], $0x6FFFF;
	_ =	strace $0x90000046  }
0xb3: {  	s29 =	simm.s32 $0x9;
	_ =	strace $0x80000048  }
0xb4: {  	_ =	swait.ge [sflag:s29], $0x1  }
0xb5: {  	[sflag:s29] =	ssyncadd.s32 $0xFFFFFFFF  }
0xb6: {  	_ =	strace $0x90000048  }
0xb7: {  	_ =	sfence  }
0xb8: {  	s30 =	sld [smem:$0x0];
	_ =	sdelay $0x2  }
0xb9: {  	s31 =	sshll.u32 s1, $0xD;
	s1 =	sshrl.u32 s1, $0x2  }
0xba: {  	s3 =	sand.u32 $0x4000, s31;
	s1 =	sadd.s32 s1, s30  }
0xbb: {  	s0 =	sor.u32 s3, s0;
	s1 =	sshll.u32 s1, $0x11  }
0xbc: {  	s0 =	sor.u32 s1, s0  }
0xbd: {  	s0 =	sadd.s32 $0x8F2B, s0  }
0xbe: {  	[sflag:s0] =	ssyncadd.remote.s32 $0x1  }
0xbf: {  	_ =	sfence.sel $0xFFFF  }
0xc0: {  	[dreg:$0x0] =	wrdreg $0xFFFFFFFF;
	(pc) =	sbr.abs _section_cstart, $3  }
0xc1: {  	[dreg:$0x1] =	wrdreg $0xFFFFFFFF  }
0xc2: {  	_ =	task.clear_ibuf [dreg:s7], $0x2FFFF;
	_ =	strace $0x9FFFFFFF  }
0xc3: {  	(tm) =	ssettm $0x7FFFFFFF  }
tec
execute0_lowered:
.L_overlay_start_1:
0x0: {  	(tag) =	ssettag $0x1  }
0x1: {  	s1 =	rddreg [dreg:$0x0]  }
0x2: {  	s5 =	rddreg [dreg:$0x1]  }
0x3: {  	s3 =	rddreg [dreg:$0x2]  }
0x4: {  	s0 =	rddreg [dreg:$0x3];
	s4 =	simm.s32 $0x0  }
0x5: {  	s2 =	stileid.u32;
	s6 =	srdreg.scid;
	s15 =	simm.s32 $0x3800  }
0x6: {  	s16 =	simm.s32 $0x80;
	s17 =	simm.s32 $0x6C00;
	s20 =	simm.s32 $0x1  }
0x7: {  	s21 =	simm.s32 $0x2;
	s22 =	simm.s32 $0x3;
	s23 =	simm.s32 $0x4  }
0x8: {  	s24 =	simm.s32 $0x3400;
	[smem:$0x7FF] =	sst s4;
	s7 =	smul.u32 $0x14000, s2  }
0x9: {  	s6 =	sand.u32 $0x1, s6;
	s8 =	sadd.s32 $0x7800, s5;
	s11 =	sadd.s32 $0x15800, s5  }
0xa: {  	s26 =	smul.u32 $0x50000, s2;
	s18 =	sshll.u32 s2, $0x6;
	_ =	strace $0x80000047  }
0xb: {  	s9 =	smul.u32 $0x140000, s6;
	s10 =	sshll.u32 s6, $0x4;
	s6 =	ssub.s32 $0x2, s6  }
0xc: {  	s18 =	sor.u32 $0x1C05, s18;
	s12 =	sshrl.u32 s7, $0x3;
	s10 =	sor.u32 s2, s10  }
0xd: {  	s28 =	sshrl.u32 s6, $0x1;
	s30 =	sshrl.u32 s26, $0x2;
	s26 =	simm.s32 $0x0  }
0xe: {  	s12 =	sadd.s32 s12, s5;
	s7 =	sadd.s32 s7, s9;
	s25 =	smul.u32 $0x3800, s10  }
0xf: {  	s14 =	ssub.s32 s6, s28;
	s19 =	sadd.s32 s30, s3;
	s7 =	sshrl.u32 s7, $0x3  }
0x10: {  	s19 =	sshrl.u32 s19, $0x3;
	s13 =	sadd.s32 s7, s5;
	s29 =	sshrl.u32 s25, $0x3  }
0x11: {  	s7 =	sadd.s32 $0x23800, s12;
	s12 =	simm.s32 $0x5;
	s25 =	simm.s32 $0x3480  }
0x12: {  	s5 =	sadd.s32 s8, s29;
	s6 =	sadd.s32 s11, s29;
	s31 =	sadd.s32 $0x380, s29  }
0x13: {  	s10 =	sadd.s32 $0x4B800, s13;
	s13 =	simm.s32 $0x1C00;
	s8 =	sadd.s32 s8, s31  }
0x14: {  	s9 =	sadd.s32 s11, s31;
	s11 =	smax.u32 s14, $0x1;
	s14 =	simm.s32 $0x64  }
.LBB2_1:
0x15: {  	[tilespmem:s4], [sflag:$0x5] =	stream.linear.gather [hbm4b:s5+s4], $0x1900, $0x38;
	[tilespmem:$0x1E000] =	vst v63  }
0x16: {  	_ =	swait.ge [sflag:s12], $0x1900  }
0x17: {  	[sflag:s12] =	ssyncset.done $0x0  }
0x18: {  	[sflag:s12] =	ssyncadd.s32 $0xFFFFE700  }
0x19: {  	[tilespmem:s13], [sflag:$0x5] =	stream.linear.gather [hbm4b:s6+s4], $0x1900, $0x38;
	[tilespmem:$0x1E000] =	vst v63  }
0x1a: {  	_ =	swait.ge [sflag:s12], $0x1900  }
0x1b: {  	[sflag:s12] =	ssyncset.done $0x0  }
0x1c: {  	[sflag:s12] =	ssyncadd.s32 $0xFFFFE700  }
0x1d: {  	[tilespmem:s15], [sflag:$0x1] =	stream.indirect.gather [hbm4b:s1+s14], $0x80, s4, s14, $0xb8;
	[tilespmem:$0x1E000] =	vst v63  }
0x1e: {  	_ = 	snop  }
0x1f: {  	[tilespmem:s17], [sflag:$0x2] =	stream.indirect.gather [hbm4b:s1+s14], $0x80, s16, s14, $0xb8;
	[tilespmem:$0x1E000] =	vst v63  }
0x20: {  	[spmem:s19], [sflag:s18] =	dma.local [hbm:s7], $0x2800  }
0x21: {  	_ =	swait.ge [sflag:s12], $0x2800  }
0x22: {  	[sflag:s12] =	ssyncset.done $0x0  }
0x23: {  	[sflag:s12] =	ssyncadd.s32 $0xFFFFD800  }
0x24: {  	[bflag:$0x0] =	sbarrier.arrive $0xFFFF  }
0x25: {  	_ =	swait.ge [sflag:s20], $0x3200  }
0x26: {  	[sflag:s20] =	ssyncset.done $0x0  }
0x27: {  	s28 =	simm.s32 $0x1C00;
	[sflag:s20] =	ssyncadd.s32 $0xFFFFCE00  }
0x28: {  	[spmem:s3] =	stream.indirect.scatter.add.f32 [tilespmem:s15], [sflag:$0x3], $0x80, s28, s14, $0xb8;
	[tilespmem:$0x1E000] =	vst v63  }
0x29: {  	_ =	swait.ge [sflag:s21], $0x3200  }
0x2a: {  	[sflag:s21] =	ssyncset.done $0x0  }
0x2b: {  	s28 =	simm.s32 $0x1C80;
	[sflag:s21] =	ssyncadd.s32 $0xFFFFCE00  }
0x2c: {  	[spmem:s3] =	stream.indirect.scatter.add.f32 [tilespmem:s17], [sflag:$0x4], $0x80, s28, s14, $0xb8;
	[tilespmem:$0x1E000] =	vst v63  }
0x2d: {  	_ =	swait.ge [sflag:s22], $0x3200  }
0x2e: {  	[sflag:s22] =	ssyncset.done $0x0  }
0x2f: {  	s28 =	simm.s32 $0x100;
	[sflag:s22] =	ssyncadd.s32 $0xFFFFCE00  }
0x30: {  	[tilespmem:s15], [sflag:$0x1] =	stream.indirect.gather [hbm4b:s1+s14], $0x80, s28, s14, $0xb8;
	[tilespmem:$0x1E000] =	vst v63  }
0x31: {  	_ =	swait.ge [sflag:s23], $0x3200  }
0x32: {  	[sflag:s23] =	ssyncset.done $0x0  }
0x33: {  	s29 =	simm.s32 $0x180;
	s28 =	simm.s32 $0x400;
	[sflag:s23] =	ssyncadd.s32 $0xFFFFCE00  }
.LBB2_2:
0x34: {  	[tilespmem:s17], [sflag:$0x2] =	stream.indirect.gather [hbm4b:s1+s14], $0x80, s29, s14, $0xb8;
	[tilespmem:$0x1E000] =	vst v63  }
0x35: {  	s29 =	smov.u32 s28  }
0x36: {  	p0 =	sne.s32 s28, $0x5C00;
	s28 =	sadd.s32 $0x400, s28;
	_ =	swait.ge [sflag:s20], $0x3200  }
0x37: {  	s29 =	sshra.s32 s29, $0x2;
	[sflag:s20] =	ssyncset.done $0x0  }
0x38: {  	s30 =	sadd.s32 $0x1C00, s29;
	[sflag:s20] =	ssyncadd.s32 $0xFFFFCE00  }
0x39: {  	[spmem:s3] =	stream.indirect.scatter.add.f32 [tilespmem:s15], [sflag:$0x3], $0x80, s30, s14, $0xb8;
	[tilespmem:$0x1E000] =	vst v63  }
0x3a: {  	_ =	swait.ge [sflag:s21], $0x3200  }
0x3b: {  	[sflag:s21] =	ssyncset.done $0x0  }
0x3c: {  	s30 =	sadd.s32 $0x1C80, s29;
	[sflag:s21] =	ssyncadd.s32 $0xFFFFCE00  }
0x3d: {  	[spmem:s3] =	stream.indirect.scatter.add.f32 [tilespmem:s17], [sflag:$0x4], $0x80, s30, s14, $0xb8;
	[tilespmem:$0x1E000] =	vst v63  }
0x3e: {  	_ =	swait.ge [sflag:s22], $0x3200  }
0x3f: {  	[sflag:s22] =	ssyncset.done $0x0  }
.Ltmp0:
0x40: {  	s30 =	sadd.s32 $0x100, s29;
	[sflag:s22] =	ssyncadd.s32 $0xFFFFCE00;
	(pc) =	sbr.rel @p0 .LBB2_2-.Ltmp0, $4  }
0x41: {  	[tilespmem:s15], [sflag:$0x1] =	stream.indirect.gather [hbm4b:s1+s14], $0x80, s30, s14, $0xb8;
	[tilespmem:$0x1E000] =	vst v63  }
0x42: {  	_ =	swait.ge [sflag:s23], $0x3200  }
0x43: {  	[sflag:s23] =	ssyncset.done $0x0  }
0x44: {  	s29 =	sadd.s32 $0x180, s29;
	[sflag:s23] =	ssyncadd.s32 $0xFFFFCE00  }
0x45: {  	[tilespmem:s17], [sflag:$0x2] =	stream.indirect.gather [hbm4b:s1+s14], $0x80, s29, s14, $0xb8;
	[tilespmem:$0x1E000] =	vst v63  }
0x46: {  	_ =	swait.ge [sflag:s20], $0x3200  }
0x47: {  	[sflag:s20] =	ssyncset.done $0x0  }
0x48: {  	[sflag:s20] =	ssyncadd.s32 $0xFFFFCE00  }
0x49: {  	[spmem:s3] =	stream.indirect.scatter.add.f32 [tilespmem:s15], [sflag:$0x3], $0x80, s24, s14, $0xb8;
	[tilespmem:$0x1E000] =	vst v63  }
0x4a: {  	_ =	swait.ge [sflag:s21], $0x3200  }
0x4b: {  	[sflag:s21] =	ssyncset.done $0x0  }
0x4c: {  	[sflag:s21] =	ssyncadd.s32 $0xFFFFCE00  }
0x4d: {  	[spmem:s3] =	stream.indirect.scatter.add.f32 [tilespmem:s17], [sflag:$0x4], $0x80, s25, s14, $0xb8;
	[tilespmem:$0x1E000] =	vst v63  }
0x4e: {  	_ =	swait.ge [sflag:s22], $0x3200  }
0x4f: {  	[sflag:s22] =	ssyncset.done $0x0  }
0x50: {  	[sflag:s22] =	ssyncadd.s32 $0xFFFFCE00  }
0x51: {  	_ =	swait.ge [sflag:s23], $0x3200  }
0x52: {  	[sflag:s23] =	ssyncset.done $0x0  }
0x53: {  	s28 =	simm.s32 $0x0;
	[sflag:s23] =	ssyncadd.s32 $0xFFFFCE00  }
0x54: {  	[tilespmem:s28], [sflag:$0x5] =	stream.linear.gather [hbm4b:s8+s28], $0x1900, $0x38;
	[tilespmem:$0x1E000] =	vst v63  }
0x55: {  	_ =	swait.ge [sflag:s12], $0x1900  }
0x56: {  	[sflag:s12] =	ssyncset.done $0x0  }
0x57: {  	[sflag:s12] =	ssyncadd.s32 $0xFFFFE700  }
0x58: {  	[tilespmem:s13], [sflag:$0x5] =	stream.linear.gather [hbm4b:s9+s28], $0x1900, $0x38;
	[tilespmem:$0x1E000] =	vst v63  }
0x59: {  	_ =	swait.ge [sflag:s12], $0x1900  }
0x5a: {  	[sflag:s12] =	ssyncset.done $0x0  }
0x5b: {  	[sflag:s12] =	ssyncadd.s32 $0xFFFFE700  }
0x5c: {  	[tilespmem:s15], [sflag:$0x1] =	stream.indirect.gather [hbm4b:s1+s14], $0x80, s28, s14, $0xb8;
	[tilespmem:$0x1E000] =	vst v63  }
0x5d: {  	_ = 	snop  }
0x5e: {  	[tilespmem:s17], [sflag:$0x2] =	stream.indirect.gather [hbm4b:s1+s14], $0x80, s16, s14, $0xb8;
	[tilespmem:$0x1E000] =	vst v63  }
0x5f: {  	_ =	swait.ge [sflag:s20], $0x3200  }
0x60: {  	[sflag:s20] =	ssyncset.done $0x0  }
0x61: {  	s28 =	simm.s32 $0x1C00;
	[sflag:s20] =	ssyncadd.s32 $0xFFFFCE00  }
0x62: {  	[spmem:s3] =	stream.indirect.scatter.add.f32 [tilespmem:s15], [sflag:$0x3], $0x80, s28, s14, $0xb8;
	[tilespmem:$0x1E000] =	vst v63  }
0x63: {  	_ =	swait.ge [sflag:s21], $0x3200  }
0x64: {  	[sflag:s21] =	ssyncset.done $0x0  }
0x65: {  	s28 =	simm.s32 $0x1C80;
	[sflag:s21] =	ssyncadd.s32 $0xFFFFCE00  }
0x66: {  	[spmem:s3] =	stream.indirect.scatter.add.f32 [tilespmem:s17], [sflag:$0x4], $0x80, s28, s14, $0xb8;
	[tilespmem:$0x1E000] =	vst v63  }
0x67: {  	_ =	swait.ge [sflag:s22], $0x3200  }
0x68: {  	[sflag:s22] =	ssyncset.done $0x0  }
0x69: {  	s28 =	simm.s32 $0x100;
	[sflag:s22] =	ssyncadd.s32 $0xFFFFCE00  }
0x6a: {  	[tilespmem:s15], [sflag:$0x1] =	stream.indirect.gather [hbm4b:s1+s14], $0x80, s28, s14, $0xb8;
	[tilespmem:$0x1E000] =	vst v63  }
0x6b: {  	_ =	swait.ge [sflag:s23], $0x3200  }
0x6c: {  	[sflag:s23] =	ssyncset.done $0x0  }
0x6d: {  	s29 =	simm.s32 $0x180;
	s28 =	simm.s32 $0x400;
	[sflag:s23] =	ssyncadd.s32 $0xFFFFCE00  }
.LBB2_4:
0x6e: {  	[tilespmem:s17], [sflag:$0x2] =	stream.indirect.gather [hbm4b:s1+s14], $0x80, s29, s14, $0xb8;
	[tilespmem:$0x1E000] =	vst v63  }
0x6f: {  	s29 =	smov.u32 s28  }
0x70: {  	p0 =	sne.s32 s28, $0x5C00;
	s28 =	sadd.s32 $0x400, s28;
	_ =	swait.ge [sflag:s20], $0x3200  }
0x71: {  	s29 =	sshra.s32 s29, $0x2;
	[sflag:s20] =	ssyncset.done $0x0  }
0x72: {  	s30 =	sadd.s32 $0x1C00, s29;
	[sflag:s20] =	ssyncadd.s32 $0xFFFFCE00  }
0x73: {  	[spmem:s3] =	stream.indirect.scatter.add.f32 [tilespmem:s15], [sflag:$0x3], $0x80, s30, s14, $0xb8;
	[tilespmem:$0x1E000] =	vst v63  }
0x74: {  	_ =	swait.ge [sflag:s21], $0x3200  }
0x75: {  	[sflag:s21] =	ssyncset.done $0x0  }
0x76: {  	s30 =	sadd.s32 $0x1C80, s29;
	[sflag:s21] =	ssyncadd.s32 $0xFFFFCE00  }
0x77: {  	[spmem:s3] =	stream.indirect.scatter.add.f32 [tilespmem:s17], [sflag:$0x4], $0x80, s30, s14, $0xb8;
	[tilespmem:$0x1E000] =	vst v63  }
0x78: {  	_ =	swait.ge [sflag:s22], $0x3200  }
0x79: {  	[sflag:s22] =	ssyncset.done $0x0  }
.Ltmp1:
0x7a: {  	s30 =	sadd.s32 $0x100, s29;
	[sflag:s22] =	ssyncadd.s32 $0xFFFFCE00;
	(pc) =	sbr.rel @p0 .LBB2_4-.Ltmp1, $4  }
0x7b: {  	[tilespmem:s15], [sflag:$0x1] =	stream.indirect.gather [hbm4b:s1+s14], $0x80, s30, s14, $0xb8;
	[tilespmem:$0x1E000] =	vst v63  }
0x7c: {  	_ =	swait.ge [sflag:s23], $0x3200  }
0x7d: {  	[sflag:s23] =	ssyncset.done $0x0  }
0x7e: {  	s29 =	sadd.s32 $0x180, s29;
	[sflag:s23] =	ssyncadd.s32 $0xFFFFCE00  }
0x7f: {  	[tilespmem:s17], [sflag:$0x2] =	stream.indirect.gather [hbm4b:s1+s14], $0x80, s29, s14, $0xb8;
	[tilespmem:$0x1E000] =	vst v63  }
0x80: {  	_ =	swait.ge [sflag:s20], $0x3200  }
0x81: {  	[sflag:s20] =	ssyncset.done $0x0  }
0x82: {  	[sflag:s20] =	ssyncadd.s32 $0xFFFFCE00  }
0x83: {  	[spmem:s3] =	stream.indirect.scatter.add.f32 [tilespmem:s15], [sflag:$0x3], $0x80, s24, s14, $0xb8;
	[tilespmem:$0x1E000] =	vst v63  }
0x84: {  	_ =	swait.ge [sflag:s21], $0x3200  }
0x85: {  	[sflag:s21] =	ssyncset.done $0x0  }
0x86: {  	[sflag:s21] =	ssyncadd.s32 $0xFFFFCE00  }
0x87: {  	[spmem:s3] =	stream.indirect.scatter.add.f32 [tilespmem:s17], [sflag:$0x4], $0x80, s25, s14, $0xb8;
	[tilespmem:$0x1E000] =	vst v63  }
0x88: {  	_ =	swait.ge [sflag:s22], $0x3200  }
0x89: {  	[sflag:s22] =	ssyncset.done $0x0  }
0x8a: {  	[sflag:s22] =	ssyncadd.s32 $0xFFFFCE00  }
0x8b: {  	_ =	swait.ge [sflag:s23], $0x3200  }
0x8c: {  	s26 =	sadd.s32 $0x1, s26;
	[sflag:s23] =	ssyncset.done $0x0  }
0x8d: {  	p0 =	sne.s32 s26, s11;
	[sflag:s23] =	ssyncadd.s32 $0xFFFFCE00  }
.Ltmp2:
0x8e: {  	[bflag:$0x0] =	sbarrier.arrive $0xFFFF;
	(pc) =	sbr.rel @p0 .LBB2_1-.Ltmp2, $4  }
0x8f: {  	[hbm:s10], [sflag:s18] =	dma.local [spmem:s19], $0x2800  }
0x90: {  	_ =	swait.ge [sflag:s12], $0x2800  }
0x91: {  	[sflag:s12] =	ssyncset.done $0x0  }
0x92: {  	[sflag:s12] =	ssyncadd.s32 $0xFFFFD800  }
0x93: {  	_ =	sfence.sel $0x180000  }
0x94: {  	[bflag:$0x0] =	sbarrier.arrive $0xFFFF  }
0x95: {  	p0 =	sne.s32 s2, $0x0;
	_ =	strace $0x90000047  }
0x96: {  	s0 =	sadd.s32 @!p0 $0x100000, s0;
	[bflag:$0x2] =	sbarrier.arrive $0xFFFF  }
0x97: {  	[sflag:s0] =	ssyncadd.tile.s32 @!p0 $0x1;
	_ =	shalt  }
.Lfunc_end2:
_tile_overlayer_lowered:
.L_overlay_start_2:
0x98: {  	(tag) =	ssettag $0x2  }
0x99: {  	s0 =	rddreg [dreg:$0x0];
	s2 =	stileid.u32  }
0x9a: {  	s1 =	rddreg [dreg:$0x1];
	p0 =	sne.s32 s2, $0x0  }
0x9b: {  	s3 =	rddreg [dreg:$0x2];
	[bflag:$0x3] =	sbarrier.arrive $0xFFFF;
	s2 =	simm.s32 @!p0 $0x1C05  }
0x9c: {  	[timem:s3], [sflag:s2] =	dma.local @!p0 [hbm:s0], s1  }
0x9d: {  	s0 =	simm.s32 @!p0 $0x5  }
0x9e: {  	_ =	swait.ge @!p0 [sflag:s0], s1  }
0x9f: {  	s1 =	ssub.s32 @!p0 $0x0, s1;
	[sflag:s0] =	ssyncset.done @!p0 $0x0  }
0xa0: {  	[sflag:s0] =	ssyncadd.s32 @!p0 s1  }
0xa1: {  	[bflag:$0x3] =	sbarrier.arrive $0xFFFF  }
0xa2: {  	_ =	shalt  }

// kernel: kernel.14.cloned.1.call-start
scs
__scs_entry_jumppad:
0x0: {  	(pc) =	sbr.rel $0x88, $3  }
0x1: {  	(tag) =	ssettag $0x0;
	lr =	simm.s32 $0x1  }
0x2: {  	[smem:$0x3F7E] =	sst lr;
	_ =	strace $0xD0000000  }
0x3: {  	_ = 	snop  }
0x4: {  	_ = 	snop  }
0x5: {  	_ = 	snop  }
0x6: {  	_ = 	snop  }
0x7: {  	_ = 	snop  }
__scs_overlays_trampoline_lowered:
0x8: {  	[smem:$0x3F8D] =	sst s0  }
0x9: {  	[smem:$0x3F8E] =	sst s1  }
0xa: {  	[smem:$0x3F8F] =	sst s2  }
0xb: {  	[smem:$0x3F90] =	sst s3  }
0xc: {  	[smem:$0x3F91] =	sst s4  }
0xd: {  	[smem:$0x3F92] =	sst s5  }
0xe: {  	[smem:$0x3F93] =	sst s6  }
0xf: {  	[smem:$0x3F94] =	sst s7  }
0x10: {  	[smem:$0x3F95] =	sst s8  }
0x11: {  	[smem:$0x3F96] =	sst s9;
	s0 =	simm.s32 @!p0 $0x0  }
0x12: {  	s1 =	sld [smem:$0x3F7C];
	s0 =	simm.s32 @p0 $0x1  }
0x13: {  	[smem:$0x3F97] =	sst s0;
	s0 =	simm.s32 @!p1 $0x0  }
0x14: {  	s2 =	sld [smem:$0x3F7B];
	s0 =	simm.s32 @p1 $0x1  }
0x15: {  	[smem:$0x3F98] =	sst s0;
	s0 =	simm.s32 @!p2 $0x0  }
0x16: {  	s3 =	sld [smem:$0x3FDB];
	s0 =	simm.s32 @p2 $0x1  }
0x17: {  	s4 =	simm.s32 $0x1BF5;
	[smem:$0x3F9A] =	sst s0  }
0x18: {  	s0 =	sld [smem:$0x3F7D];
	_ =	swait.ge [sflag:s4], $0x0  }
0x19: {  	s7 =	sld [smem:$0x3F7E]  }
0x1a: {  	s8 =	sadd.s32 $0xFFFFE003, lr  }
0x1b: {  	s9 =	sadd.s32 $0xFFFFFEF7, lr;
	s5 =	simm.s32 $0xFFFFFFFF;
	p2 =	slt.u32 s8, $0xFFFFF086  }
0x1c: {  	p1 =	slt.u32 s9, $0xF7A;
	s5 =	simm.s32 @!p2 $0x0  }
0x1d: {  	s5 =	simm.s32 @p1 $0x1;
	p0 =	seq.s32 s7, s2  }
0x1e: {  	s7 =	smul.u32 @!p0 $0xF7A, s2;
	p2 =	seq.s32 @!p0 s5, $0x0  }
0x1f: {  	s9 =	smul.u32 $0xF7A, s1;
	s8 =	simm.s32 @!p0 $0x1BF5;
	p2 =	por !p2, p0  }
0x20: {  	[sflag:s8] =	ssyncset.s32 @!p0 $0xFFFFF086;
	s6 =	sadd.s32 @!p0 s3, s7;
	s7 =	simm.s32 @!p0 $0x108  }
0x21: {  	s3 =	sadd.s32 s3, s9;
	s6 =	sadd.s32 @!p0 $0x88, s6;
	s7 =	simm.s32 @p2 $0x1082  }
0x22: {  	[simem:s7], [sflag:s8] =	dma.local @!p0 [hbm:s6], $0xF7A  }
0x23: {  	s9 =	sor.u32 $0xD0000000, s2;
	s6 =	simm.s32 $0x108;
	_ =	swait.ge @!p0 [sflag:s8], $0x0  }
0x24: {  	s3 =	sadd.s32 $0x88, s3;
	s6 =	simm.s32 @!p1 $0x1082;
	[sflag:s4] =	ssyncset.s32 $0xFFFFF086  }
0x25: {  	[simem:s6], [sflag:s4] =	dma.local [hbm:s3], $0xF7A  }
0x26: {  	[smem:$0x3F7E] =	sst s1;
	(tag) =	ssettag s2;
	_ =	strace s9  }
0x27: {  	s1 =	sld [smem:$0x3F8E]  }
0x28: {  	s2 =	sld [smem:$0x3F8F]  }
0x29: {  	s4 =	sld [smem:$0x3F91]  }
0x2a: {  	p0 =	seq.s32 s5, $0x0;
	s5 =	sld [smem:$0x3F92]  }
0x2b: {  	s6 =	sld [smem:$0x3F93]  }
0x2c: {  	s7 =	sld [smem:$0x3F94]  }
0x2d: {  	s3 =	simm.s32 $0x108;
	s8 =	sld [smem:$0x3F95]  }
0x2e: {  	s3 =	simm.s32 @!p0 $0x1082;
	s9 =	sld [smem:$0x3F96]  }
0x2f: {  	lr =	sadd.s32 s0, s3;
	s0 =	sld [smem:$0x3F8D]  }
0x30: {  	s3 =	sld [smem:$0x3F90]  }
0x31: {  	[smem:$0x3F99] =	sst s10  }
0x32: {  	s10 =	sld [smem:$0x3F97];
	_ =	sdelay $0x3  }
0x33: {  	p0 =	seq.s32 s10, $0x1;
	s10 =	sld [smem:$0x3F99];
	_ =	sdelay $0x3  }
0x34: {  	[smem:$0x3F99] =	sst s10  }
0x35: {  	s10 =	sld [smem:$0x3F98];
	_ =	sdelay $0x3  }
0x36: {  	p1 =	seq.s32 s10, $0x1;
	s10 =	sld [smem:$0x3F99];
	_ =	sdelay $0x3  }
0x37: {  	[smem:$0x3F99] =	sst s10  }
0x38: {  	s10 =	sld [smem:$0x3F9A]  }
0x39: {  	_ = 	snop;
	(pc) =	sbr.ind lr, $3  }
0x3a: {  	_ = 	snop  }
0x3b: {  	_ = 	snop  }
0x3c: {  	p2 =	seq.s32 s10, $0x1;
	s10 =	sld [smem:$0x3F99]  }
0x3d: {  	_ =	shalt  }
0x3e: {  	_ =	shalt  }
0x3f: {  	_ =	shalt  }
0x40: {  	_ =	shalt  }
0x41: {  	_ =	shalt  }
0x42: {  	_ =	shalt  }
0x43: {  	_ =	shalt  }
0x44: {  	_ =	shalt  }
0x45: {  	_ =	shalt  }
0x46: {  	_ =	shalt  }
0x47: {  	_ =	shalt  }
0x48: {  	_ =	shalt  }
0x49: {  	_ =	shalt  }
0x4a: {  	_ =	shalt  }
0x4b: {  	_ =	shalt  }
0x4c: {  	_ =	shalt  }
0x4d: {  	_ =	shalt  }
0x4e: {  	_ =	shalt  }
0x4f: {  	_ =	shalt  }
0x50: {  	_ =	shalt  }
0x51: {  	_ =	shalt  }
0x52: {  	_ =	shalt  }
0x53: {  	_ =	shalt  }
0x54: {  	_ =	shalt  }
0x55: {  	_ =	shalt  }
0x56: {  	_ =	shalt  }
0x57: {  	_ =	shalt  }
0x58: {  	_ =	shalt  }
0x59: {  	_ =	shalt  }
0x5a: {  	_ =	shalt  }
0x5b: {  	_ =	shalt  }
0x5c: {  	_ =	shalt  }
0x5d: {  	_ =	shalt  }
0x5e: {  	_ =	shalt  }
0x5f: {  	_ =	shalt  }
0x60: {  	_ =	shalt  }
0x61: {  	_ =	shalt  }
0x62: {  	_ =	shalt  }
0x63: {  	_ =	shalt  }
0x64: {  	_ =	shalt  }
0x65: {  	_ =	shalt  }
0x66: {  	_ =	shalt  }
0x67: {  	_ =	shalt  }
0x68: {  	_ =	shalt  }
0x69: {  	_ =	shalt  }
0x6a: {  	_ =	shalt  }
0x6b: {  	_ =	shalt  }
0x6c: {  	_ =	shalt  }
0x6d: {  	_ =	shalt  }
0x6e: {  	_ =	shalt  }
0x6f: {  	_ =	shalt  }
0x70: {  	_ =	shalt  }
0x71: {  	_ =	shalt  }
0x72: {  	_ =	shalt  }
0x73: {  	_ =	shalt  }
0x74: {  	_ =	shalt  }
0x75: {  	_ =	shalt  }
0x76: {  	_ =	shalt  }
0x77: {  	_ =	shalt  }
0x78: {  	_ =	shalt  }
0x79: {  	_ =	shalt  }
0x7a: {  	_ =	shalt  }
0x7b: {  	_ =	shalt  }
0x7c: {  	_ =	shalt  }
0x7d: {  	_ =	shalt  }
0x7e: {  	_ =	shalt  }
0x7f: {  	_ =	shalt  }
0x80: {  	_ =	shalt  }
0x81: {  	_ =	shalt  }
0x82: {  	_ =	shalt  }
0x83: {  	_ =	shalt  }
0x84: {  	_ =	shalt  }
0x85: {  	_ =	shalt  }
0x86: {  	_ =	shalt  }
0x87: {  	_ =	shalt  }
.Lfunc_end0:
.L_simem_size_0:
called_computation.1_lowered:
.L_overlay_start_0:
0x88: {  	s2 =	sld [smem:$0x3FD9]  }
0x89: {  	s3 =	sld [smem:$0x3FFE];
	_ =	sdelay $0x1  }
0x8a: {  	s1 =	srdreg.scid  }
0x8b: {  	s0 =	sand.u32 $0x1, s1  }
0x8c: {  	s16 =	sshll.u32 s0, $0xA;
	s2 =	sadd.s32 s3, s2  }
0x8d: {  	s2 =	sadd.s32 s2, s16  }
0x8e: {  	[smem:$0x3FA5] =	sst s2  }
0x8f: {  	_ = 	snop  }
0x90: {  	(tm) =	ssettm $0x1  }
0x91: {  	s17 =	sld [smem:$0x3FFB];
	_ =	sdelay $0x3  }
0x92: {  	_ =	strace s17  }
0x93: {  	s2 =	sld [smem:$0x3FFC];
	_ =	sdelay $0x3  }
0x94: {  	_ =	strace s2  }
0x95: {  	s2 =	sld [smem:$0x3FFD];
	_ =	sdelay $0x3  }
0x96: {  	_ =	strace s2  }
0x97: {  	_ =	strace $0x8FFFFFFF  }
0x98: {  	s18 =	sld [smem:$0x3FDB];
	_ =	sdelay $0x1  }
0x99: {  	s19 =	simm.s32 $_scs_section_size  }
0x9a: {  	s4 =	simm.s32 $_size__tile_overlayer_lowered;
	s5 =	simm.s32 $_tile_overlayer_lowered  }
0x9b: {  	s22 =	simm.s32 $0x1BFF;
	s21 =	sshll.u32 s5, $0x1;
	s2 =	sadd.s32 s19, s18  }
0x9c: {  	s6 =	simm.s32 $0x0;
	s20 =	sshll.u32 s4, $0x1;
	s4 =	sadd.s32 s21, s2  }
0x9d: {  	[timem:s6], [sflag:s22] =	dma.local [hbm:s4], s20  }
0x9e: {  	_ =	swait.ge [sflag:s22], s20  }
0x9f: {  	s3 =	ssub.s32 $0x0, s20;
	[sflag:s22] =	ssyncset.done $0x0  }
0xa0: {  	[sflag:s22] =	ssyncadd.s32 s3;
	_ =	sdelay $0x1  }
0xa1: {  	s23 =	simm.s32 $0x1B8B  }
0xa2: {  	_ =	swait.ge [sflag:s23], $0x1  }
0xa3: {  	[sflag:s23] =	ssyncset.done $0x0  }
0xa4: {  	s25 =	simm.s32 $0x1B8E;
	s24 =	sld [smem:$0x3FFE];
	[sflag:s23] =	ssyncadd.s32 $0xFFFFFFFF  }
0xa5: {  	s26 =	simm.s32 $execute0_lowered;
	[smem:$0x3FD2] =	sst s25  }
0xa6: {  	s4 =	sshll.u32 s26, $0x1;
	_ =	strace $0x80000049;
	[dreg:$0x1] =	wrdreg $0xFFFFFFFF  }
0xa7: {  	s28 =	simm.s32 $_size_execute0_lowered;
	s2 =	sadd.s32 s2, s4;
	[dreg:$0x0] =	wrdreg $0x0  }
0xa8: {  	s4 =	sshll.u32 s28, $0x1;
	[dreg:$0x2] =	wrdreg s2  }
0xa9: {  	[dreg:$0x3] =	wrdreg s4  }
0xaa: {  	[dreg:$0x4] =	wrdreg $0xC0  }
0xab: {  	_ =	task [dreg:s6], $0x5FFFF  }
0xac: {  	[dreg:$0x1] =	wrdreg $0xFFFFFFFF  }
0xad: {  	[dreg:$0x0] =	wrdreg $0x60  }
0xae: {  	[dreg:$0x2] =	wrdreg s24  }
0xaf: {  	[dreg:$0x3] =	wrdreg $0xA0000  }
0xb0: {  	[dreg:$0x4] =	wrdreg $0x9  }
0xb1: {  	_ =	task.clear_ibuf [dreg:s6], $0x5FFFF;
	_ =	strace $0x90000049  }
0xb2: {  	s29 =	simm.s32 $0x9;
	_ =	strace $0x8000004B  }
0xb3: {  	_ =	swait.ge [sflag:s29], $0x1  }
0xb4: {  	[sflag:s29] =	ssyncadd.s32 $0xFFFFFFFF  }
0xb5: {  	_ =	strace $0x9000004B  }
0xb6: {  	_ =	sfence  }
0xb7: {  	s30 =	sld [smem:$0x0];
	_ =	sdelay $0x2  }
0xb8: {  	s31 =	sshll.u32 s1, $0xD;
	s1 =	sshrl.u32 s1, $0x2  }
0xb9: {  	s3 =	sand.u32 $0x4000, s31;
	s1 =	sadd.s32 s1, s30  }
0xba: {  	s0 =	sor.u32 s3, s0;
	s1 =	sshll.u32 s1, $0x11  }
0xbb: {  	s0 =	sor.u32 s1, s0  }
0xbc: {  	s0 =	sadd.s32 $0x8F2B, s0  }
0xbd: {  	[sflag:s0] =	ssyncadd.remote.s32 $0x1  }
0xbe: {  	_ =	sfence.sel $0xFFFF  }
0xbf: {  	[dreg:$0x0] =	wrdreg $0xFFFFFFFF;
	(pc) =	sbr.abs _section_cstart, $3  }
0xc0: {  	[dreg:$0x1] =	wrdreg $0xFFFFFFFF  }
0xc1: {  	_ =	task.clear_ibuf [dreg:s6], $0x2FFFF;
	_ =	strace $0x9FFFFFFF  }
0xc2: {  	(tm) =	ssettm $0x7FFFFFFF  }
0xc3: {  	_ =	shalt  }
tec
execute0_lowered:
.L_overlay_start_1:
0x0: {  	(tag) =	ssettag $0x1  }
0x1: {  	s0 =	rddreg [dreg:$0x0]  }
0x2: {  	s2 =	rddreg [dreg:$0x1]  }
0x3: {  	s3 =	simm.s32 $0x0;
	s1 =	stileid.u32;
	s4 =	srdreg.scid  }
0x4: {  	s16 =	simm.s32 $0x64;
	s17 =	simm.s32 $0x3800;
	s18 =	simm.s32 $0x80  }
0x5: {  	s19 =	simm.s32 $0x6C00;
	s22 =	simm.s32 $0x1;
	s23 =	simm.s32 $0x2  }
0x6: {  	s28 =	simm.s32 $0x3480;
	s29 =	simm.s32 $0x0;
	[smem:$0x7FF] =	sst s3  }
0x7: {  	s8 =	smul.u32 $0x14000, s1;
	s9 =	sand.u32 $0x1, s4;
	s4 =	sadd.s32 $0x4B800, s0  }
0x8: {  	s5 =	sadd.s32 $0xA9800, s0;
	s13 =	smul.u32 $0x50000, s1;
	s31 =	sshll.u32 s1, $0x6  }
0x9: {  	_ =	strace $0x8000004A;
	s6 =	sshll.u32 s9, $0x4;
	s10 =	smul.u32 $0x140000, s9  }
0xa: {  	s9 =	ssub.s32 $0x2, s9;
	s20 =	sor.u32 $0x1C05, s31;
	s7 =	sshrl.u32 s8, $0x3  }
0xb: {  	s11 =	sor.u32 s1, s6;
	s6 =	sadd.s32 $0x9B800, s0;
	s24 =	sshrl.u32 s9, $0x1  }
0xc: {  	s30 =	sshrl.u32 s13, $0x2;
	s12 =	sadd.s32 s7, s0;
	s7 =	smul.u32 $0x7000, s11  }
0xd: {  	s10 =	sadd.s32 s8, s10;
	s8 =	smul.u32 $0x7000, s1;
	s14 =	ssub.s32 s9, s24  }
0xe: {  	s21 =	sadd.s32 s30, s2;
	s24 =	simm.s32 $0x3;
	s10 =	sshrl.u32 s10, $0x3  }
0xf: {  	s11 =	sadd.s32 $0x23800, s12;
	s13 =	smax.u32 s14, $0x1;
	s14 =	simm.s32 $0x5  }
0x10: {  	s21 =	sshrl.u32 s21, $0x3;
	s25 =	sshrl.u32 s7, $0x3;
	s26 =	sshrl.u32 s8, $0x3  }
0x11: {  	s0 =	sadd.s32 s10, s0;
	s9 =	sadd.s32 s5, s25;
	s10 =	sadd.s32 s6, s26  }
0x12: {  	s12 =	sadd.s32 $0xC5800, s0;
	s25 =	simm.s32 $0x4;
	s26 =	simm.s32 $0x3400  }
.LBB2_1:
0x13: {  	[tilespmem:s3], [sflag:$0x5] =	stream.linear.gather [hbm4b:s9+s3], $0x1900, $0x38;
	[tilespmem:$0x1E000] =	vst v63  }
0x14: {  	_ =	swait.ge [sflag:s14], $0x1900  }
0x15: {  	[sflag:s14] =	ssyncset.done $0x0  }
0x16: {  	s0 =	simm.s32 $0x1C00;
	[sflag:s14] =	ssyncadd.s32 $0xFFFFE700  }
0x17: {  	[tilespmem:s0], [sflag:$0x5] =	stream.linear.gather [hbm4b:s10+s3], $0x1900, $0x38;
	[tilespmem:$0x1E000] =	vst v63  }
0x18: {  	_ =	swait.ge [sflag:s14], $0x1900  }
0x19: {  	[sflag:s14] =	ssyncset.done $0x0  }
0x1a: {  	[sflag:s14] =	ssyncadd.s32 $0xFFFFE700  }
0x1b: {  	[tilespmem:s17], [sflag:$0x1] =	stream.indirect.gather [hbm4b:s4+s16], $0x80, s3, s16, $0xb8;
	[tilespmem:$0x1E000] =	vst v63  }
0x1c: {  	_ = 	snop  }
0x1d: {  	[tilespmem:s19], [sflag:$0x2] =	stream.indirect.gather [hbm4b:s4+s16], $0x80, s18, s16, $0xb8;
	[tilespmem:$0x1E000] =	vst v63  }
0x1e: {  	[spmem:s21], [sflag:s20] =	dma.local [hbm:s11], $0x2800  }
0x1f: {  	_ =	swait.ge [sflag:s14], $0x2800  }
0x20: {  	[sflag:s14] =	ssyncset.done $0x0  }
0x21: {  	[sflag:s14] =	ssyncadd.s32 $0xFFFFD800  }
0x22: {  	s30 =	simm.s32 $0x0;
	[bflag:$0x0] =	sbarrier.arrive $0xFFFF  }
.LBB2_2:
0x23: {  	p0 =	seq.s32 s30, $0x0  }
0x24: {  	s0 =	smul.u32 @!p0 $0x1C00, s30;
	_ =	sdelay $0x1  }
0x25: {  	s31 =	sadd.s32 @!p0 s7, s0  }
0x26: {  	s31 =	sshrl.u32 @!p0 s31, $0x3  }
0x27: {  	s1 =	simm.s32 @!p0 $0x0;
	s31 =	sadd.s32 @!p0 s5, s31  }
0x28: {  	[tilespmem:s1], [sflag:$0x5] =	stream.linear.gather @!p0 [hbm4b:s31+s1], $0x1900, $0x38;
	[tilespmem:$0x1E000] =	vst v63  }
0x29: {  	s31 =	simm.s32 @!p0 $0x5  }
0x2a: {  	s0 =	sadd.s32 @!p0 s8, s0;
	_ =	swait.ge @!p0 [sflag:s31], $0x1900  }
0x2b: {  	s0 =	sshrl.u32 @!p0 s0, $0x3;
	[sflag:s31] =	ssyncset.done @!p0 $0x0  }
0x2c: {  	s15 =	simm.s32 @!p0 $0x1C00;
	s0 =	sadd.s32 @!p0 s6, s0;
	[sflag:s31] =	ssyncadd.s32 @!p0 $0xFFFFE700  }
0x2d: {  	[tilespmem:s15], [sflag:$0x5] =	stream.linear.gather @!p0 [hbm4b:s0+s1], $0x1900, $0x38;
	[tilespmem:$0x1E000] =	vst v63  }
0x2e: {  	_ =	swait.ge @!p0 [sflag:s31], $0x1900  }
0x2f: {  	[sflag:s31] =	ssyncset.done @!p0 $0x0  }
0x30: {  	s0 =	simm.s32 @!p0 $0x64;
	s15 =	simm.s32 @!p0 $0x3800;
	[sflag:s31] =	ssyncadd.s32 @!p0 $0xFFFFE700  }
0x31: {  	[tilespmem:s15], [sflag:$0x1] =	stream.indirect.gather @!p0 [hbm4b:s4+s0], $0x80, s1, s0, $0xb8;
	[tilespmem:$0x1E000] =	vst v63  }
0x32: {  	s1 =	simm.s32 @!p0 $0x80;
	s15 =	simm.s32 @!p0 $0x6C00  }
0x33: {  	[tilespmem:s15], [sflag:$0x2] =	stream.indirect.gather @!p0 [hbm4b:s4+s0], $0x80, s1, s0, $0xb8;
	[tilespmem:$0x1E000] =	vst v63  }
0x34: {  	_ =	swait.ge [sflag:s22], $0x3200  }
0x35: {  	[sflag:s22] =	ssyncset.done $0x0  }
0x36: {  	s15 =	simm.s32 $0x1C00;
	[sflag:s22] =	ssyncadd.s32 $0xFFFFCE00  }
0x37: {  	[spmem:s2] =	stream.indirect.scatter.add.f32 [tilespmem:s17], [sflag:$0x3], $0x80, s15, s16, $0xb8;
	[tilespmem:$0x1E000] =	vst v63  }
0x38: {  	_ =	swait.ge [sflag:s23], $0x3200  }
0x39: {  	[sflag:s23] =	ssyncset.done $0x0  }
0x3a: {  	s1 =	simm.s32 $0x1C80;
	[sflag:s23] =	ssyncadd.s32 $0xFFFFCE00  }
0x3b: {  	[spmem:s2] =	stream.indirect.scatter.add.f32 [tilespmem:s19], [sflag:$0x4], $0x80, s1, s16, $0xb8;
	[tilespmem:$0x1E000] =	vst v63  }
0x3c: {  	_ =	swait.ge [sflag:s24], $0x3200  }
0x3d: {  	[sflag:s24] =	ssyncset.done $0x0  }
0x3e: {  	s15 =	simm.s32 $0x100;
	[sflag:s24] =	ssyncadd.s32 $0xFFFFCE00  }
0x3f: {  	[tilespmem:s17], [sflag:$0x1] =	stream.indirect.gather [hbm4b:s4+s16], $0x80, s15, s16, $0xb8;
	[tilespmem:$0x1E000] =	vst v63  }
0x40: {  	_ =	swait.ge [sflag:s25], $0x3200  }
0x41: {  	[sflag:s25] =	ssyncset.done $0x0  }
0x42: {  	s31 =	simm.s32 $0x400;
	s0 =	simm.s32 $0x180;
	[sflag:s25] =	ssyncadd.s32 $0xFFFFCE00  }
.LBB2_3:
0x43: {  	[tilespmem:s19], [sflag:$0x2] =	stream.indirect.gather [hbm4b:s4+s16], $0x80, s0, s16, $0xb8;
	[tilespmem:$0x1E000] =	vst v63  }
0x44: {  	s0 =	smov.u32 s31  }
0x45: {  	p0 =	sne.s32 s31, $0x5C00;
	s31 =	sadd.s32 $0x400, s31;
	_ =	swait.ge [sflag:s22], $0x3200  }
0x46: {  	s0 =	sshra.s32 s0, $0x2;
	[sflag:s22] =	ssyncset.done $0x0  }
0x47: {  	s1 =	sadd.s32 $0x1C00, s0;
	[sflag:s22] =	ssyncadd.s32 $0xFFFFCE00  }
0x48: {  	[spmem:s2] =	stream.indirect.scatter.add.f32 [tilespmem:s17], [sflag:$0x3], $0x80, s1, s16, $0xb8;
	[tilespmem:$0x1E000] =	vst v63  }
0x49: {  	_ =	swait.ge [sflag:s23], $0x3200  }
0x4a: {  	[sflag:s23] =	ssyncset.done $0x0  }
0x4b: {  	s1 =	sadd.s32 $0x1C80, s0;
	[sflag:s23] =	ssyncadd.s32 $0xFFFFCE00  }
0x4c: {  	[spmem:s2] =	stream.indirect.scatter.add.f32 [tilespmem:s19], [sflag:$0x4], $0x80, s1, s16, $0xb8;
	[tilespmem:$0x1E000] =	vst v63  }
0x4d: {  	_ =	swait.ge [sflag:s24], $0x3200  }
0x4e: {  	[sflag:s24] =	ssyncset.done $0x0  }
.Ltmp0:
0x4f: {  	s1 =	sadd.s32 $0x100, s0;
	[sflag:s24] =	ssyncadd.s32 $0xFFFFCE00;
	(pc) =	sbr.rel @p0 .LBB2_3-.Ltmp0, $4  }
0x50: {  	[tilespmem:s17], [sflag:$0x1] =	stream.indirect.gather [hbm4b:s4+s16], $0x80, s1, s16, $0xb8;
	[tilespmem:$0x1E000] =	vst v63  }
0x51: {  	_ =	swait.ge [sflag:s25], $0x3200  }
0x52: {  	[sflag:s25] =	ssyncset.done $0x0  }
0x53: {  	s0 =	sadd.s32 $0x180, s0;
	[sflag:s25] =	ssyncadd.s32 $0xFFFFCE00  }
0x54: {  	[tilespmem:s19], [sflag:$0x2] =	stream.indirect.gather [hbm4b:s4+s16], $0x80, s0, s16, $0xb8;
	[tilespmem:$0x1E000] =	vst v63  }
0x55: {  	_ =	swait.ge [sflag:s22], $0x3200  }
0x56: {  	[sflag:s22] =	ssyncset.done $0x0  }
0x57: {  	[sflag:s22] =	ssyncadd.s32 $0xFFFFCE00  }
0x58: {  	[spmem:s2] =	stream.indirect.scatter.add.f32 [tilespmem:s17], [sflag:$0x3], $0x80, s26, s16, $0xb8;
	[tilespmem:$0x1E000] =	vst v63  }
0x59: {  	_ =	swait.ge [sflag:s23], $0x3200  }
0x5a: {  	[sflag:s23] =	ssyncset.done $0x0  }
0x5b: {  	s30 =	sadd.s32 $0x1, s30;
	[sflag:s23] =	ssyncadd.s32 $0xFFFFCE00  }
0x5c: {  	[spmem:s2] =	stream.indirect.scatter.add.f32 [tilespmem:s19], [sflag:$0x4], $0x80, s28, s16, $0xb8;
	[tilespmem:$0x1E000] =	vst v63  }
0x5d: {  	p0 =	sne.s32 s30, $0x4;
	_ =	swait.ge [sflag:s24], $0x3200  }
.Ltmp1:
0x5e: {  	[sflag:s24] =	ssyncset.done $0x0;
	(pc) =	sbr.rel @p0 .LBB2_2-.Ltmp1, $4  }
0x5f: {  	[sflag:s24] =	ssyncadd.s32 $0xFFFFCE00  }
0x60: {  	_ =	swait.ge [sflag:s25], $0x3200  }
0x61: {  	[sflag:s25] =	ssyncset.done $0x0  }
0x62: {  	[sflag:s25] =	ssyncadd.s32 $0xFFFFCE00  }
0x63: {  	s29 =	sadd.s32 $0x1, s29  }
0x64: {  	p0 =	sne.s32 s29, s13  }
.Ltmp2:
0x65: {  	[bflag:$0x0] =	sbarrier.arrive $0xFFFF;
	(pc) =	sbr.rel @p0 .LBB2_1-.Ltmp2, $4  }
0x66: {  	[hbm:s12], [sflag:s20] =	dma.local [spmem:s21], $0x2800  }
0x67: {  	_ =	swait.ge [sflag:s14], $0x2800  }
0x68: {  	[sflag:s14] =	ssyncset.done $0x0  }
0x69: {  	[sflag:s14] =	ssyncadd.s32 $0xFFFFD800  }
0x6a: {  	_ =	sfence.sel $0x180000  }
0x6b: {  	[bflag:$0x0] =	sbarrier.arrive $0xFFFF  }
0x6c: {  	_ =	strace $0x9000004A  }
0x6d: {  	s0 =	stileid.u32;
	[bflag:$0x2] =	sbarrier.arrive $0xFFFF  }
0x6e: {  	p0 =	sne.s32 s0, $0x0;
	s0 =	rddreg [dreg:$0x2]  }
0x6f: {  	s0 =	sadd.s32 @!p0 $0x100000, s0  }
0x70: {  	[sflag:s0] =	ssyncadd.tile.s32 @!p0 $0x1;
	_ =	shalt  }
.Lfunc_end2:
_tile_overlayer_lowered:
.L_overlay_start_2:
0x71: {  	(tag) =	ssettag $0x2  }
0x72: {  	s0 =	rddreg [dreg:$0x0];
	s2 =	stileid.u32  }
0x73: {  	s1 =	rddreg [dreg:$0x1];
	p0 =	sne.s32 s2, $0x0  }
0x74: {  	s3 =	rddreg [dreg:$0x2];
	[bflag:$0x3] =	sbarrier.arrive $0xFFFF;
	s2 =	simm.s32 @!p0 $0x1C05  }
0x75: {  	[timem:s3], [sflag:s2] =	dma.local @!p0 [hbm:s0], s1  }
0x76: {  	s0 =	simm.s32 @!p0 $0x5  }
0x77: {  	_ =	swait.ge @!p0 [sflag:s0], s1  }
0x78: {  	s1 =	ssub.s32 @!p0 $0x0, s1;
	[sflag:s0] =	ssyncset.done @!p0 $0x0  }
0x79: {  	[sflag:s0] =	ssyncadd.s32 @!p0 s1  }
0x7a: {  	[bflag:$0x3] =	sbarrier.arrive $0xFFFF  }
0x7b: {  	_ =	shalt  }

// kernel: kernel.17.cloned.1.call-start
scs
__scs_entry_jumppad:
0x0: {  	(pc) =	sbr.rel $0x88, $3  }
0x1: {  	(tag) =	ssettag $0x0;
	lr =	simm.s32 $0x1  }
0x2: {  	[smem:$0x3F7E] =	sst lr;
	_ =	strace $0xD0000000  }
0x3: {  	_ = 	snop  }
0x4: {  	_ = 	snop  }
0x5: {  	_ = 	snop  }
0x6: {  	_ = 	snop  }
0x7: {  	_ = 	snop  }
__scs_overlays_trampoline_lowered:
0x8: {  	[smem:$0x3F8D] =	sst s0  }
0x9: {  	[smem:$0x3F8E] =	sst s1  }
0xa: {  	[smem:$0x3F8F] =	sst s2  }
0xb: {  	[smem:$0x3F90] =	sst s3  }
0xc: {  	[smem:$0x3F91] =	sst s4  }
0xd: {  	[smem:$0x3F92] =	sst s5  }
0xe: {  	[smem:$0x3F93] =	sst s6  }
0xf: {  	[smem:$0x3F94] =	sst s7  }
0x10: {  	[smem:$0x3F95] =	sst s8  }
0x11: {  	[smem:$0x3F96] =	sst s9;
	s0 =	simm.s32 @!p0 $0x0  }
0x12: {  	s1 =	sld [smem:$0x3F7C];
	s0 =	simm.s32 @p0 $0x1  }
0x13: {  	[smem:$0x3F97] =	sst s0;
	s0 =	simm.s32 @!p1 $0x0  }
0x14: {  	s2 =	sld [smem:$0x3F7B];
	s0 =	simm.s32 @p1 $0x1  }
0x15: {  	[smem:$0x3F98] =	sst s0;
	s0 =	simm.s32 @!p2 $0x0  }
0x16: {  	s3 =	sld [smem:$0x3FDB];
	s0 =	simm.s32 @p2 $0x1  }
0x17: {  	s4 =	simm.s32 $0x1BF5;
	[smem:$0x3F9A] =	sst s0  }
0x18: {  	s0 =	sld [smem:$0x3F7D];
	_ =	swait.ge [sflag:s4], $0x0  }
0x19: {  	s7 =	sld [smem:$0x3F7E]  }
0x1a: {  	s8 =	sadd.s32 $0xFFFFE003, lr  }
0x1b: {  	s9 =	sadd.s32 $0xFFFFFEF7, lr;
	s5 =	simm.s32 $0xFFFFFFFF;
	p2 =	slt.u32 s8, $0xFFFFF086  }
0x1c: {  	p1 =	slt.u32 s9, $0xF7A;
	s5 =	simm.s32 @!p2 $0x0  }
0x1d: {  	s5 =	simm.s32 @p1 $0x1;
	p0 =	seq.s32 s7, s2  }
0x1e: {  	s7 =	smul.u32 @!p0 $0xF7A, s2;
	p2 =	seq.s32 @!p0 s5, $0x0  }
0x1f: {  	s9 =	smul.u32 $0xF7A, s1;
	s8 =	simm.s32 @!p0 $0x1BF5;
	p2 =	por !p2, p0  }
0x20: {  	[sflag:s8] =	ssyncset.s32 @!p0 $0xFFFFF086;
	s6 =	sadd.s32 @!p0 s3, s7;
	s7 =	simm.s32 @!p0 $0x108  }
0x21: {  	s3 =	sadd.s32 s3, s9;
	s6 =	sadd.s32 @!p0 $0x88, s6;
	s7 =	simm.s32 @p2 $0x1082  }
0x22: {  	[simem:s7], [sflag:s8] =	dma.local @!p0 [hbm:s6], $0xF7A  }
0x23: {  	s9 =	sor.u32 $0xD0000000, s2;
	s6 =	simm.s32 $0x108;
	_ =	swait.ge @!p0 [sflag:s8], $0x0  }
0x24: {  	s3 =	sadd.s32 $0x88, s3;
	s6 =	simm.s32 @!p1 $0x1082;
	[sflag:s4] =	ssyncset.s32 $0xFFFFF086  }
0x25: {  	[simem:s6], [sflag:s4] =	dma.local [hbm:s3], $0xF7A  }
0x26: {  	[smem:$0x3F7E] =	sst s1;
	(tag) =	ssettag s2;
	_ =	strace s9  }
0x27: {  	s1 =	sld [smem:$0x3F8E]  }
0x28: {  	s2 =	sld [smem:$0x3F8F]  }
0x29: {  	s4 =	sld [smem:$0x3F91]  }
0x2a: {  	p0 =	seq.s32 s5, $0x0;
	s5 =	sld [smem:$0x3F92]  }
0x2b: {  	s6 =	sld [smem:$0x3F93]  }
0x2c: {  	s7 =	sld [smem:$0x3F94]  }
0x2d: {  	s3 =	simm.s32 $0x108;
	s8 =	sld [smem:$0x3F95]  }
0x2e: {  	s3 =	simm.s32 @!p0 $0x1082;
	s9 =	sld [smem:$0x3F96]  }
0x2f: {  	lr =	sadd.s32 s0, s3;
	s0 =	sld [smem:$0x3F8D]  }
0x30: {  	s3 =	sld [smem:$0x3F90]  }
0x31: {  	[smem:$0x3F99] =	sst s10  }
0x32: {  	s10 =	sld [smem:$0x3F97];
	_ =	sdelay $0x3  }
0x33: {  	p0 =	seq.s32 s10, $0x1;
	s10 =	sld [smem:$0x3F99];
	_ =	sdelay $0x3  }
0x34: {  	[smem:$0x3F99] =	sst s10  }
0x35: {  	s10 =	sld [smem:$0x3F98];
	_ =	sdelay $0x3  }
0x36: {  	p1 =	seq.s32 s10, $0x1;
	s10 =	sld [smem:$0x3F99];
	_ =	sdelay $0x3  }
0x37: {  	[smem:$0x3F99] =	sst s10  }
0x38: {  	s10 =	sld [smem:$0x3F9A]  }
0x39: {  	_ = 	snop;
	(pc) =	sbr.ind lr, $3  }
0x3a: {  	_ = 	snop  }
0x3b: {  	_ = 	snop  }
0x3c: {  	p2 =	seq.s32 s10, $0x1;
	s10 =	sld [smem:$0x3F99]  }
0x3d: {  	_ =	shalt  }
0x3e: {  	_ =	shalt  }
0x3f: {  	_ =	shalt  }
0x40: {  	_ =	shalt  }
0x41: {  	_ =	shalt  }
0x42: {  	_ =	shalt  }
0x43: {  	_ =	shalt  }
0x44: {  	_ =	shalt  }
0x45: {  	_ =	shalt  }
0x46: {  	_ =	shalt  }
0x47: {  	_ =	shalt  }
0x48: {  	_ =	shalt  }
0x49: {  	_ =	shalt  }
0x4a: {  	_ =	shalt  }
0x4b: {  	_ =	shalt  }
0x4c: {  	_ =	shalt  }
0x4d: {  	_ =	shalt  }
0x4e: {  	_ =	shalt  }
0x4f: {  	_ =	shalt  }
0x50: {  	_ =	shalt  }
0x51: {  	_ =	shalt  }
0x52: {  	_ =	shalt  }
0x53: {  	_ =	shalt  }
0x54: {  	_ =	shalt  }
0x55: {  	_ =	shalt  }
0x56: {  	_ =	shalt  }
0x57: {  	_ =	shalt  }
0x58: {  	_ =	shalt  }
0x59: {  	_ =	shalt  }
0x5a: {  	_ =	shalt  }
0x5b: {  	_ =	shalt  }
0x5c: {  	_ =	shalt  }
0x5d: {  	_ =	shalt  }
0x5e: {  	_ =	shalt  }
0x5f: {  	_ =	shalt  }
0x60: {  	_ =	shalt  }
0x61: {  	_ =	shalt  }
0x62: {  	_ =	shalt  }
0x63: {  	_ =	shalt  }
0x64: {  	_ =	shalt  }
0x65: {  	_ =	shalt  }
0x66: {  	_ =	shalt  }
0x67: {  	_ =	shalt  }
0x68: {  	_ =	shalt  }
0x69: {  	_ =	shalt  }
0x6a: {  	_ =	shalt  }
0x6b: {  	_ =	shalt  }
0x6c: {  	_ =	shalt  }
0x6d: {  	_ =	shalt  }
0x6e: {  	_ =	shalt  }
0x6f: {  	_ =	shalt  }
0x70: {  	_ =	shalt  }
0x71: {  	_ =	shalt  }
0x72: {  	_ =	shalt  }
0x73: {  	_ =	shalt  }
0x74: {  	_ =	shalt  }
0x75: {  	_ =	shalt  }
0x76: {  	_ =	shalt  }
0x77: {  	_ =	shalt  }
0x78: {  	_ =	shalt  }
0x79: {  	_ =	shalt  }
0x7a: {  	_ =	shalt  }
0x7b: {  	_ =	shalt  }
0x7c: {  	_ =	shalt  }
0x7d: {  	_ =	shalt  }
0x7e: {  	_ =	shalt  }
0x7f: {  	_ =	shalt  }
0x80: {  	_ =	shalt  }
0x81: {  	_ =	shalt  }
0x82: {  	_ =	shalt  }
0x83: {  	_ =	shalt  }
0x84: {  	_ =	shalt  }
0x85: {  	_ =	shalt  }
0x86: {  	_ =	shalt  }
0x87: {  	_ =	shalt  }
.Lfunc_end0:
.L_simem_size_0:
called_computation.2_lowered:
.L_overlay_start_0:
0x88: {  	s2 =	sld [smem:$0x3FD9]  }
0x89: {  	s3 =	sld [smem:$0x3FFE];
	_ =	sdelay $0x1  }
0x8a: {  	s1 =	srdreg.scid  }
0x8b: {  	s0 =	sand.u32 $0x1, s1  }
0x8c: {  	s16 =	sshll.u32 s0, $0xA;
	s2 =	sadd.s32 s3, s2  }
0x8d: {  	s2 =	sadd.s32 s2, s16  }
0x8e: {  	[smem:$0x3FA5] =	sst s2  }
0x8f: {  	_ = 	snop  }
0x90: {  	(tm) =	ssettm $0x1  }
0x91: {  	s17 =	sld [smem:$0x3FFB];
	_ =	sdelay $0x3  }
0x92: {  	_ =	strace s17  }
0x93: {  	s2 =	sld [smem:$0x3FFC];
	_ =	sdelay $0x3  }
0x94: {  	_ =	strace s2  }
0x95: {  	s2 =	sld [smem:$0x3FFD];
	_ =	sdelay $0x3  }
0x96: {  	_ =	strace s2  }
0x97: {  	_ =	strace $0x8FFFFFFF  }
0x98: {  	s18 =	sld [smem:$0x3FDB];
	_ =	sdelay $0x1  }
0x99: {  	s19 =	simm.s32 $_scs_section_size  }
0x9a: {  	s4 =	simm.s32 $_size__tile_overlayer_lowered;
	s5 =	simm.s32 $_tile_overlayer_lowered  }
0x9b: {  	s22 =	simm.s32 $0x1BFF;
	s21 =	sshll.u32 s5, $0x1;
	s2 =	sadd.s32 s19, s18  }
0x9c: {  	s6 =	simm.s32 $0x0;
	s20 =	sshll.u32 s4, $0x1;
	s4 =	sadd.s32 s21, s2  }
0x9d: {  	[timem:s6], [sflag:s22] =	dma.local [hbm:s4], s20  }
0x9e: {  	_ =	swait.ge [sflag:s22], s20  }
0x9f: {  	s3 =	ssub.s32 $0x0, s20;
	[sflag:s22] =	ssyncset.done $0x0  }
0xa0: {  	[sflag:s22] =	ssyncadd.s32 s3;
	_ =	sdelay $0x1  }
0xa1: {  	s23 =	simm.s32 $0x1B8B  }
0xa2: {  	_ =	swait.ge [sflag:s23], $0x1  }
0xa3: {  	[sflag:s23] =	ssyncset.done $0x0  }
0xa4: {  	s25 =	simm.s32 $0x1B8E;
	s24 =	sld [smem:$0x3FFE];
	[sflag:s23] =	ssyncadd.s32 $0xFFFFFFFF  }
0xa5: {  	s26 =	simm.s32 $execute0_lowered;
	[smem:$0x3FD2] =	sst s25  }
0xa6: {  	s4 =	sshll.u32 s26, $0x1;
	_ =	strace $0x8000004C;
	[dreg:$0x1] =	wrdreg $0xFFFFFFFF  }
0xa7: {  	s28 =	simm.s32 $_size_execute0_lowered;
	s2 =	sadd.s32 s2, s4;
	[dreg:$0x0] =	wrdreg $0x0  }
0xa8: {  	s4 =	sshll.u32 s28, $0x1;
	[dreg:$0x2] =	wrdreg s2  }
0xa9: {  	[dreg:$0x3] =	wrdreg s4  }
0xaa: {  	[dreg:$0x4] =	wrdreg $0xC0  }
0xab: {  	_ =	task [dreg:s6], $0x5FFFF  }
0xac: {  	[dreg:$0x1] =	wrdreg $0xFFFFFFFF  }
0xad: {  	[dreg:$0x0] =	wrdreg $0x60  }
0xae: {  	[dreg:$0x2] =	wrdreg s24  }
0xaf: {  	[dreg:$0x3] =	wrdreg $0xA0000  }
0xb0: {  	[dreg:$0x4] =	wrdreg $0x9  }
0xb1: {  	_ =	task.clear_ibuf [dreg:s6], $0x5FFFF;
	_ =	strace $0x9000004C  }
0xb2: {  	s29 =	simm.s32 $0x9;
	_ =	strace $0x8000004E  }
0xb3: {  	_ =	swait.ge [sflag:s29], $0x1  }
0xb4: {  	[sflag:s29] =	ssyncadd.s32 $0xFFFFFFFF  }
0xb5: {  	_ =	strace $0x9000004E  }
0xb6: {  	_ =	sfence  }
0xb7: {  	s30 =	sld [smem:$0x0];
	_ =	sdelay $0x2  }
0xb8: {  	s31 =	sshll.u32 s1, $0xD;
	s1 =	sshrl.u32 s1, $0x2  }
0xb9: {  	s3 =	sand.u32 $0x4000, s31;
	s1 =	sadd.s32 s1, s30  }
0xba: {  	s0 =	sor.u32 s3, s0;
	s1 =	sshll.u32 s1, $0x11  }
0xbb: {  	s0 =	sor.u32 s1, s0  }
0xbc: {  	s0 =	sadd.s32 $0x8F2B, s0  }
0xbd: {  	[sflag:s0] =	ssyncadd.remote.s32 $0x1  }
0xbe: {  	_ =	sfence.sel $0xFFFF  }
0xbf: {  	[dreg:$0x0] =	wrdreg $0xFFFFFFFF;
	(pc) =	sbr.abs _section_cstart, $3  }
0xc0: {  	[dreg:$0x1] =	wrdreg $0xFFFFFFFF  }
0xc1: {  	_ =	task.clear_ibuf [dreg:s6], $0x2FFFF;
	_ =	strace $0x9FFFFFFF  }
0xc2: {  	(tm) =	ssettm $0x7FFFFFFF  }
0xc3: {  	_ =	shalt  }
tec
execute0_lowered:
.L_overlay_start_1:
0x0: {  	(tag) =	ssettag $0x1  }
0x1: {  	s0 =	rddreg [dreg:$0x0]  }
0x2: {  	s2 =	rddreg [dreg:$0x1]  }
0x3: {  	s3 =	simm.s32 $0x0;
	s1 =	stileid.u32;
	s4 =	srdreg.scid  }
0x4: {  	s16 =	simm.s32 $0x64;
	s17 =	simm.s32 $0x3800;
	s18 =	simm.s32 $0x80  }
0x5: {  	s19 =	simm.s32 $0x6C00;
	s22 =	simm.s32 $0x1;
	s23 =	simm.s32 $0x2  }
0x6: {  	s28 =	simm.s32 $0x3480;
	s29 =	simm.s32 $0x0;
	[smem:$0x7FF] =	sst s3  }
0x7: {  	s8 =	smul.u32 $0x14000, s1;
	s9 =	sand.u32 $0x1, s4;
	s4 =	sadd.s32 $0x4B800, s0  }
0x8: {  	s5 =	sadd.s32 $0xA9800, s0;
	s13 =	smul.u32 $0x50000, s1;
	s31 =	sshll.u32 s1, $0x6  }
0x9: {  	_ =	strace $0x8000004D;
	s6 =	sshll.u32 s9, $0x4;
	s10 =	smul.u32 $0x140000, s9  }
0xa: {  	s9 =	ssub.s32 $0x2, s9;
	s20 =	sor.u32 $0x1C05, s31;
	s7 =	sshrl.u32 s8, $0x3  }
0xb: {  	s11 =	sor.u32 s1, s6;
	s6 =	sadd.s32 $0x9B800, s0;
	s24 =	sshrl.u32 s9, $0x1  }
0xc: {  	s30 =	sshrl.u32 s13, $0x2;
	s12 =	sadd.s32 s7, s0;
	s7 =	smul.u32 $0x7000, s11  }
0xd: {  	s10 =	sadd.s32 s8, s10;
	s8 =	smul.u32 $0x7000, s1;
	s14 =	ssub.s32 s9, s24  }
0xe: {  	s21 =	sadd.s32 s30, s2;
	s24 =	simm.s32 $0x3;
	s10 =	sshrl.u32 s10, $0x3  }
0xf: {  	s11 =	sadd.s32 $0x23800, s12;
	s13 =	smax.u32 s14, $0x1;
	s14 =	simm.s32 $0x5  }
0x10: {  	s21 =	sshrl.u32 s21, $0x3;
	s25 =	sshrl.u32 s7, $0x3;
	s26 =	sshrl.u32 s8, $0x3  }
0x11: {  	s0 =	sadd.s32 s10, s0;
	s9 =	sadd.s32 s5, s25;
	s10 =	sadd.s32 s6, s26  }
0x12: {  	s12 =	sadd.s32 $0xC5800, s0;
	s25 =	simm.s32 $0x4;
	s26 =	simm.s32 $0x3400  }
.LBB2_1:
0x13: {  	[tilespmem:s3], [sflag:$0x5] =	stream.linear.gather [hbm4b:s9+s3], $0x1900, $0x38;
	[tilespmem:$0x1E000] =	vst v63  }
0x14: {  	_ =	swait.ge [sflag:s14], $0x1900  }
0x15: {  	[sflag:s14] =	ssyncset.done $0x0  }
0x16: {  	s0 =	simm.s32 $0x1C00;
	[sflag:s14] =	ssyncadd.s32 $0xFFFFE700  }
0x17: {  	[tilespmem:s0], [sflag:$0x5] =	stream.linear.gather [hbm4b:s10+s3], $0x1900, $0x38;
	[tilespmem:$0x1E000] =	vst v63  }
0x18: {  	_ =	swait.ge [sflag:s14], $0x1900  }
0x19: {  	[sflag:s14] =	ssyncset.done $0x0  }
0x1a: {  	[sflag:s14] =	ssyncadd.s32 $0xFFFFE700  }
0x1b: {  	[tilespmem:s17], [sflag:$0x1] =	stream.indirect.gather [hbm4b:s4+s16], $0x80, s3, s16, $0xb8;
	[tilespmem:$0x1E000] =	vst v63  }
0x1c: {  	_ = 	snop  }
0x1d: {  	[tilespmem:s19], [sflag:$0x2] =	stream.indirect.gather [hbm4b:s4+s16], $0x80, s18, s16, $0xb8;
	[tilespmem:$0x1E000] =	vst v63  }
0x1e: {  	[spmem:s21], [sflag:s20] =	dma.local [hbm:s11], $0x2800  }
0x1f: {  	_ =	swait.ge [sflag:s14], $0x2800  }
0x20: {  	[sflag:s14] =	ssyncset.done $0x0  }
0x21: {  	[sflag:s14] =	ssyncadd.s32 $0xFFFFD800  }
0x22: {  	s30 =	simm.s32 $0x0;
	[bflag:$0x0] =	sbarrier.arrive $0xFFFF  }
.LBB2_2:
0x23: {  	p0 =	seq.s32 s30, $0x0  }
0x24: {  	s0 =	smul.u32 @!p0 $0x1C00, s30;
	_ =	sdelay $0x1  }
0x25: {  	s31 =	sadd.s32 @!p0 s7, s0  }
0x26: {  	s31 =	sshrl.u32 @!p0 s31, $0x3  }
0x27: {  	s1 =	simm.s32 @!p0 $0x0;
	s31 =	sadd.s32 @!p0 s5, s31  }
0x28: {  	[tilespmem:s1], [sflag:$0x5] =	stream.linear.gather @!p0 [hbm4b:s31+s1], $0x1900, $0x38;
	[tilespmem:$0x1E000] =	vst v63  }
0x29: {  	s31 =	simm.s32 @!p0 $0x5  }
0x2a: {  	s0 =	sadd.s32 @!p0 s8, s0;
	_ =	swait.ge @!p0 [sflag:s31], $0x1900  }
0x2b: {  	s0 =	sshrl.u32 @!p0 s0, $0x3;
	[sflag:s31] =	ssyncset.done @!p0 $0x0  }
0x2c: {  	s15 =	simm.s32 @!p0 $0x1C00;
	s0 =	sadd.s32 @!p0 s6, s0;
	[sflag:s31] =	ssyncadd.s32 @!p0 $0xFFFFE700  }
0x2d: {  	[tilespmem:s15], [sflag:$0x5] =	stream.linear.gather @!p0 [hbm4b:s0+s1], $0x1900, $0x38;
	[tilespmem:$0x1E000] =	vst v63  }
0x2e: {  	_ =	swait.ge @!p0 [sflag:s31], $0x1900  }
0x2f: {  	[sflag:s31] =	ssyncset.done @!p0 $0x0  }
0x30: {  	s0 =	simm.s32 @!p0 $0x64;
	s15 =	simm.s32 @!p0 $0x3800;
	[sflag:s31] =	ssyncadd.s32 @!p0 $0xFFFFE700  }
0x31: {  	[tilespmem:s15], [sflag:$0x1] =	stream.indirect.gather @!p0 [hbm4b:s4+s0], $0x80, s1, s0, $0xb8;
	[tilespmem:$0x1E000] =	vst v63  }
0x32: {  	s1 =	simm.s32 @!p0 $0x80;
	s15 =	simm.s32 @!p0 $0x6C00  }
0x33: {  	[tilespmem:s15], [sflag:$0x2] =	stream.indirect.gather @!p0 [hbm4b:s4+s0], $0x80, s1, s0, $0xb8;
	[tilespmem:$0x1E000] =	vst v63  }
0x34: {  	_ =	swait.ge [sflag:s22], $0x3200  }
0x35: {  	[sflag:s22] =	ssyncset.done $0x0  }
0x36: {  	s15 =	simm.s32 $0x1C00;
	[sflag:s22] =	ssyncadd.s32 $0xFFFFCE00  }
0x37: {  	[spmem:s2] =	stream.indirect.scatter.add.f32 [tilespmem:s17], [sflag:$0x3], $0x80, s15, s16, $0xb8;
	[tilespmem:$0x1E000] =	vst v63  }
0x38: {  	_ =	swait.ge [sflag:s23], $0x3200  }
0x39: {  	[sflag:s23] =	ssyncset.done $0x0  }
0x3a: {  	s1 =	simm.s32 $0x1C80;
	[sflag:s23] =	ssyncadd.s32 $0xFFFFCE00  }
0x3b: {  	[spmem:s2] =	stream.indirect.scatter.add.f32 [tilespmem:s19], [sflag:$0x4], $0x80, s1, s16, $0xb8;
	[tilespmem:$0x1E000] =	vst v63  }
0x3c: {  	_ =	swait.ge [sflag:s24], $0x3200  }
0x3d: {  	[sflag:s24] =	ssyncset.done $0x0  }
0x3e: {  	s15 =	simm.s32 $0x100;
	[sflag:s24] =	ssyncadd.s32 $0xFFFFCE00  }
0x3f: {  	[tilespmem:s17], [sflag:$0x1] =	stream.indirect.gather [hbm4b:s4+s16], $0x80, s15, s16, $0xb8;
	[tilespmem:$0x1E000] =	vst v63  }
0x40: {  	_ =	swait.ge [sflag:s25], $0x3200  }
0x41: {  	[sflag:s25] =	ssyncset.done $0x0  }
0x42: {  	s31 =	simm.s32 $0x400;
	s0 =	simm.s32 $0x180;
	[sflag:s25] =	ssyncadd.s32 $0xFFFFCE00  }
.LBB2_3:
0x43: {  	[tilespmem:s19], [sflag:$0x2] =	stream.indirect.gather [hbm4b:s4+s16], $0x80, s0, s16, $0xb8;
	[tilespmem:$0x1E000] =	vst v63  }
0x44: {  	s0 =	smov.u32 s31  }
0x45: {  	p0 =	sne.s32 s31, $0x5C00;
	s31 =	sadd.s32 $0x400, s31;
	_ =	swait.ge [sflag:s22], $0x3200  }
0x46: {  	s0 =	sshra.s32 s0, $0x2;
	[sflag:s22] =	ssyncset.done $0x0  }
0x47: {  	s1 =	sadd.s32 $0x1C00, s0;
	[sflag:s22] =	ssyncadd.s32 $0xFFFFCE00  }
0x48: {  	[spmem:s2] =	stream.indirect.scatter.add.f32 [tilespmem:s17], [sflag:$0x3], $0x80, s1, s16, $0xb8;
	[tilespmem:$0x1E000] =	vst v63  }
0x49: {  	_ =	swait.ge [sflag:s23], $0x3200  }
0x4a: {  	[sflag:s23] =	ssyncset.done $0x0  }
0x4b: {  	s1 =	sadd.s32 $0x1C80, s0;
	[sflag:s23] =	ssyncadd.s32 $0xFFFFCE00  }
0x4c: {  	[spmem:s2] =	stream.indirect.scatter.add.f32 [tilespmem:s19], [sflag:$0x4], $0x80, s1, s16, $0xb8;
	[tilespmem:$0x1E000] =	vst v63  }
0x4d: {  	_ =	swait.ge [sflag:s24], $0x3200  }
0x4e: {  	[sflag:s24] =	ssyncset.done $0x0  }
.Ltmp0:
0x4f: {  	s1 =	sadd.s32 $0x100, s0;
	[sflag:s24] =	ssyncadd.s32 $0xFFFFCE00;
	(pc) =	sbr.rel @p0 .LBB2_3-.Ltmp0, $4  }
0x50: {  	[tilespmem:s17], [sflag:$0x1] =	stream.indirect.gather [hbm4b:s4+s16], $0x80, s1, s16, $0xb8;
	[tilespmem:$0x1E000] =	vst v63  }
0x51: {  	_ =	swait.ge [sflag:s25], $0x3200  }
0x52: {  	[sflag:s25] =	ssyncset.done $0x0  }
0x53: {  	s0 =	sadd.s32 $0x180, s0;
	[sflag:s25] =	ssyncadd.s32 $0xFFFFCE00  }
0x54: {  	[tilespmem:s19], [sflag:$0x2] =	stream.indirect.gather [hbm4b:s4+s16], $0x80, s0, s16, $0xb8;
	[tilespmem:$0x1E000] =	vst v63  }
0x55: {  	_ =	swait.ge [sflag:s22], $0x3200  }
0x56: {  	[sflag:s22] =	ssyncset.done $0x0  }
0x57: {  	[sflag:s22] =	ssyncadd.s32 $0xFFFFCE00  }
0x58: {  	[spmem:s2] =	stream.indirect.scatter.add.f32 [tilespmem:s17], [sflag:$0x3], $0x80, s26, s16, $0xb8;
	[tilespmem:$0x1E000] =	vst v63  }
0x59: {  	_ =	swait.ge [sflag:s23], $0x3200  }
0x5a: {  	[sflag:s23] =	ssyncset.done $0x0  }
0x5b: {  	s30 =	sadd.s32 $0x1, s30;
	[sflag:s23] =	ssyncadd.s32 $0xFFFFCE00  }
0x5c: {  	[spmem:s2] =	stream.indirect.scatter.add.f32 [tilespmem:s19], [sflag:$0x4], $0x80, s28, s16, $0xb8;
	[tilespmem:$0x1E000] =	vst v63  }
0x5d: {  	p0 =	sne.s32 s30, $0x4;
	_ =	swait.ge [sflag:s24], $0x3200  }
.Ltmp1:
0x5e: {  	[sflag:s24] =	ssyncset.done $0x0;
	(pc) =	sbr.rel @p0 .LBB2_2-.Ltmp1, $4  }
0x5f: {  	[sflag:s24] =	ssyncadd.s32 $0xFFFFCE00  }
0x60: {  	_ =	swait.ge [sflag:s25], $0x3200  }
0x61: {  	[sflag:s25] =	ssyncset.done $0x0  }
0x62: {  	[sflag:s25] =	ssyncadd.s32 $0xFFFFCE00  }
0x63: {  	s29 =	sadd.s32 $0x1, s29  }
0x64: {  	p0 =	sne.s32 s29, s13  }
.Ltmp2:
0x65: {  	[bflag:$0x0] =	sbarrier.arrive $0xFFFF;
	(pc) =	sbr.rel @p0 .LBB2_1-.Ltmp2, $4  }
0x66: {  	[hbm:s12], [sflag:s20] =	dma.local [spmem:s21], $0x2800  }
0x67: {  	_ =	swait.ge [sflag:s14], $0x2800  }
0x68: {  	[sflag:s14] =	ssyncset.done $0x0  }
0x69: {  	[sflag:s14] =	ssyncadd.s32 $0xFFFFD800  }
0x6a: {  	_ =	sfence.sel $0x180000  }
0x6b: {  	[bflag:$0x0] =	sbarrier.arrive $0xFFFF  }
0x6c: {  	_ =	strace $0x9000004D  }
0x6d: {  	s0 =	stileid.u32;
	[bflag:$0x2] =	sbarrier.arrive $0xFFFF  }
0x6e: {  	p0 =	sne.s32 s0, $0x0;
	s0 =	rddreg [dreg:$0x2]  }
0x6f: {  	s0 =	sadd.s32 @!p0 $0x100000, s0  }
0x70: {  	[sflag:s0] =	ssyncadd.tile.s32 @!p0 $0x1;
	_ =	shalt  }
.Lfunc_end2:
_tile_overlayer_lowered:
.L_overlay_start_2:
0x71: {  	(tag) =	ssettag $0x2  }
0x72: {  	s0 =	rddreg [dreg:$0x0];
	s2 =	stileid.u32  }
0x73: {  	s1 =	rddreg [dreg:$0x1];
	p0 =	sne.s32 s2, $0x0  }
0x74: {  	s3 =	rddreg [dreg:$0x2];
	[bflag:$0x3] =	sbarrier.arrive $0xFFFF;
	s2 =	simm.s32 @!p0 $0x1C05  }
0x75: {  	[timem:s3], [sflag:s2] =	dma.local @!p0 [hbm:s0], s1  }
0x76: {  	s0 =	simm.s32 @!p0 $0x5  }
0x77: {  	_ =	swait.ge @!p0 [sflag:s0], s1  }
0x78: {  	s1 =	ssub.s32 @!p0 $0x0, s1;
	[sflag:s0] =	ssyncset.done @!p0 $0x0  }
0x79: {  	[sflag:s0] =	ssyncadd.s32 @!p0 s1  }
0x7a: {  	[bflag:$0x3] =	sbarrier.arrive $0xFFFF  }
0x7b: {  	_ =	shalt  }

// kernel: kernel.20.cloned.1.call-start
scs
__scs_entry_jumppad:
0x0: {  	(pc) =	sbr.rel $0x88, $3  }
0x1: {  	(tag) =	ssettag $0x0;
	lr =	simm.s32 $0x1  }
0x2: {  	[smem:$0x3F7E] =	sst lr;
	_ =	strace $0xD0000000  }
0x3: {  	_ = 	snop  }
0x4: {  	_ = 	snop  }
0x5: {  	_ = 	snop  }
0x6: {  	_ = 	snop  }
0x7: {  	_ = 	snop  }
__scs_overlays_trampoline_lowered:
0x8: {  	[smem:$0x3F8D] =	sst s0  }
0x9: {  	[smem:$0x3F8E] =	sst s1  }
0xa: {  	[smem:$0x3F8F] =	sst s2  }
0xb: {  	[smem:$0x3F90] =	sst s3  }
0xc: {  	[smem:$0x3F91] =	sst s4  }
0xd: {  	[smem:$0x3F92] =	sst s5  }
0xe: {  	[smem:$0x3F93] =	sst s6  }
0xf: {  	[smem:$0x3F94] =	sst s7  }
0x10: {  	[smem:$0x3F95] =	sst s8  }
0x11: {  	[smem:$0x3F96] =	sst s9;
	s0 =	simm.s32 @!p0 $0x0  }
0x12: {  	s1 =	sld [smem:$0x3F7C];
	s0 =	simm.s32 @p0 $0x1  }
0x13: {  	[smem:$0x3F97] =	sst s0;
	s0 =	simm.s32 @!p1 $0x0  }
0x14: {  	s2 =	sld [smem:$0x3F7B];
	s0 =	simm.s32 @p1 $0x1  }
0x15: {  	[smem:$0x3F98] =	sst s0;
	s0 =	simm.s32 @!p2 $0x0  }
0x16: {  	s3 =	sld [smem:$0x3FDB];
	s0 =	simm.s32 @p2 $0x1  }
0x17: {  	s4 =	simm.s32 $0x1BF5;
	[smem:$0x3F9A] =	sst s0  }
0x18: {  	s0 =	sld [smem:$0x3F7D];
	_ =	swait.ge [sflag:s4], $0x0  }
0x19: {  	s7 =	sld [smem:$0x3F7E]  }
0x1a: {  	s8 =	sadd.s32 $0xFFFFE003, lr  }
0x1b: {  	s9 =	sadd.s32 $0xFFFFFEF7, lr;
	s5 =	simm.s32 $0xFFFFFFFF;
	p2 =	slt.u32 s8, $0xFFFFF086  }
0x1c: {  	p1 =	slt.u32 s9, $0xF7A;
	s5 =	simm.s32 @!p2 $0x0  }
0x1d: {  	s5 =	simm.s32 @p1 $0x1;
	p0 =	seq.s32 s7, s2  }
0x1e: {  	s7 =	smul.u32 @!p0 $0xF7A, s2;
	p2 =	seq.s32 @!p0 s5, $0x0  }
0x1f: {  	s9 =	smul.u32 $0xF7A, s1;
	s8 =	simm.s32 @!p0 $0x1BF5;
	p2 =	por !p2, p0  }
0x20: {  	[sflag:s8] =	ssyncset.s32 @!p0 $0xFFFFF086;
	s6 =	sadd.s32 @!p0 s3, s7;
	s7 =	simm.s32 @!p0 $0x108  }
0x21: {  	s3 =	sadd.s32 s3, s9;
	s6 =	sadd.s32 @!p0 $0x88, s6;
	s7 =	simm.s32 @p2 $0x1082  }
0x22: {  	[simem:s7], [sflag:s8] =	dma.local @!p0 [hbm:s6], $0xF7A  }
0x23: {  	s9 =	sor.u32 $0xD0000000, s2;
	s6 =	simm.s32 $0x108;
	_ =	swait.ge @!p0 [sflag:s8], $0x0  }
0x24: {  	s3 =	sadd.s32 $0x88, s3;
	s6 =	simm.s32 @!p1 $0x1082;
	[sflag:s4] =	ssyncset.s32 $0xFFFFF086  }
0x25: {  	[simem:s6], [sflag:s4] =	dma.local [hbm:s3], $0xF7A  }
0x26: {  	[smem:$0x3F7E] =	sst s1;
	(tag) =	ssettag s2;
	_ =	strace s9  }
0x27: {  	s1 =	sld [smem:$0x3F8E]  }
0x28: {  	s2 =	sld [smem:$0x3F8F]  }
0x29: {  	s4 =	sld [smem:$0x3F91]  }
0x2a: {  	p0 =	seq.s32 s5, $0x0;
	s5 =	sld [smem:$0x3F92]  }
0x2b: {  	s6 =	sld [smem:$0x3F93]  }
0x2c: {  	s7 =	sld [smem:$0x3F94]  }
0x2d: {  	s3 =	simm.s32 $0x108;
	s8 =	sld [smem:$0x3F95]  }
0x2e: {  	s3 =	simm.s32 @!p0 $0x1082;
	s9 =	sld [smem:$0x3F96]  }
0x2f: {  	lr =	sadd.s32 s0, s3;
	s0 =	sld [smem:$0x3F8D]  }
0x30: {  	s3 =	sld [smem:$0x3F90]  }
0x31: {  	[smem:$0x3F99] =	sst s10  }
0x32: {  	s10 =	sld [smem:$0x3F97];
	_ =	sdelay $0x3  }
0x33: {  	p0 =	seq.s32 s10, $0x1;
	s10 =	sld [smem:$0x3F99];
	_ =	sdelay $0x3  }
0x34: {  	[smem:$0x3F99] =	sst s10  }
0x35: {  	s10 =	sld [smem:$0x3F98];
	_ =	sdelay $0x3  }
0x36: {  	p1 =	seq.s32 s10, $0x1;
	s10 =	sld [smem:$0x3F99];
	_ =	sdelay $0x3  }
0x37: {  	[smem:$0x3F99] =	sst s10  }
0x38: {  	s10 =	sld [smem:$0x3F9A]  }
0x39: {  	_ = 	snop;
	(pc) =	sbr.ind lr, $3  }
0x3a: {  	_ = 	snop  }
0x3b: {  	_ = 	snop  }
0x3c: {  	p2 =	seq.s32 s10, $0x1;
	s10 =	sld [smem:$0x3F99]  }
0x3d: {  	_ =	shalt  }
0x3e: {  	_ =	shalt  }
0x3f: {  	_ =	shalt  }
0x40: {  	_ =	shalt  }
0x41: {  	_ =	shalt  }
0x42: {  	_ =	shalt  }
0x43: {  	_ =	shalt  }
0x44: {  	_ =	shalt  }
0x45: {  	_ =	shalt  }
0x46: {  	_ =	shalt  }
0x47: {  	_ =	shalt  }
0x48: {  	_ =	shalt  }
0x49: {  	_ =	shalt  }
0x4a: {  	_ =	shalt  }
0x4b: {  	_ =	shalt  }
0x4c: {  	_ =	shalt  }
0x4d: {  	_ =	shalt  }
0x4e: {  	_ =	shalt  }
0x4f: {  	_ =	shalt  }
0x50: {  	_ =	shalt  }
0x51: {  	_ =	shalt  }
0x52: {  	_ =	shalt  }
0x53: {  	_ =	shalt  }
0x54: {  	_ =	shalt  }
0x55: {  	_ =	shalt  }
0x56: {  	_ =	shalt  }
0x57: {  	_ =	shalt  }
0x58: {  	_ =	shalt  }
0x59: {  	_ =	shalt  }
0x5a: {  	_ =	shalt  }
0x5b: {  	_ =	shalt  }
0x5c: {  	_ =	shalt  }
0x5d: {  	_ =	shalt  }
0x5e: {  	_ =	shalt  }
0x5f: {  	_ =	shalt  }
0x60: {  	_ =	shalt  }
0x61: {  	_ =	shalt  }
0x62: {  	_ =	shalt  }
0x63: {  	_ =	shalt  }
0x64: {  	_ =	shalt  }
0x65: {  	_ =	shalt  }
0x66: {  	_ =	shalt  }
0x67: {  	_ =	shalt  }
0x68: {  	_ =	shalt  }
0x69: {  	_ =	shalt  }
0x6a: {  	_ =	shalt  }
0x6b: {  	_ =	shalt  }
0x6c: {  	_ =	shalt  }
0x6d: {  	_ =	shalt  }
0x6e: {  	_ =	shalt  }
0x6f: {  	_ =	shalt  }
0x70: {  	_ =	shalt  }
0x71: {  	_ =	shalt  }
0x72: {  	_ =	shalt  }
0x73: {  	_ =	shalt  }
0x74: {  	_ =	shalt  }
0x75: {  	_ =	shalt  }
0x76: {  	_ =	shalt  }
0x77: {  	_ =	shalt  }
0x78: {  	_ =	shalt  }
0x79: {  	_ =	shalt  }
0x7a: {  	_ =	shalt  }
0x7b: {  	_ =	shalt  }
0x7c: {  	_ =	shalt  }
0x7d: {  	_ =	shalt  }
0x7e: {  	_ =	shalt  }
0x7f: {  	_ =	shalt  }
0x80: {  	_ =	shalt  }
0x81: {  	_ =	shalt  }
0x82: {  	_ =	shalt  }
0x83: {  	_ =	shalt  }
0x84: {  	_ =	shalt  }
0x85: {  	_ =	shalt  }
0x86: {  	_ =	shalt  }
0x87: {  	_ =	shalt  }
.Lfunc_end0:
.L_simem_size_0:
called_computation.3_lowered:
.L_overlay_start_0:
0x88: {  	s2 =	sld [smem:$0x3FD9]  }
0x89: {  	s3 =	sld [smem:$0x3FFE];
	_ =	sdelay $0x1  }
0x8a: {  	s1 =	srdreg.scid  }
0x8b: {  	s0 =	sand.u32 $0x1, s1  }
0x8c: {  	s16 =	sshll.u32 s0, $0xA;
	s2 =	sadd.s32 s3, s2  }
0x8d: {  	s2 =	sadd.s32 s2, s16  }
0x8e: {  	[smem:$0x3FA5] =	sst s2  }
0x8f: {  	_ = 	snop  }
0x90: {  	(tm) =	ssettm $0x1  }
0x91: {  	s17 =	sld [smem:$0x3FFB];
	_ =	sdelay $0x3  }
0x92: {  	_ =	strace s17  }
0x93: {  	s2 =	sld [smem:$0x3FFC];
	_ =	sdelay $0x3  }
0x94: {  	_ =	strace s2  }
0x95: {  	s2 =	sld [smem:$0x3FFD];
	_ =	sdelay $0x3  }
0x96: {  	_ =	strace s2  }
0x97: {  	_ =	strace $0x8FFFFFFF  }
0x98: {  	s18 =	sld [smem:$0x3FDB];
	_ =	sdelay $0x1  }
0x99: {  	s19 =	simm.s32 $_scs_section_size  }
0x9a: {  	s4 =	simm.s32 $_size__tile_overlayer_lowered;
	s5 =	simm.s32 $_tile_overlayer_lowered  }
0x9b: {  	s22 =	simm.s32 $0x1BFF;
	s21 =	sshll.u32 s5, $0x1;
	s2 =	sadd.s32 s19, s18  }
0x9c: {  	s6 =	simm.s32 $0x0;
	s20 =	sshll.u32 s4, $0x1;
	s4 =	sadd.s32 s21, s2  }
0x9d: {  	[timem:s6], [sflag:s22] =	dma.local [hbm:s4], s20  }
0x9e: {  	_ =	swait.ge [sflag:s22], s20  }
0x9f: {  	s3 =	ssub.s32 $0x0, s20;
	[sflag:s22] =	ssyncset.done $0x0  }
0xa0: {  	[sflag:s22] =	ssyncadd.s32 s3;
	_ =	sdelay $0x1  }
0xa1: {  	s23 =	simm.s32 $0x1B8B  }
0xa2: {  	_ =	swait.ge [sflag:s23], $0x1  }
0xa3: {  	[sflag:s23] =	ssyncset.done $0x0  }
0xa4: {  	s25 =	simm.s32 $0x1B8E;
	s24 =	sld [smem:$0x3FFE];
	[sflag:s23] =	ssyncadd.s32 $0xFFFFFFFF  }
0xa5: {  	s26 =	simm.s32 $execute0_lowered;
	[smem:$0x3FD2] =	sst s25  }
0xa6: {  	s4 =	sshll.u32 s26, $0x1;
	_ =	strace $0x8000004F;
	[dreg:$0x1] =	wrdreg $0xFFFFFFFF  }
0xa7: {  	s28 =	simm.s32 $_size_execute0_lowered;
	s2 =	sadd.s32 s2, s4;
	[dreg:$0x0] =	wrdreg $0x0  }
0xa8: {  	s4 =	sshll.u32 s28, $0x1;
	[dreg:$0x2] =	wrdreg s2  }
0xa9: {  	[dreg:$0x3] =	wrdreg s4  }
0xaa: {  	[dreg:$0x4] =	wrdreg $0xC0  }
0xab: {  	_ =	task [dreg:s6], $0x5FFFF  }
0xac: {  	[dreg:$0x1] =	wrdreg $0xFFFFFFFF  }
0xad: {  	[dreg:$0x0] =	wrdreg $0x60  }
0xae: {  	[dreg:$0x2] =	wrdreg s24  }
0xaf: {  	[dreg:$0x3] =	wrdreg $0xA0000  }
0xb0: {  	[dreg:$0x4] =	wrdreg $0x9  }
0xb1: {  	_ =	task.clear_ibuf [dreg:s6], $0x5FFFF;
	_ =	strace $0x9000004F  }
0xb2: {  	s29 =	simm.s32 $0x9;
	_ =	strace $0x80000051  }
0xb3: {  	_ =	swait.ge [sflag:s29], $0x1  }
0xb4: {  	[sflag:s29] =	ssyncadd.s32 $0xFFFFFFFF  }
0xb5: {  	_ =	strace $0x90000051  }
0xb6: {  	_ =	sfence  }
0xb7: {  	s30 =	sld [smem:$0x0];
	_ =	sdelay $0x2  }
0xb8: {  	s31 =	sshll.u32 s1, $0xD;
	s1 =	sshrl.u32 s1, $0x2  }
0xb9: {  	s3 =	sand.u32 $0x4000, s31;
	s1 =	sadd.s32 s1, s30  }
0xba: {  	s0 =	sor.u32 s3, s0;
	s1 =	sshll.u32 s1, $0x11  }
0xbb: {  	s0 =	sor.u32 s1, s0  }
0xbc: {  	s0 =	sadd.s32 $0x8F2B, s0  }
0xbd: {  	[sflag:s0] =	ssyncadd.remote.s32 $0x1  }
0xbe: {  	_ =	sfence.sel $0xFFFF  }
0xbf: {  	[dreg:$0x0] =	wrdreg $0xFFFFFFFF;
	(pc) =	sbr.abs _section_cstart, $3  }
0xc0: {  	[dreg:$0x1] =	wrdreg $0xFFFFFFFF  }
0xc1: {  	_ =	task.clear_ibuf [dreg:s6], $0x2FFFF;
	_ =	strace $0x9FFFFFFF  }
0xc2: {  	(tm) =	ssettm $0x7FFFFFFF  }
0xc3: {  	_ =	shalt  }
tec
execute0_lowered:
.L_overlay_start_1:
0x0: {  	(tag) =	ssettag $0x1  }
0x1: {  	s0 =	rddreg [dreg:$0x0]  }
0x2: {  	s2 =	rddreg [dreg:$0x1]  }
0x3: {  	s3 =	simm.s32 $0x0;
	s1 =	stileid.u32;
	s4 =	srdreg.scid  }
0x4: {  	s16 =	simm.s32 $0x64;
	s17 =	simm.s32 $0x3800;
	s18 =	simm.s32 $0x80  }
0x5: {  	s19 =	simm.s32 $0x6C00;
	s22 =	simm.s32 $0x1;
	s23 =	simm.s32 $0x2  }
0x6: {  	s28 =	simm.s32 $0x3480;
	s29 =	simm.s32 $0x0;
	[smem:$0x7FF] =	sst s3  }
0x7: {  	s8 =	smul.u32 $0x14000, s1;
	s9 =	sand.u32 $0x1, s4;
	s4 =	sadd.s32 $0xC5800, s0  }
0x8: {  	s5 =	sadd.s32 $0xA9800, s0;
	s13 =	smul.u32 $0x50000, s1;
	s31 =	sshll.u32 s1, $0x6  }
0x9: {  	_ =	strace $0x80000050;
	s6 =	sshll.u32 s9, $0x4;
	s10 =	smul.u32 $0x140000, s9  }
0xa: {  	s9 =	ssub.s32 $0x2, s9;
	s20 =	sor.u32 $0x1C05, s31;
	s7 =	sshrl.u32 s8, $0x3  }
0xb: {  	s11 =	sor.u32 s1, s6;
	s6 =	sadd.s32 $0x9B800, s0;
	s24 =	sshrl.u32 s9, $0x1  }
0xc: {  	s30 =	sshrl.u32 s13, $0x2;
	s12 =	sadd.s32 s7, s0;
	s7 =	smul.u32 $0x7000, s11  }
0xd: {  	s10 =	sadd.s32 s8, s10;
	s8 =	smul.u32 $0x7000, s1;
	s14 =	ssub.s32 s9, s24  }
0xe: {  	s21 =	sadd.s32 s30, s2;
	s24 =	simm.s32 $0x3;
	s10 =	sshrl.u32 s10, $0x3  }
0xf: {  	s11 =	sadd.s32 $0x23800, s12;
	s13 =	smax.u32 s14, $0x1;
	s14 =	simm.s32 $0x5  }
0x10: {  	s21 =	sshrl.u32 s21, $0x3;
	s25 =	sshrl.u32 s7, $0x3;
	s26 =	sshrl.u32 s8, $0x3  }
0x11: {  	s0 =	sadd.s32 s10, s0;
	s9 =	sadd.s32 s5, s25;
	s10 =	sadd.s32 s6, s26  }
0x12: {  	s12 =	sadd.s32 $0x113A00, s0;
	s25 =	simm.s32 $0x4;
	s26 =	simm.s32 $0x3400  }
.LBB2_1:
0x13: {  	[tilespmem:s3], [sflag:$0x5] =	stream.linear.gather [hbm4b:s9+s3], $0x1900, $0x38;
	[tilespmem:$0x1E000] =	vst v63  }
0x14: {  	_ =	swait.ge [sflag:s14], $0x1900  }
0x15: {  	[sflag:s14] =	ssyncset.done $0x0  }
0x16: {  	s0 =	simm.s32 $0x1C00;
	[sflag:s14] =	ssyncadd.s32 $0xFFFFE700  }
0x17: {  	[tilespmem:s0], [sflag:$0x5] =	stream.linear.gather [hbm4b:s10+s3], $0x1900, $0x38;
	[tilespmem:$0x1E000] =	vst v63  }
0x18: {  	_ =	swait.ge [sflag:s14], $0x1900  }
0x19: {  	[sflag:s14] =	ssyncset.done $0x0  }
0x1a: {  	[sflag:s14] =	ssyncadd.s32 $0xFFFFE700  }
0x1b: {  	[tilespmem:s17], [sflag:$0x1] =	stream.indirect.gather [hbm4b:s4+s16], $0x80, s3, s16, $0xb8;
	[tilespmem:$0x1E000] =	vst v63  }
0x1c: {  	_ = 	snop  }
0x1d: {  	[tilespmem:s19], [sflag:$0x2] =	stream.indirect.gather [hbm4b:s4+s16], $0x80, s18, s16, $0xb8;
	[tilespmem:$0x1E000] =	vst v63  }
0x1e: {  	[spmem:s21], [sflag:s20] =	dma.local [hbm:s11], $0x2800  }
0x1f: {  	_ =	swait.ge [sflag:s14], $0x2800  }
0x20: {  	[sflag:s14] =	ssyncset.done $0x0  }
0x21: {  	[sflag:s14] =	ssyncadd.s32 $0xFFFFD800  }
0x22: {  	s30 =	simm.s32 $0x0;
	[bflag:$0x0] =	sbarrier.arrive $0xFFFF  }
.LBB2_2:
0x23: {  	p0 =	seq.s32 s30, $0x0  }
0x24: {  	s0 =	smul.u32 @!p0 $0x1C00, s30;
	_ =	sdelay $0x1  }
0x25: {  	s31 =	sadd.s32 @!p0 s7, s0  }
0x26: {  	s31 =	sshrl.u32 @!p0 s31, $0x3  }
0x27: {  	s1 =	simm.s32 @!p0 $0x0;
	s31 =	sadd.s32 @!p0 s5, s31  }
0x28: {  	[tilespmem:s1], [sflag:$0x5] =	stream.linear.gather @!p0 [hbm4b:s31+s1], $0x1900, $0x38;
	[tilespmem:$0x1E000] =	vst v63  }
0x29: {  	s31 =	simm.s32 @!p0 $0x5  }
0x2a: {  	s0 =	sadd.s32 @!p0 s8, s0;
	_ =	swait.ge @!p0 [sflag:s31], $0x1900  }
0x2b: {  	s0 =	sshrl.u32 @!p0 s0, $0x3;
	[sflag:s31] =	ssyncset.done @!p0 $0x0  }
0x2c: {  	s15 =	simm.s32 @!p0 $0x1C00;
	s0 =	sadd.s32 @!p0 s6, s0;
	[sflag:s31] =	ssyncadd.s32 @!p0 $0xFFFFE700  }
0x2d: {  	[tilespmem:s15], [sflag:$0x5] =	stream.linear.gather @!p0 [hbm4b:s0+s1], $0x1900, $0x38;
	[tilespmem:$0x1E000] =	vst v63  }
0x2e: {  	_ =	swait.ge @!p0 [sflag:s31], $0x1900  }
0x2f: {  	[sflag:s31] =	ssyncset.done @!p0 $0x0  }
0x30: {  	s0 =	simm.s32 @!p0 $0x64;
	s15 =	simm.s32 @!p0 $0x3800;
	[sflag:s31] =	ssyncadd.s32 @!p0 $0xFFFFE700  }
0x31: {  	[tilespmem:s15], [sflag:$0x1] =	stream.indirect.gather @!p0 [hbm4b:s4+s0], $0x80, s1, s0, $0xb8;
	[tilespmem:$0x1E000] =	vst v63  }
0x32: {  	s1 =	simm.s32 @!p0 $0x80;
	s15 =	simm.s32 @!p0 $0x6C00  }
0x33: {  	[tilespmem:s15], [sflag:$0x2] =	stream.indirect.gather @!p0 [hbm4b:s4+s0], $0x80, s1, s0, $0xb8;
	[tilespmem:$0x1E000] =	vst v63  }
0x34: {  	_ =	swait.ge [sflag:s22], $0x3200  }
0x35: {  	[sflag:s22] =	ssyncset.done $0x0  }
0x36: {  	s15 =	simm.s32 $0x1C00;
	[sflag:s22] =	ssyncadd.s32 $0xFFFFCE00  }
0x37: {  	[spmem:s2] =	stream.indirect.scatter.add.f32 [tilespmem:s17], [sflag:$0x3], $0x80, s15, s16, $0xb8;
	[tilespmem:$0x1E000] =	vst v63  }
0x38: {  	_ =	swait.ge [sflag:s23], $0x3200  }
0x39: {  	[sflag:s23] =	ssyncset.done $0x0  }
0x3a: {  	s1 =	simm.s32 $0x1C80;
	[sflag:s23] =	ssyncadd.s32 $0xFFFFCE00  }
0x3b: {  	[spmem:s2] =	stream.indirect.scatter.add.f32 [tilespmem:s19], [sflag:$0x4], $0x80, s1, s16, $0xb8;
	[tilespmem:$0x1E000] =	vst v63  }
0x3c: {  	_ =	swait.ge [sflag:s24], $0x3200  }
0x3d: {  	[sflag:s24] =	ssyncset.done $0x0  }
0x3e: {  	s15 =	simm.s32 $0x100;
	[sflag:s24] =	ssyncadd.s32 $0xFFFFCE00  }
0x3f: {  	[tilespmem:s17], [sflag:$0x1] =	stream.indirect.gather [hbm4b:s4+s16], $0x80, s15, s16, $0xb8;
	[tilespmem:$0x1E000] =	vst v63  }
0x40: {  	_ =	swait.ge [sflag:s25], $0x3200  }
0x41: {  	[sflag:s25] =	ssyncset.done $0x0  }
0x42: {  	s31 =	simm.s32 $0x400;
	s0 =	simm.s32 $0x180;
	[sflag:s25] =	ssyncadd.s32 $0xFFFFCE00  }
.LBB2_3:
0x43: {  	[tilespmem:s19], [sflag:$0x2] =	stream.indirect.gather [hbm4b:s4+s16], $0x80, s0, s16, $0xb8;
	[tilespmem:$0x1E000] =	vst v63  }
0x44: {  	s0 =	smov.u32 s31  }
0x45: {  	p0 =	sne.s32 s31, $0x5C00;
	s31 =	sadd.s32 $0x400, s31;
	_ =	swait.ge [sflag:s22], $0x3200  }
0x46: {  	s0 =	sshra.s32 s0, $0x2;
	[sflag:s22] =	ssyncset.done $0x0  }
0x47: {  	s1 =	sadd.s32 $0x1C00, s0;
	[sflag:s22] =	ssyncadd.s32 $0xFFFFCE00  }
0x48: {  	[spmem:s2] =	stream.indirect.scatter.add.f32 [tilespmem:s17], [sflag:$0x3], $0x80, s1, s16, $0xb8;
	[tilespmem:$0x1E000] =	vst v63  }
0x49: {  	_ =	swait.ge [sflag:s23], $0x3200  }
0x4a: {  	[sflag:s23] =	ssyncset.done $0x0  }
0x4b: {  	s1 =	sadd.s32 $0x1C80, s0;
	[sflag:s23] =	ssyncadd.s32 $0xFFFFCE00  }
0x4c: {  	[spmem:s2] =	stream.indirect.scatter.add.f32 [tilespmem:s19], [sflag:$0x4], $0x80, s1, s16, $0xb8;
	[tilespmem:$0x1E000] =	vst v63  }
0x4d: {  	_ =	swait.ge [sflag:s24], $0x3200  }
0x4e: {  	[sflag:s24] =	ssyncset.done $0x0  }
.Ltmp0:
0x4f: {  	s1 =	sadd.s32 $0x100, s0;
	[sflag:s24] =	ssyncadd.s32 $0xFFFFCE00;
	(pc) =	sbr.rel @p0 .LBB2_3-.Ltmp0, $4  }
0x50: {  	[tilespmem:s17], [sflag:$0x1] =	stream.indirect.gather [hbm4b:s4+s16], $0x80, s1, s16, $0xb8;
	[tilespmem:$0x1E000] =	vst v63  }
0x51: {  	_ =	swait.ge [sflag:s25], $0x3200  }
0x52: {  	[sflag:s25] =	ssyncset.done $0x0  }
0x53: {  	s0 =	sadd.s32 $0x180, s0;
	[sflag:s25] =	ssyncadd.s32 $0xFFFFCE00  }
0x54: {  	[tilespmem:s19], [sflag:$0x2] =	stream.indirect.gather [hbm4b:s4+s16], $0x80, s0, s16, $0xb8;
	[tilespmem:$0x1E000] =	vst v63  }
0x55: {  	_ =	swait.ge [sflag:s22], $0x3200  }
0x56: {  	[sflag:s22] =	ssyncset.done $0x0  }
0x57: {  	[sflag:s22] =	ssyncadd.s32 $0xFFFFCE00  }
0x58: {  	[spmem:s2] =	stream.indirect.scatter.add.f32 [tilespmem:s17], [sflag:$0x3], $0x80, s26, s16, $0xb8;
	[tilespmem:$0x1E000] =	vst v63  }
0x59: {  	_ =	swait.ge [sflag:s23], $0x3200  }
0x5a: {  	[sflag:s23] =	ssyncset.done $0x0  }
0x5b: {  	s30 =	sadd.s32 $0x1, s30;
	[sflag:s23] =	ssyncadd.s32 $0xFFFFCE00  }
0x5c: {  	[spmem:s2] =	stream.indirect.scatter.add.f32 [tilespmem:s19], [sflag:$0x4], $0x80, s28, s16, $0xb8;
	[tilespmem:$0x1E000] =	vst v63  }
0x5d: {  	p0 =	sne.s32 s30, $0x4;
	_ =	swait.ge [sflag:s24], $0x3200  }
.Ltmp1:
0x5e: {  	[sflag:s24] =	ssyncset.done $0x0;
	(pc) =	sbr.rel @p0 .LBB2_2-.Ltmp1, $4  }
0x5f: {  	[sflag:s24] =	ssyncadd.s32 $0xFFFFCE00  }
0x60: {  	_ =	swait.ge [sflag:s25], $0x3200  }
0x61: {  	[sflag:s25] =	ssyncset.done $0x0  }
0x62: {  	[sflag:s25] =	ssyncadd.s32 $0xFFFFCE00  }
0x63: {  	s29 =	sadd.s32 $0x1, s29  }
0x64: {  	p0 =	sne.s32 s29, s13  }
.Ltmp2:
0x65: {  	[bflag:$0x0] =	sbarrier.arrive $0xFFFF;
	(pc) =	sbr.rel @p0 .LBB2_1-.Ltmp2, $4  }
0x66: {  	[hbm:s12], [sflag:s20] =	dma.local [spmem:s21], $0x2800  }
0x67: {  	_ =	swait.ge [sflag:s14], $0x2800  }
0x68: {  	[sflag:s14] =	ssyncset.done $0x0  }
0x69: {  	[sflag:s14] =	ssyncadd.s32 $0xFFFFD800  }
0x6a: {  	_ =	sfence.sel $0x180000  }
0x6b: {  	[bflag:$0x0] =	sbarrier.arrive $0xFFFF  }
0x6c: {  	_ =	strace $0x90000050  }
0x6d: {  	s0 =	stileid.u32;
	[bflag:$0x2] =	sbarrier.arrive $0xFFFF  }
0x6e: {  	p0 =	sne.s32 s0, $0x0;
	s0 =	rddreg [dreg:$0x2]  }
0x6f: {  	s0 =	sadd.s32 @!p0 $0x100000, s0  }
0x70: {  	[sflag:s0] =	ssyncadd.tile.s32 @!p0 $0x1;
	_ =	shalt  }
.Lfunc_end2:
_tile_overlayer_lowered:
.L_overlay_start_2:
0x71: {  	(tag) =	ssettag $0x2  }
0x72: {  	s0 =	rddreg [dreg:$0x0];
	s2 =	stileid.u32  }
0x73: {  	s1 =	rddreg [dreg:$0x1];
	p0 =	sne.s32 s2, $0x0  }
0x74: {  	s3 =	rddreg [dreg:$0x2];
	[bflag:$0x3] =	sbarrier.arrive $0xFFFF;
	s2 =	simm.s32 @!p0 $0x1C05  }
0x75: {  	[timem:s3], [sflag:s2] =	dma.local @!p0 [hbm:s0], s1  }
0x76: {  	s0 =	simm.s32 @!p0 $0x5  }
0x77: {  	_ =	swait.ge @!p0 [sflag:s0], s1  }
0x78: {  	s1 =	ssub.s32 @!p0 $0x0, s1;
	[sflag:s0] =	ssyncset.done @!p0 $0x0  }
0x79: {  	[sflag:s0] =	ssyncadd.s32 @!p0 s1  }
0x7a: {  	[bflag:$0x3] =	sbarrier.arrive $0xFFFF  }
0x7b: {  	_ =	shalt  }

</sc_bundles>
